<compile_context>
chip_gen: v7x
topology: tpu7x:2x2x1
jax: 0.10.2.dev20260603
libtpu: 0.0.44.dev20260713+nightly
codegen_flags: <defaults>
</compile_context>

<pallas_src>
import functools

import jax
import jax.numpy as jnp
from jax import lax
from jax.experimental import pallas as pl
from jax.experimental.pallas import tpu as pltpu
from jax.experimental.pallas import tpu_sc as plsc

B = 4096
S = 200
D = 64
N = B * S
NW = 32
SH = S // 8
CHUNK = 1024
SUB = 128
NSUB = CHUNK // SUB
GROUPS = SUB // 16

_mesh = plsc.VectorSubcoreMesh(core_axis_name="c", subcore_axis_name="s")


_TW = 2048


def _tc_repack_block(x_ref, o_ref):
    o_ref[:, 0:D] = x_ref[...].T


def _tc_repack(t64):
    grid = (1000000 + _TW - 1) // _TW
    return pl.pallas_call(
        _tc_repack_block,
        grid=(grid,),
        in_specs=[pl.BlockSpec((D, _TW), lambda i: (0, i))],
        out_specs=pl.BlockSpec((_TW, 2 * D), lambda i: (i, 0)),
        out_shape=jax.ShapeDtypeStruct((1000000, 2 * D), jnp.float32),
    )(t64)


def _sqrt1p(a):
    x = 1.0 + a
    i = lax.bitcast_convert_type(x, jnp.int32)
    i = 0x5F3759DF - lax.shift_right_arithmetic(i, 1)
    r = lax.bitcast_convert_type(i, jnp.float32)
    hx = 0.5 * x
    r = r * (1.5 - hx * r * r)
    r = r * (1.5 - hx * r * r)
    r = r * (1.5 - hx * r * r)
    return x * r


@functools.partial(
    pl.kernel,
    mesh=_mesh,
    out_type=jax.ShapeDtypeStruct((D + 1, S, B), jnp.float32),
    scratch_types=[
        pltpu.VMEM((16, CHUNK), jnp.int32),
        pltpu.VMEM((SUB, 2 * D), jnp.float32),
        pltpu.VMEM((SUB, 2 * D), jnp.float32),
        pltpu.VMEM((D + 1, 8, SUB), jnp.float32),
        pltpu.VMEM((SUB,), jnp.float32),
        pltpu.SemaphoreType.DMA,
        pltpu.SemaphoreType.DMA,
    ],
    compiler_params=pltpu.CompilerParams(needs_layout_passes=False),
)
def _hembed(table2_hbm, idx_hbm, out_hbm, idx_v, rows_a, rows_b,
            seg_v, acc_v, gsem, osem):
    wid = lax.axis_index("s") * 2 + lax.axis_index("c")
    lane = lax.iota(jnp.int32, 16)

    pltpu.sync_copy(idx_hbm.at[wid, pl.ds(0, 16), :], idx_v)

    def out_slice(sh):
        return out_hbm.at[:, pl.ds(sh * 8, 8), pl.ds(wid * SUB, SUB)]

    def chunk_body(sh, carry):
        @pl.when(sh == 16)
        def _():
            pltpu.sync_copy(idx_hbm.at[wid, pl.ds(16, 16), :], idx_v)

        srow = jnp.bitwise_and(sh, 15)
        bufs = (rows_a, rows_b)
        cps = [None, None]
        cps[0] = pltpu.async_copy(
            table2_hbm.at[idx_v.at[srow, pl.ds(0, SUB)]], bufs[0], gsem
        )
        @pl.when(sh > 0)
        def _():
            pltpu.make_async_copy(seg_v, out_slice(sh), osem).wait()

        for s8 in range(NSUB):
            cur = bufs[s8 % 2]
            cps[s8 % 2].wait()
            if s8 + 1 < NSUB:
                cps[(s8 + 1) % 2] = pltpu.async_copy(
                    table2_hbm.at[idx_v.at[srow, pl.ds((s8 + 1) * SUB, SUB)]],
                    bufs[(s8 + 1) % 2],
                    gsem,
                )

            zero = jnp.zeros((16,), jnp.float32)

            def group_body(g, carry2, cur=cur, s8=s8):
                rvec = g * 16 + lane

                @plsc.parallel_loop(
                    0, D, 4, unroll=2, carry=(zero, zero, zero, zero)
                )
                def accs(c, carry3):
                    a0, a1, a2, a3 = carry3
                    v0 = plsc.load_gather(cur, [rvec, lane * 0 + c])
                    v1 = plsc.load_gather(cur, [rvec, lane * 0 + (c + 1)])
                    v2 = plsc.load_gather(cur, [rvec, lane * 0 + (c + 2)])
                    v3 = plsc.load_gather(cur, [rvec, lane * 0 + (c + 3)])
                    seg_v[c + 1, s8, pl.ds(g * 16, 16)] = v0
                    seg_v[c + 2, s8, pl.ds(g * 16, 16)] = v1
                    seg_v[c + 3, s8, pl.ds(g * 16, 16)] = v2
                    seg_v[c + 4, s8, pl.ds(g * 16, 16)] = v3
                    return (a0 + v0 * v0, a1 + v1 * v1,
                            a2 + v2 * v2, a3 + v3 * v3)

                acc_v[pl.ds(g * 16, 16)] = (
                    (accs[0] + accs[1]) + (accs[2] + accs[3])
                )
                return carry2

            lax.fori_loop(0, GROUPS, group_body, 0)

            @plsc.parallel_loop(0, GROUPS, 1, unroll=2)
            def _(g, s8=s8):
                t = _sqrt1p(acc_v[pl.ds(g * 16, 16)])
                seg_v[0, s8, pl.ds(g * 16, 16)] = t

        pltpu.async_copy(seg_v, out_slice(sh), osem)
        return carry

    lax.fori_loop(0, SH, chunk_body, 0)
    pltpu.make_async_copy(seg_v, out_slice(SH - 1), osem).wait()


def kernel(x, table):
    xf = (
        x.T.reshape(SH, 8, B // 128, 128)
        .transpose(0, 2, 1, 3)
        .reshape(SH, NW, CHUNK)
        .transpose(1, 0, 2)
    )
    xf = jnp.pad(xf, ((0, 0), (0, 32 - SH), (0, 0)))
    table2 = _tc_repack(table.T)
    out = _hembed(table2, xf)
    return out.transpose(2, 1, 0)

# --- scband reference (transcript-rebuilt; emitter-appended) ---
"""Pipeline reference for scband-hembedding-30399778521450 (READ-ONLY COPY).

The authoritative reference and input builder live on the scoring server;
editing this copy changes nothing except your own understanding.
"""

import jax, jax.numpy as jnp
import numpy as np

VOCAB = 1000000
EMBED_DIM = 64
BATCH = 4096
SEQ_LEN = 200


def setup_inputs(seed: int = 0) -> dict:
    key = jax.random.key(seed)
    k1, k2 = jax.random.split(key)
    x = jax.random.randint(k1, (BATCH, SEQ_LEN), 0, VOCAB, dtype=jnp.int32)
    table = jax.random.normal(k2, (VOCAB, EMBED_DIM), dtype=jnp.float32) * 0.02
    return {"x": x, "table": table}


def reference(x, table):
    # impl == 'naive': Euclidean embedding lookup, then project onto the
    # Lorentz hyperboloid (curvature c=1): treat the embedding as spatial
    # coordinates and compute time = sqrt(1/c + ||space||^2).
    space = jnp.take(table, x, axis=0)  # (B, S, D) gather
    sq_norm = jnp.sum(space * space, axis=-1, keepdims=True)
    time = jnp.sqrt(1.0 + sq_norm)
    hyperbolic_points = jnp.concatenate([time, space], axis=-1)  # (B, S, D+1)
    return hyperbolic_points

if __name__ == "__main__":
    import jax
    _d = setup_inputs()
    print(jax.jit(kernel)(*tuple(_d.values())))

</pallas_src>

<mosaic_0001>
#map = affine_map<(d0, d1) -> (0, 0)>
#map1 = affine_map<(d0, d1) -> (0, 0, 0)>
module attributes {stable_mosaic.version = 14 : i64} {
  func.func @_hembed(%arg0: i32, %arg1: i32, %arg2: memref<1000000x128xf32, #tpu.memory_space<hbm>>, %arg3: memref<32x32x1024xi32, #tpu.memory_space<hbm>>, %arg4: memref<65x200x4096xf32, #tpu.memory_space<hbm>>, %arg5: memref<16x1024xi32, #tpu.memory_space<vmem>>, %arg6: memref<128x128xf32, #tpu.memory_space<vmem>>, %arg7: memref<128x128xf32, #tpu.memory_space<vmem>>, %arg8: memref<65x8x128xf32, #tpu.memory_space<vmem>>, %arg9: memref<128xf32, #tpu.memory_space<vmem>>, %arg10: memref<!tpu.dma_semaphore, #tpu.memory_space<semaphore_mem>>, %arg11: memref<!tpu.dma_semaphore, #tpu.memory_space<semaphore_mem>>) attributes {dimension_semantics = [#tpu.dimension_semantics<core_parallel>, #tpu.dimension_semantics<subcore_parallel>], iteration_bounds = array<i64: 2, 16>, scalar_prefetch = 0 : i64, scratch_operands = 7 : i64, tpu.core_type = #tpu.core_type<sc_vector_subcore>, window_params = [{transform_indices = #map}, {transform_indices = #map1}, {transform_indices = #map1}]} {
    %mul3A = arith.constant 2 : i32
    %mul3A_0 = arith.muli %arg1, %mul3A : i32
    %add3A = arith.addi %mul3A_0, %arg0 : i32
    %iota3A = tpu.iota {dimensions = array<i32: 0>} : vector<16xi32>
    "tpu.region"() ({
      %run_scoped3A = tpu.sem_alloc : memref<!tpu.dma_semaphore, #tpu.memory_space<semaphore_mem>>
      %dma_start3A = arith.constant 0 : i32
      %dma_start3A_13 = arith.constant 0 : i32
      %dma_start3A_14 = tpu.memref_slice %arg3[%add3A, %dma_start3A, %dma_start3A_13] : memref<32x32x1024xi32, #tpu.memory_space<hbm>> -> memref<1x16x1024xi32, #tpu.memory_space<hbm>>
      %dma_start3A_15 = tpu.memref_squeeze %dma_start3A_14 : memref<1x16x1024xi32, #tpu.memory_space<hbm>> -> memref<16x1024xi32, #tpu.memory_space<hbm>>
      %dma_start3A_16 = arith.constant 0 : i32
      %dma_start3A_17 = arith.constant 0 : i32
      %dma_start3A_18 = tpu.memref_slice %arg3[%add3A, %dma_start3A_16, %dma_start3A_17] : memref<32x32x1024xi32, #tpu.memory_space<hbm>> -> memref<1x16x1024xi32, #tpu.memory_space<hbm>>
      %dma_start3A_19 = tpu.memref_squeeze %dma_start3A_18 : memref<1x16x1024xi32, #tpu.memory_space<hbm>> -> memref<16x1024xi32, #tpu.memory_space<hbm>>
      tpu.enqueue_dma source(%dma_start3A_19 : memref<16x1024xi32, #tpu.memory_space<hbm>>) target(%arg5 : memref<16x1024xi32, #tpu.memory_space<vmem>>) target_semaphore(%run_scoped3A : memref<!tpu.dma_semaphore, #tpu.memory_space<semaphore_mem>>)
      %dma_wait3A_20 = arith.constant 0 : i32
      %dma_wait3A_21 = arith.constant 0 : i32
      %dma_wait3A_22 = tpu.memref_slice %arg3[%add3A, %dma_wait3A_20, %dma_wait3A_21] : memref<32x32x1024xi32, #tpu.memory_space<hbm>> -> memref<1x16x1024xi32, #tpu.memory_space<hbm>>
      %dma_wait3A_23 = tpu.memref_squeeze %dma_wait3A_22 : memref<1x16x1024xi32, #tpu.memory_space<hbm>> -> memref<16x1024xi32, #tpu.memory_space<hbm>>
      %dma_wait3A_24 = arith.constant 0 : i32
      %dma_wait3A_25 = arith.constant 0 : i32
      %dma_wait3A_26 = tpu.memref_slice %arg3[%add3A, %dma_wait3A_24, %dma_wait3A_25] : memref<32x32x1024xi32, #tpu.memory_space<hbm>> -> memref<1x16x1024xi32, #tpu.memory_space<hbm>>
      %dma_wait3A_27 = tpu.memref_squeeze %dma_wait3A_26 : memref<1x16x1024xi32, #tpu.memory_space<hbm>> -> memref<16x1024xi32, #tpu.memory_space<hbm>>
      tpu.wait_dma2 semaphore(%run_scoped3A : memref<!tpu.dma_semaphore, #tpu.memory_space<semaphore_mem>>) src(%dma_wait3A_27 : memref<16x1024xi32, #tpu.memory_space<hbm>>) dst(%arg5 : memref<16x1024xi32, #tpu.memory_space<vmem>>)
      tpu.yield
    }) : () -> ()
    %scan3A = arith.constant 0 : i32
    %scan3A_1 = arith.constant 0 : i32
    %scan3A_2 = arith.constant 25 : i32
    %scan3A_3 = arith.addi %scan3A_1, %scan3A_2 : i32
    %scan3A_4 = arith.constant 1 : i32
    scf.for %scan3A_13 = %scan3A_1 to %scan3A_3 step %scan3A_4  : i32 {
      %eq3A = arith.constant 16 : i32
      %eq3A_14 = arith.cmpi eq, %scan3A_13, %eq3A : i32
      %convert_element_type3A = arith.extui %eq3A_14 : i1 to i32
      %cond3A = arith.constant 0 : i32
      %cond3A_15 = arith.cmpi ne, %convert_element_type3A, %cond3A : i32
      scf.if %cond3A_15 {
        "tpu.region"() ({
          %run_scoped3A = tpu.sem_alloc : memref<!tpu.dma_semaphore, #tpu.memory_space<semaphore_mem>>
          %dma_start3A_210 = arith.constant 16 : i32
          %dma_start3A_211 = arith.constant 0 : i32
          %dma_start3A_212 = tpu.memref_slice %arg3[%add3A, %dma_start3A_210, %dma_start3A_211] : memref<32x32x1024xi32, #tpu.memory_space<hbm>> -> memref<1x16x1024xi32, #tpu.memory_space<hbm>>
          %dma_start3A_213 = tpu.memref_squeeze %dma_start3A_212 : memref<1x16x1024xi32, #tpu.memory_space<hbm>> -> memref<16x1024xi32, #tpu.memory_space<hbm>>
          %dma_start3A_214 = arith.constant 16 : i32
          %dma_start3A_215 = arith.constant 0 : i32
          %dma_start3A_216 = tpu.memref_slice %arg3[%add3A, %dma_start3A_214, %dma_start3A_215] : memref<32x32x1024xi32, #tpu.memory_space<hbm>> -> memref<1x16x1024xi32, #tpu.memory_space<hbm>>
          %dma_start3A_217 = tpu.memref_squeeze %dma_start3A_216 : memref<1x16x1024xi32, #tpu.memory_space<hbm>> -> memref<16x1024xi32, #tpu.memory_space<hbm>>
          tpu.enqueue_dma source(%dma_start3A_217 : memref<16x1024xi32, #tpu.memory_space<hbm>>) target(%arg5 : memref<16x1024xi32, #tpu.memory_space<vmem>>) target_semaphore(%run_scoped3A : memref<!tpu.dma_semaphore, #tpu.memory_space<semaphore_mem>>)
          %dma_wait3A_218 = arith.constant 16 : i32
          %dma_wait3A_219 = arith.constant 0 : i32
          %dma_wait3A_220 = tpu.memref_slice %arg3[%add3A, %dma_wait3A_218, %dma_wait3A_219] : memref<32x32x1024xi32, #tpu.memory_space<hbm>> -> memref<1x16x1024xi32, #tpu.memory_space<hbm>>
          %dma_wait3A_221 = tpu.memref_squeeze %dma_wait3A_220 : memref<1x16x1024xi32, #tpu.memory_space<hbm>> -> memref<16x1024xi32, #tpu.memory_space<hbm>>
          %dma_wait3A_222 = arith.constant 16 : i32
          %dma_wait3A_223 = arith.constant 0 : i32
          %dma_wait3A_224 = tpu.memref_slice %arg3[%add3A, %dma_wait3A_222, %dma_wait3A_223] : memref<32x32x1024xi32, #tpu.memory_space<hbm>> -> memref<1x16x1024xi32, #tpu.memory_space<hbm>>
          %dma_wait3A_225 = tpu.memref_squeeze %dma_wait3A_224 : memref<1x16x1024xi32, #tpu.memory_space<hbm>> -> memref<16x1024xi32, #tpu.memory_space<hbm>>
          tpu.wait_dma2 semaphore(%run_scoped3A : memref<!tpu.dma_semaphore, #tpu.memory_space<semaphore_mem>>) src(%dma_wait3A_225 : memref<16x1024xi32, #tpu.memory_space<hbm>>) dst(%arg5 : memref<16x1024xi32, #tpu.memory_space<vmem>>)
          tpu.yield
        }) : () -> ()
      } else {
      }
      %and3A = arith.constant 15 : i32
      %and3A_16 = arith.andi %scan3A_13, %and3A : i32
      %dma_start3A = arith.constant 0 : i32
      %dma_start3A_17 = tpu.memref_slice %arg5[%and3A_16, %dma_start3A] : memref<16x1024xi32, #tpu.memory_space<vmem>> -> memref<1x128xi32, #tpu.memory_space<vmem>>
      %dma_start3A_18 = tpu.memref_squeeze %dma_start3A_17 : memref<1x128xi32, #tpu.memory_space<vmem>> -> memref<128xi32, #tpu.memory_space<vmem>>
      %dma_start3A_19 = arith.constant 0 : i32
      %dma_start3A_20 = arith.constant 0 : i32
      %dma_start3A_21 = tpu.memref_slice %arg2[%dma_start3A_19, %dma_start3A_20] : memref<1000000x128xf32, #tpu.memory_space<hbm>> -> memref<1000000x128xf32, #tpu.memory_space<hbm>>
      tpu.enqueue_indirect_dma source(%dma_start3A_21 : memref<1000000x128xf32, #tpu.memory_space<hbm>>) target(%arg6 : memref<128x128xf32, #tpu.memory_space<vmem>>) offsets(%dma_start3A_18 : memref<128xi32, #tpu.memory_space<vmem>>) semaphore(%arg10 : memref<!tpu.dma_semaphore, #tpu.memory_space<semaphore_mem>>)
      %gt3A = arith.constant 0 : i32
      %gt3A_22 = arith.cmpi sgt, %scan3A_13, %gt3A : i32
      %convert_element_type3A_23 = arith.extui %gt3A_22 : i1 to i32
      %cond3A_24 = arith.constant 0 : i32
      %cond3A_25 = arith.cmpi ne, %convert_element_type3A_23, %cond3A_24 : i32
      scf.if %cond3A_25 {
        %mul3A_210 = arith.constant 8 : i32
        %mul3A_211 = arith.muli %scan3A_13, %mul3A_210 : i32
        %mul3A_212 = arith.constant 128 : i32
        %mul3A_213 = arith.muli %add3A, %mul3A_212 : i32
        %dma_wait3A_214 = arith.constant 0 : i32
        %dma_wait3A_215 = tpu.memref_slice %arg4[%dma_wait3A_214, %mul3A_211, %mul3A_213] : memref<65x200x4096xf32, #tpu.memory_space<hbm>> -> memref<65x8x128xf32, #tpu.memory_space<hbm>>
        %dma_wait3A_216 = arith.constant 0 : i32
        %dma_wait3A_217 = tpu.memref_slice %arg4[%dma_wait3A_216, %mul3A_211, %mul3A_213] : memref<65x200x4096xf32, #tpu.memory_space<hbm>> -> memref<65x8x128xf32, #tpu.memory_space<hbm>>
        tpu.wait_dma2 semaphore(%arg11 : memref<!tpu.dma_semaphore, #tpu.memory_space<semaphore_mem>>) src(%arg8 : memref<65x8x128xf32, #tpu.memory_space<vmem>>) dst(%dma_wait3A_217 : memref<65x8x128xf32, #tpu.memory_space<hbm>>)
      } else {
      }
      %dma_wait3A_26 = arith.constant 0 : i32
      %dma_wait3A_27 = tpu.memref_slice %arg5[%and3A_16, %dma_wait3A_26] : memref<16x1024xi32, #tpu.memory_space<vmem>> -> memref<1x128xi32, #tpu.memory_space<vmem>>
      %dma_wait3A_28 = tpu.memref_squeeze %dma_wait3A_27 : memref<1x128xi32, #tpu.memory_space<vmem>> -> memref<128xi32, #tpu.memory_space<vmem>>
      %dma_wait3A_29 = arith.constant 0 : i32
      %dma_wait3A_30 = arith.constant 0 : i32
      %dma_wait3A_31 = tpu.memref_slice %arg2[%dma_wait3A_29, %dma_wait3A_30] : memref<1000000x128xf32, #tpu.memory_space<hbm>> -> memref<1000000x128xf32, #tpu.memory_space<hbm>>
      tpu.wait_indirect_dma semaphore(%arg10 : memref<!tpu.dma_semaphore, #tpu.memory_space<semaphore_mem>>) src(%dma_wait3A_31 : memref<1000000x128xf32, #tpu.memory_space<hbm>>) dst(%arg6 : memref<128x128xf32, #tpu.memory_space<vmem>>)
      %dma_start3A_32 = arith.constant 128 : i32
      %dma_start3A_33 = tpu.memref_slice %arg5[%and3A_16, %dma_start3A_32] : memref<16x1024xi32, #tpu.memory_space<vmem>> -> memref<1x128xi32, #tpu.memory_space<vmem>>
      %dma_start3A_34 = tpu.memref_squeeze %dma_start3A_33 : memref<1x128xi32, #tpu.memory_space<vmem>> -> memref<128xi32, #tpu.memory_space<vmem>>
      %dma_start3A_35 = arith.constant 0 : i32
      %dma_start3A_36 = arith.constant 0 : i32
      %dma_start3A_37 = tpu.memref_slice %arg2[%dma_start3A_35, %dma_start3A_36] : memref<1000000x128xf32, #tpu.memory_space<hbm>> -> memref<1000000x128xf32, #tpu.memory_space<hbm>>
      tpu.enqueue_indirect_dma source(%dma_start3A_37 : memref<1000000x128xf32, #tpu.memory_space<hbm>>) target(%arg7 : memref<128x128xf32, #tpu.memory_space<vmem>>) offsets(%dma_start3A_34 : memref<128xi32, #tpu.memory_space<vmem>>) semaphore(%arg10 : memref<!tpu.dma_semaphore, #tpu.memory_space<semaphore_mem>>)
      %broadcast_in_dim3A = arith.constant 0.000000e+00 : f32
      %broadcast_in_dim3A_38 = vector.broadcast %broadcast_in_dim3A : f32 to vector<16xf32>
      %scan3A_39 = arith.constant 0 : i32
      %scan3A_40 = arith.constant 0 : i32
      %scan3A_41 = arith.constant 8 : i32
      %scan3A_42 = arith.addi %scan3A_40, %scan3A_41 : i32
      %scan3A_43 = arith.constant 1 : i32
      scf.for %scan3A_210 = %scan3A_40 to %scan3A_42 step %scan3A_43  : i32 {
        %mul3A_211 = arith.constant 16 : i32
        %mul3A_212 = arith.muli %scan3A_210, %mul3A_211 : i32
        %add3A_213 = vector.broadcast %mul3A_212 : i32 to vector<16xi32>
        %add3A_214 = arith.addi %add3A_213, %iota3A : vector<16xi32>
        %parallel_loop3A_215 = arith.constant 0 : i32
        %parallel_loop3A_216 = arith.constant 64 : i32
        %parallel_loop3A_217 = arith.constant 4 : i32
        %parallel_loop3A_218:4 = scf.for %parallel_loop3A_225 = %parallel_loop3A_215 to %parallel_loop3A_216 step %parallel_loop3A_217 iter_args(%parallel_loop3A_226 = %broadcast_in_dim3A_38, %parallel_loop3A_227 = %broadcast_in_dim3A_38, %parallel_loop3A_228 = %broadcast_in_dim3A_38, %parallel_loop3A_229 = %broadcast_in_dim3A_38) -> (vector<16xf32>, vector<16xf32>, vector<16xf32>, vector<16xf32>)  : i32 {
          %parallel_loop3A_230 = arith.constant 0 : i32
          %parallel_loop3A_231 = vector.broadcast %parallel_loop3A_230 : i32 to vector<16xi32>
          %parallel_loop3A_232 = arith.muli %iota3A, %parallel_loop3A_231 : vector<16xi32>
          %parallel_loop3A_233 = vector.broadcast %parallel_loop3A_225 : i32 to vector<16xi32>
          %parallel_loop3A_234 = arith.addi %parallel_loop3A_232, %parallel_loop3A_233 : vector<16xi32>
          %parallel_loop3A_235 = tpu.vector_load_idx %arg6[%add3A_214, %parallel_loop3A_234] : memref<128x128xf32, #tpu.memory_space<vmem>>[vector<16xi32>, vector<16xi32>], vector<16xf32>,
          %parallel_loop3A_236 = arith.constant 0 : i32
          %parallel_loop3A_237 = vector.broadcast %parallel_loop3A_236 : i32 to vector<16xi32>
          %parallel_loop3A_238 = arith.muli %iota3A, %parallel_loop3A_237 : vector<16xi32>
          %parallel_loop3A_239 = arith.constant 1 : i32
          %parallel_loop3A_240 = arith.addi %parallel_loop3A_225, %parallel_loop3A_239 : i32
          %parallel_loop3A_241 = vector.broadcast %parallel_loop3A_240 : i32 to vector<16xi32>
          %parallel_loop3A_242 = arith.addi %parallel_loop3A_238, %parallel_loop3A_241 : vector<16xi32>
          %parallel_loop3A_243 = tpu.vector_load_idx %arg6[%add3A_214, %parallel_loop3A_242] : memref<128x128xf32, #tpu.memory_space<vmem>>[vector<16xi32>, vector<16xi32>], vector<16xf32>,
          %parallel_loop3A_244 = arith.constant 0 : i32
          %parallel_loop3A_245 = vector.broadcast %parallel_loop3A_244 : i32 to vector<16xi32>
          %parallel_loop3A_246 = arith.muli %iota3A, %parallel_loop3A_245 : vector<16xi32>
          %parallel_loop3A_247 = arith.constant 2 : i32
          %parallel_loop3A_248 = arith.addi %parallel_loop3A_225, %parallel_loop3A_247 : i32
          %parallel_loop3A_249 = vector.broadcast %parallel_loop3A_248 : i32 to vector<16xi32>
          %parallel_loop3A_250 = arith.addi %parallel_loop3A_246, %parallel_loop3A_249 : vector<16xi32>
          %parallel_loop3A_251 = tpu.vector_load_idx %arg6[%add3A_214, %parallel_loop3A_250] : memref<128x128xf32, #tpu.memory_space<vmem>>[vector<16xi32>, vector<16xi32>], vector<16xf32>,
          %parallel_loop3A_252 = arith.constant 0 : i32
          %parallel_loop3A_253 = vector.broadcast %parallel_loop3A_252 : i32 to vector<16xi32>
          %parallel_loop3A_254 = arith.muli %iota3A, %parallel_loop3A_253 : vector<16xi32>
          %parallel_loop3A_255 = arith.constant 3 : i32
          %parallel_loop3A_256 = arith.addi %parallel_loop3A_225, %parallel_loop3A_255 : i32
          %parallel_loop3A_257 = vector.broadcast %parallel_loop3A_256 : i32 to vector<16xi32>
          %parallel_loop3A_258 = arith.addi %parallel_loop3A_254, %parallel_loop3A_257 : vector<16xi32>
          %parallel_loop3A_259 = tpu.vector_load_idx %arg6[%add3A_214, %parallel_loop3A_258] : memref<128x128xf32, #tpu.memory_space<vmem>>[vector<16xi32>, vector<16xi32>], vector<16xf32>,
          %parallel_loop3A_260 = arith.constant 1 : i32
          %parallel_loop3A_261 = arith.addi %parallel_loop3A_225, %parallel_loop3A_260 : i32
          %parallel_loop3A_262 = arith.constant 16 : i32
          %parallel_loop3A_263 = arith.muli %scan3A_210, %parallel_loop3A_262 : i32
          %parallel_loop3A_264 = arith.constant 0 : i32
          %parallel_loop3A_265 = arith.index_cast %parallel_loop3A_261 : i32 to index
          %parallel_loop3A_266 = arith.index_cast %parallel_loop3A_264 : i32 to index
          %parallel_loop3A_267 = arith.index_cast %parallel_loop3A_263 : i32 to index
          %parallel_loop3A_268 = tpu.vector_load %arg8[%parallel_loop3A_265, %parallel_loop3A_266, %parallel_loop3A_267] {strides = array<i32>} : memref<65x8x128xf32, #tpu.memory_space<vmem>>, vector<16xf32>,
          tpu.vector_store %arg8[%parallel_loop3A_265, %parallel_loop3A_266, %parallel_loop3A_267], %parallel_loop3A_235 {strides = array<i32>} : memref<65x8x128xf32, #tpu.memory_space<vmem>>, vector<16xf32>,
          %parallel_loop3A_269 = arith.constant 2 : i32
          %parallel_loop3A_270 = arith.addi %parallel_loop3A_225, %parallel_loop3A_269 : i32
          %parallel_loop3A_271 = arith.constant 16 : i32
          %parallel_loop3A_272 = arith.muli %scan3A_210, %parallel_loop3A_271 : i32
          %parallel_loop3A_273 = arith.constant 0 : i32
          %parallel_loop3A_274 = arith.index_cast %parallel_loop3A_270 : i32 to index
          %parallel_loop3A_275 = arith.index_cast %parallel_loop3A_273 : i32 to index
          %parallel_loop3A_276 = arith.index_cast %parallel_loop3A_272 : i32 to index
          %parallel_loop3A_277 = tpu.vector_load %arg8[%parallel_loop3A_274, %parallel_loop3A_275, %parallel_loop3A_276] {strides = array<i32>} : memref<65x8x128xf32, #tpu.memory_space<vmem>>, vector<16xf32>,
          tpu.vector_store %arg8[%parallel_loop3A_274, %parallel_loop3A_275, %parallel_loop3A_276], %parallel_loop3A_243 {strides = array<i32>} : memref<65x8x128xf32, #tpu.memory_space<vmem>>, vector<16xf32>,
          %parallel_loop3A_278 = arith.constant 3 : i32
          %parallel_loop3A_279 = arith.addi %parallel_loop3A_225, %parallel_loop3A_278 : i32
          %parallel_loop3A_280 = arith.constant 16 : i32
          %parallel_loop3A_281 = arith.muli %scan3A_210, %parallel_loop3A_280 : i32
          %parallel_loop3A_282 = arith.constant 0 : i32
          %parallel_loop3A_283 = arith.index_cast %parallel_loop3A_279 : i32 to index
          %parallel_loop3A_284 = arith.index_cast %parallel_loop3A_282 : i32 to index
          %parallel_loop3A_285 = arith.index_cast %parallel_loop3A_281 : i32 to index
          %parallel_loop3A_286 = tpu.vector_load %arg8[%parallel_loop3A_283, %parallel_loop3A_284, %parallel_loop3A_285] {strides = array<i32>} : memref<65x8x128xf32, #tpu.memory_space<vmem>>, vector<16xf32>,
          tpu.vector_store %arg8[%parallel_loop3A_283, %parallel_loop3A_284, %parallel_loop3A_285], %parallel_loop3A_251 {strides = array<i32>} : memref<65x8x128xf32, #tpu.memory_space<vmem>>, vector<16xf32>,
          %parallel_loop3A_287 = arith.constant 4 : i32
          %parallel_loop3A_288 = arith.addi %parallel_loop3A_225, %parallel_loop3A_287 : i32
          %parallel_loop3A_289 = arith.constant 16 : i32
          %parallel_loop3A_290 = arith.muli %scan3A_210, %parallel_loop3A_289 : i32
          %parallel_loop3A_291 = arith.constant 0 : i32
          %parallel_loop3A_292 = arith.index_cast %parallel_loop3A_288 : i32 to index
          %parallel_loop3A_293 = arith.index_cast %parallel_loop3A_291 : i32 to index
          %parallel_loop3A_294 = arith.index_cast %parallel_loop3A_290 : i32 to index
          %parallel_loop3A_295 = tpu.vector_load %arg8[%parallel_loop3A_292, %parallel_loop3A_293, %parallel_loop3A_294] {strides = array<i32>} : memref<65x8x128xf32, #tpu.memory_space<vmem>>, vector<16xf32>,
          tpu.vector_store %arg8[%parallel_loop3A_292, %parallel_loop3A_293, %parallel_loop3A_294], %parallel_loop3A_259 {strides = array<i32>} : memref<65x8x128xf32, #tpu.memory_space<vmem>>, vector<16xf32>,
          %parallel_loop3A_296 = arith.mulf %parallel_loop3A_235, %parallel_loop3A_235 : vector<16xf32>
          %parallel_loop3A_297 = arith.addf %parallel_loop3A_226, %parallel_loop3A_296 : vector<16xf32>
          %parallel_loop3A_298 = arith.mulf %parallel_loop3A_243, %parallel_loop3A_243 : vector<16xf32>
          %parallel_loop3A_299 = arith.addf %parallel_loop3A_227, %parallel_loop3A_298 : vector<16xf32>
          %parallel_loop3A_300 = arith.mulf %parallel_loop3A_251, %parallel_loop3A_251 : vector<16xf32>
          %parallel_loop3A_301 = arith.addf %parallel_loop3A_228, %parallel_loop3A_300 : vector<16xf32>
          %parallel_loop3A_302 = arith.mulf %parallel_loop3A_259, %parallel_loop3A_259 : vector<16xf32>
          %parallel_loop3A_303 = arith.addf %parallel_loop3A_229, %parallel_loop3A_302 : vector<16xf32>
          scf.yield %parallel_loop3A_297, %parallel_loop3A_299, %parallel_loop3A_301, %parallel_loop3A_303 : vector<16xf32>, vector<16xf32>, vector<16xf32>, vector<16xf32>
        } {sc.loop_unroll_factor = 2 : i64, sc.parallel_access}
        %add3A_219 = arith.addf %parallel_loop3A_218#0, %parallel_loop3A_218#1 : vector<16xf32>
        %add3A_220 = arith.addf %parallel_loop3A_218#2, %parallel_loop3A_218#3 : vector<16xf32>
        %add3A_221 = arith.addf %add3A_219, %add3A_220 : vector<16xf32>
        %mul3A_222 = arith.constant 16 : i32
        %mul3A_223 = arith.muli %scan3A_210, %mul3A_222 : i32
        %swap3A = arith.index_cast %mul3A_223 : i32 to index
        %swap3A_224 = tpu.vector_load %arg9[%swap3A] {strides = array<i32>} : memref<128xf32, #tpu.memory_space<vmem>>, vector<16xf32>,
        tpu.vector_store %arg9[%swap3A], %add3A_221 {strides = array<i32>} : memref<128xf32, #tpu.memory_space<vmem>>, vector<16xf32>,
      }
      %scan3A_44 = arith.constant 8 : i32
      %parallel_loop3A = arith.constant 0 : i32
      %parallel_loop3A_45 = arith.constant 8 : i32
      %parallel_loop3A_46 = arith.constant 1 : i32
      scf.for %parallel_loop3A_210 = %parallel_loop3A to %parallel_loop3A_45 step %parallel_loop3A_46  : i32 {
        %parallel_loop3A_211 = arith.constant 16 : i32
        %parallel_loop3A_212 = arith.muli %parallel_loop3A_210, %parallel_loop3A_211 : i32
        %parallel_loop3A_213 = arith.index_cast %parallel_loop3A_212 : i32 to index
        %parallel_loop3A_214 = tpu.vector_load %arg9[%parallel_loop3A_213] {strides = array<i32>} : memref<128xf32, #tpu.memory_space<vmem>>, vector<16xf32>,
        %parallel_loop3A_215 = arith.constant 1.000000e+00 : f32
        %parallel_loop3A_216 = vector.broadcast %parallel_loop3A_215 : f32 to vector<16xf32>
        %parallel_loop3A_217 = arith.addf %parallel_loop3A_216, %parallel_loop3A_214 : vector<16xf32>
        %parallel_loop3A_218 = tpu.bitcast %parallel_loop3A_217 : vector<16xf32> -> vector<16xi32>
        %parallel_loop3A_219 = arith.constant 1 : i32
        %parallel_loop3A_220 = vector.broadcast %parallel_loop3A_219 : i32 to vector<16xi32>
        %parallel_loop3A_221 = arith.shrsi %parallel_loop3A_218, %parallel_loop3A_220 : vector<16xi32>
        %parallel_loop3A_222 = arith.constant 1597463007 : i32
        %parallel_loop3A_223 = vector.broadcast %parallel_loop3A_222 : i32 to vector<16xi32>
        %parallel_loop3A_224 = arith.subi %parallel_loop3A_223, %parallel_loop3A_221 : vector<16xi32>
        %parallel_loop3A_225 = tpu.bitcast %parallel_loop3A_224 : vector<16xi32> -> vector<16xf32>
        %parallel_loop3A_226 = arith.constant 5.000000e-01 : f32
        %parallel_loop3A_227 = vector.broadcast %parallel_loop3A_226 : f32 to vector<16xf32>
        %parallel_loop3A_228 = arith.mulf %parallel_loop3A_227, %parallel_loop3A_217 : vector<16xf32>
        %parallel_loop3A_229 = arith.mulf %parallel_loop3A_228, %parallel_loop3A_225 : vector<16xf32>
        %parallel_loop3A_230 = arith.mulf %parallel_loop3A_229, %parallel_loop3A_225 : vector<16xf32>
        %parallel_loop3A_231 = arith.constant 1.500000e+00 : f32
        %parallel_loop3A_232 = vector.broadcast %parallel_loop3A_231 : f32 to vector<16xf32>
        %parallel_loop3A_233 = arith.subf %parallel_loop3A_232, %parallel_loop3A_230 : vector<16xf32>
        %parallel_loop3A_234 = arith.mulf %parallel_loop3A_225, %parallel_loop3A_233 : vector<16xf32>
        %parallel_loop3A_235 = arith.mulf %parallel_loop3A_228, %parallel_loop3A_234 : vector<16xf32>
        %parallel_loop3A_236 = arith.mulf %parallel_loop3A_235, %parallel_loop3A_234 : vector<16xf32>
        %parallel_loop3A_237 = arith.constant 1.500000e+00 : f32
        %parallel_loop3A_238 = vector.broadcast %parallel_loop3A_237 : f32 to vector<16xf32>
        %parallel_loop3A_239 = arith.subf %parallel_loop3A_238, %parallel_loop3A_236 : vector<16xf32>
        %parallel_loop3A_240 = arith.mulf %parallel_loop3A_234, %parallel_loop3A_239 : vector<16xf32>
        %parallel_loop3A_241 = arith.mulf %parallel_loop3A_228, %parallel_loop3A_240 : vector<16xf32>
        %parallel_loop3A_242 = arith.mulf %parallel_loop3A_241, %parallel_loop3A_240 : vector<16xf32>
        %parallel_loop3A_243 = arith.constant 1.500000e+00 : f32
        %parallel_loop3A_244 = vector.broadcast %parallel_loop3A_243 : f32 to vector<16xf32>
        %parallel_loop3A_245 = arith.subf %parallel_loop3A_244, %parallel_loop3A_242 : vector<16xf32>
        %parallel_loop3A_246 = arith.mulf %parallel_loop3A_240, %parallel_loop3A_245 : vector<16xf32>
        %parallel_loop3A_247 = arith.mulf %parallel_loop3A_217, %parallel_loop3A_246 : vector<16xf32>
        %parallel_loop3A_248 = arith.constant 16 : i32
        %parallel_loop3A_249 = arith.muli %parallel_loop3A_210, %parallel_loop3A_248 : i32
        %parallel_loop3A_250 = arith.constant 0 : i32
        %parallel_loop3A_251 = arith.constant 0 : i32
        %parallel_loop3A_252 = arith.index_cast %parallel_loop3A_250 : i32 to index
        %parallel_loop3A_253 = arith.index_cast %parallel_loop3A_251 : i32 to index
        %parallel_loop3A_254 = arith.index_cast %parallel_loop3A_249 : i32 to index
        %parallel_loop3A_255 = tpu.vector_load %arg8[%parallel_loop3A_252, %parallel_loop3A_253, %parallel_loop3A_254] {strides = array<i32>} : memref<65x8x128xf32, #tpu.memory_space<vmem>>, vector<16xf32>,
        tpu.vector_store %arg8[%parallel_loop3A_252, %parallel_loop3A_253, %parallel_loop3A_254], %parallel_loop3A_247 {strides = array<i32>} : memref<65x8x128xf32, #tpu.memory_space<vmem>>, vector<16xf32>,
      } {sc.loop_unroll_factor = 2 : i64, sc.parallel_access}
      %dma_wait3A_47 = arith.constant 128 : i32
      %dma_wait3A_48 = tpu.memref_slice %arg5[%and3A_16, %dma_wait3A_47] : memref<16x1024xi32, #tpu.memory_space<vmem>> -> memref<1x128xi32, #tpu.memory_space<vmem>>
      %dma_wait3A_49 = tpu.memref_squeeze %dma_wait3A_48 : memref<1x128xi32, #tpu.memory_space<vmem>> -> memref<128xi32, #tpu.memory_space<vmem>>
      %dma_wait3A_50 = arith.constant 0 : i32
      %dma_wait3A_51 = arith.constant 0 : i32
      %dma_wait3A_52 = tpu.memref_slice %arg2[%dma_wait3A_50, %dma_wait3A_51] : memref<1000000x128xf32, #tpu.memory_space<hbm>> -> memref<1000000x128xf32, #tpu.memory_space<hbm>>
      tpu.wait_indirect_dma semaphore(%arg10 : memref<!tpu.dma_semaphore, #tpu.memory_space<semaphore_mem>>) src(%dma_wait3A_52 : memref<1000000x128xf32, #tpu.memory_space<hbm>>) dst(%arg7 : memref<128x128xf32, #tpu.memory_space<vmem>>)
      %dma_start3A_53 = arith.constant 256 : i32
      %dma_start3A_54 = tpu.memref_slice %arg5[%and3A_16, %dma_start3A_53] : memref<16x1024xi32, #tpu.memory_space<vmem>> -> memref<1x128xi32, #tpu.memory_space<vmem>>
      %dma_start3A_55 = tpu.memref_squeeze %dma_start3A_54 : memref<1x128xi32, #tpu.memory_space<vmem>> -> memref<128xi32, #tpu.memory_space<vmem>>
      %dma_start3A_56 = arith.constant 0 : i32
      %dma_start3A_57 = arith.constant 0 : i32
      %dma_start3A_58 = tpu.memref_slice %arg2[%dma_start3A_56, %dma_start3A_57] : memref<1000000x128xf32, #tpu.memory_space<hbm>> -> memref<1000000x128xf32, #tpu.memory_space<hbm>>
      tpu.enqueue_indirect_dma source(%dma_start3A_58 : memref<1000000x128xf32, #tpu.memory_space<hbm>>) target(%arg6 : memref<128x128xf32, #tpu.memory_space<vmem>>) offsets(%dma_start3A_55 : memref<128xi32, #tpu.memory_space<vmem>>) semaphore(%arg10 : memref<!tpu.dma_semaphore, #tpu.memory_space<semaphore_mem>>)
      %broadcast_in_dim3A_59 = arith.constant 0.000000e+00 : f32
      %broadcast_in_dim3A_60 = vector.broadcast %broadcast_in_dim3A_59 : f32 to vector<16xf32>
      %scan3A_61 = arith.constant 0 : i32
      %scan3A_62 = arith.constant 0 : i32
      %scan3A_63 = arith.constant 8 : i32
      %scan3A_64 = arith.addi %scan3A_62, %scan3A_63 : i32
      %scan3A_65 = arith.constant 1 : i32
      scf.for %scan3A_210 = %scan3A_62 to %scan3A_64 step %scan3A_65  : i32 {
        %mul3A_211 = arith.constant 16 : i32
        %mul3A_212 = arith.muli %scan3A_210, %mul3A_211 : i32
        %add3A_213 = vector.broadcast %mul3A_212 : i32 to vector<16xi32>
        %add3A_214 = arith.addi %add3A_213, %iota3A : vector<16xi32>
        %parallel_loop3A_215 = arith.constant 0 : i32
        %parallel_loop3A_216 = arith.constant 64 : i32
        %parallel_loop3A_217 = arith.constant 4 : i32
        %parallel_loop3A_218:4 = scf.for %parallel_loop3A_225 = %parallel_loop3A_215 to %parallel_loop3A_216 step %parallel_loop3A_217 iter_args(%parallel_loop3A_226 = %broadcast_in_dim3A_60, %parallel_loop3A_227 = %broadcast_in_dim3A_60, %parallel_loop3A_228 = %broadcast_in_dim3A_60, %parallel_loop3A_229 = %broadcast_in_dim3A_60) -> (vector<16xf32>, vector<16xf32>, vector<16xf32>, vector<16xf32>)  : i32 {
          %parallel_loop3A_230 = arith.constant 0 : i32
          %parallel_loop3A_231 = vector.broadcast %parallel_loop3A_230 : i32 to vector<16xi32>
          %parallel_loop3A_232 = arith.muli %iota3A, %parallel_loop3A_231 : vector<16xi32>
          %parallel_loop3A_233 = vector.broadcast %parallel_loop3A_225 : i32 to vector<16xi32>
          %parallel_loop3A_234 = arith.addi %parallel_loop3A_232, %parallel_loop3A_233 : vector<16xi32>
          %parallel_loop3A_235 = tpu.vector_load_idx %arg7[%add3A_214, %parallel_loop3A_234] : memref<128x128xf32, #tpu.memory_space<vmem>>[vector<16xi32>, vector<16xi32>], vector<16xf32>,
          %parallel_loop3A_236 = arith.constant 0 : i32
          %parallel_loop3A_237 = vector.broadcast %parallel_loop3A_236 : i32 to vector<16xi32>
          %parallel_loop3A_238 = arith.muli %iota3A, %parallel_loop3A_237 : vector<16xi32>
          %parallel_loop3A_239 = arith.constant 1 : i32
          %parallel_loop3A_240 = arith.addi %parallel_loop3A_225, %parallel_loop3A_239 : i32
          %parallel_loop3A_241 = vector.broadcast %parallel_loop3A_240 : i32 to vector<16xi32>
          %parallel_loop3A_242 = arith.addi %parallel_loop3A_238, %parallel_loop3A_241 : vector<16xi32>
          %parallel_loop3A_243 = tpu.vector_load_idx %arg7[%add3A_214, %parallel_loop3A_242] : memref<128x128xf32, #tpu.memory_space<vmem>>[vector<16xi32>, vector<16xi32>], vector<16xf32>,
          %parallel_loop3A_244 = arith.constant 0 : i32
          %parallel_loop3A_245 = vector.broadcast %parallel_loop3A_244 : i32 to vector<16xi32>
          %parallel_loop3A_246 = arith.muli %iota3A, %parallel_loop3A_245 : vector<16xi32>
          %parallel_loop3A_247 = arith.constant 2 : i32
          %parallel_loop3A_248 = arith.addi %parallel_loop3A_225, %parallel_loop3A_247 : i32
          %parallel_loop3A_249 = vector.broadcast %parallel_loop3A_248 : i32 to vector<16xi32>
          %parallel_loop3A_250 = arith.addi %parallel_loop3A_246, %parallel_loop3A_249 : vector<16xi32>
          %parallel_loop3A_251 = tpu.vector_load_idx %arg7[%add3A_214, %parallel_loop3A_250] : memref<128x128xf32, #tpu.memory_space<vmem>>[vector<16xi32>, vector<16xi32>], vector<16xf32>,
          %parallel_loop3A_252 = arith.constant 0 : i32
          %parallel_loop3A_253 = vector.broadcast %parallel_loop3A_252 : i32 to vector<16xi32>
          %parallel_loop3A_254 = arith.muli %iota3A, %parallel_loop3A_253 : vector<16xi32>
          %parallel_loop3A_255 = arith.constant 3 : i32
          %parallel_loop3A_256 = arith.addi %parallel_loop3A_225, %parallel_loop3A_255 : i32
          %parallel_loop3A_257 = vector.broadcast %parallel_loop3A_256 : i32 to vector<16xi32>
          %parallel_loop3A_258 = arith.addi %parallel_loop3A_254, %parallel_loop3A_257 : vector<16xi32>
          %parallel_loop3A_259 = tpu.vector_load_idx %arg7[%add3A_214, %parallel_loop3A_258] : memref<128x128xf32, #tpu.memory_space<vmem>>[vector<16xi32>, vector<16xi32>], vector<16xf32>,
          %parallel_loop3A_260 = arith.constant 1 : i32
          %parallel_loop3A_261 = arith.addi %parallel_loop3A_225, %parallel_loop3A_260 : i32
          %parallel_loop3A_262 = arith.constant 16 : i32
          %parallel_loop3A_263 = arith.muli %scan3A_210, %parallel_loop3A_262 : i32
          %parallel_loop3A_264 = arith.constant 1 : i32
          %parallel_loop3A_265 = arith.index_cast %parallel_loop3A_261 : i32 to index
          %parallel_loop3A_266 = arith.index_cast %parallel_loop3A_264 : i32 to index
          %parallel_loop3A_267 = arith.index_cast %parallel_loop3A_263 : i32 to index
          %parallel_loop3A_268 = tpu.vector_load %arg8[%parallel_loop3A_265, %parallel_loop3A_266, %parallel_loop3A_267] {strides = array<i32>} : memref<65x8x128xf32, #tpu.memory_space<vmem>>, vector<16xf32>,
          tpu.vector_store %arg8[%parallel_loop3A_265, %parallel_loop3A_266, %parallel_loop3A_267], %parallel_loop3A_235 {strides = array<i32>} : memref<65x8x128xf32, #tpu.memory_space<vmem>>, vector<16xf32>,
          %parallel_loop3A_269 = arith.constant 2 : i32
          %parallel_loop3A_270 = arith.addi %parallel_loop3A_225, %parallel_loop3A_269 : i32
          %parallel_loop3A_271 = arith.constant 16 : i32
          %parallel_loop3A_272 = arith.muli %scan3A_210, %parallel_loop3A_271 : i32
          %parallel_loop3A_273 = arith.constant 1 : i32
          %parallel_loop3A_274 = arith.index_cast %parallel_loop3A_270 : i32 to index
          %parallel_loop3A_275 = arith.index_cast %parallel_loop3A_273 : i32 to index
          %parallel_loop3A_276 = arith.index_cast %parallel_loop3A_272 : i32 to index
          %parallel_loop3A_277 = tpu.vector_load %arg8[%parallel_loop3A_274, %parallel_loop3A_275, %parallel_loop3A_276] {strides = array<i32>} : memref<65x8x128xf32, #tpu.memory_space<vmem>>, vector<16xf32>,
          tpu.vector_store %arg8[%parallel_loop3A_274, %parallel_loop3A_275, %parallel_loop3A_276], %parallel_loop3A_243 {strides = array<i32>} : memref<65x8x128xf32, #tpu.memory_space<vmem>>, vector<16xf32>,
          %parallel_loop3A_278 = arith.constant 3 : i32
          %parallel_loop3A_279 = arith.addi %parallel_loop3A_225, %parallel_loop3A_278 : i32
          %parallel_loop3A_280 = arith.constant 16 : i32
          %parallel_loop3A_281 = arith.muli %scan3A_210, %parallel_loop3A_280 : i32
          %parallel_loop3A_282 = arith.constant 1 : i32
          %parallel_loop3A_283 = arith.index_cast %parallel_loop3A_279 : i32 to index
          %parallel_loop3A_284 = arith.index_cast %parallel_loop3A_282 : i32 to index
          %parallel_loop3A_285 = arith.index_cast %parallel_loop3A_281 : i32 to index
          %parallel_loop3A_286 = tpu.vector_load %arg8[%parallel_loop3A_283, %parallel_loop3A_284, %parallel_loop3A_285] {strides = array<i32>} : memref<65x8x128xf32, #tpu.memory_space<vmem>>, vector<16xf32>,
          tpu.vector_store %arg8[%parallel_loop3A_283, %parallel_loop3A_284, %parallel_loop3A_285], %parallel_loop3A_251 {strides = array<i32>} : memref<65x8x128xf32, #tpu.memory_space<vmem>>, vector<16xf32>,
          %parallel_loop3A_287 = arith.constant 4 : i32
          %parallel_loop3A_288 = arith.addi %parallel_loop3A_225, %parallel_loop3A_287 : i32
          %parallel_loop3A_289 = arith.constant 16 : i32
          %parallel_loop3A_290 = arith.muli %scan3A_210, %parallel_loop3A_289 : i32
          %parallel_loop3A_291 = arith.constant 1 : i32
          %parallel_loop3A_292 = arith.index_cast %parallel_loop3A_288 : i32 to index
          %parallel_loop3A_293 = arith.index_cast %parallel_loop3A_291 : i32 to index
          %parallel_loop3A_294 = arith.index_cast %parallel_loop3A_290 : i32 to index
          %parallel_loop3A_295 = tpu.vector_load %arg8[%parallel_loop3A_292, %parallel_loop3A_293, %parallel_loop3A_294] {strides = array<i32>} : memref<65x8x128xf32, #tpu.memory_space<vmem>>, vector<16xf32>,
          tpu.vector_store %arg8[%parallel_loop3A_292, %parallel_loop3A_293, %parallel_loop3A_294], %parallel_loop3A_259 {strides = array<i32>} : memref<65x8x128xf32, #tpu.memory_space<vmem>>, vector<16xf32>,
          %parallel_loop3A_296 = arith.mulf %parallel_loop3A_235, %parallel_loop3A_235 : vector<16xf32>
          %parallel_loop3A_297 = arith.addf %parallel_loop3A_226, %parallel_loop3A_296 : vector<16xf32>
          %parallel_loop3A_298 = arith.mulf %parallel_loop3A_243, %parallel_loop3A_243 : vector<16xf32>
          %parallel_loop3A_299 = arith.addf %parallel_loop3A_227, %parallel_loop3A_298 : vector<16xf32>
          %parallel_loop3A_300 = arith.mulf %parallel_loop3A_251, %parallel_loop3A_251 : vector<16xf32>
          %parallel_loop3A_301 = arith.addf %parallel_loop3A_228, %parallel_loop3A_300 : vector<16xf32>
          %parallel_loop3A_302 = arith.mulf %parallel_loop3A_259, %parallel_loop3A_259 : vector<16xf32>
          %parallel_loop3A_303 = arith.addf %parallel_loop3A_229, %parallel_loop3A_302 : vector<16xf32>
          scf.yield %parallel_loop3A_297, %parallel_loop3A_299, %parallel_loop3A_301, %parallel_loop3A_303 : vector<16xf32>, vector<16xf32>, vector<16xf32>, vector<16xf32>
        } {sc.loop_unroll_factor = 2 : i64, sc.parallel_access}
        %add3A_219 = arith.addf %parallel_loop3A_218#0, %parallel_loop3A_218#1 : vector<16xf32>
        %add3A_220 = arith.addf %parallel_loop3A_218#2, %parallel_loop3A_218#3 : vector<16xf32>
        %add3A_221 = arith.addf %add3A_219, %add3A_220 : vector<16xf32>
        %mul3A_222 = arith.constant 16 : i32
        %mul3A_223 = arith.muli %scan3A_210, %mul3A_222 : i32
        %swap3A = arith.index_cast %mul3A_223 : i32 to index
        %swap3A_224 = tpu.vector_load %arg9[%swap3A] {strides = array<i32>} : memref<128xf32, #tpu.memory_space<vmem>>, vector<16xf32>,
        tpu.vector_store %arg9[%swap3A], %add3A_221 {strides = array<i32>} : memref<128xf32, #tpu.memory_space<vmem>>, vector<16xf32>,
      }
      %scan3A_66 = arith.constant 8 : i32
      %parallel_loop3A_67 = arith.constant 0 : i32
      %parallel_loop3A_68 = arith.constant 8 : i32
      %parallel_loop3A_69 = arith.constant 1 : i32
      scf.for %parallel_loop3A_210 = %parallel_loop3A_67 to %parallel_loop3A_68 step %parallel_loop3A_69  : i32 {
        %parallel_loop3A_211 = arith.constant 16 : i32
        %parallel_loop3A_212 = arith.muli %parallel_loop3A_210, %parallel_loop3A_211 : i32
        %parallel_loop3A_213 = arith.index_cast %parallel_loop3A_212 : i32 to index
        %parallel_loop3A_214 = tpu.vector_load %arg9[%parallel_loop3A_213] {strides = array<i32>} : memref<128xf32, #tpu.memory_space<vmem>>, vector<16xf32>,
        %parallel_loop3A_215 = arith.constant 1.000000e+00 : f32
        %parallel_loop3A_216 = vector.broadcast %parallel_loop3A_215 : f32 to vector<16xf32>
        %parallel_loop3A_217 = arith.addf %parallel_loop3A_216, %parallel_loop3A_214 : vector<16xf32>
        %parallel_loop3A_218 = tpu.bitcast %parallel_loop3A_217 : vector<16xf32> -> vector<16xi32>
        %parallel_loop3A_219 = arith.constant 1 : i32
        %parallel_loop3A_220 = vector.broadcast %parallel_loop3A_219 : i32 to vector<16xi32>
        %parallel_loop3A_221 = arith.shrsi %parallel_loop3A_218, %parallel_loop3A_220 : vector<16xi32>
        %parallel_loop3A_222 = arith.constant 1597463007 : i32
        %parallel_loop3A_223 = vector.broadcast %parallel_loop3A_222 : i32 to vector<16xi32>
        %parallel_loop3A_224 = arith.subi %parallel_loop3A_223, %parallel_loop3A_221 : vector<16xi32>
        %parallel_loop3A_225 = tpu.bitcast %parallel_loop3A_224 : vector<16xi32> -> vector<16xf32>
        %parallel_loop3A_226 = arith.constant 5.000000e-01 : f32
        %parallel_loop3A_227 = vector.broadcast %parallel_loop3A_226 : f32 to vector<16xf32>
        %parallel_loop3A_228 = arith.mulf %parallel_loop3A_227, %parallel_loop3A_217 : vector<16xf32>
        %parallel_loop3A_229 = arith.mulf %parallel_loop3A_228, %parallel_loop3A_225 : vector<16xf32>
        %parallel_loop3A_230 = arith.mulf %parallel_loop3A_229, %parallel_loop3A_225 : vector<16xf32>
        %parallel_loop3A_231 = arith.constant 1.500000e+00 : f32
        %parallel_loop3A_232 = vector.broadcast %parallel_loop3A_231 : f32 to vector<16xf32>
        %parallel_loop3A_233 = arith.subf %parallel_loop3A_232, %parallel_loop3A_230 : vector<16xf32>
        %parallel_loop3A_234 = arith.mulf %parallel_loop3A_225, %parallel_loop3A_233 : vector<16xf32>
        %parallel_loop3A_235 = arith.mulf %parallel_loop3A_228, %parallel_loop3A_234 : vector<16xf32>
        %parallel_loop3A_236 = arith.mulf %parallel_loop3A_235, %parallel_loop3A_234 : vector<16xf32>
        %parallel_loop3A_237 = arith.constant 1.500000e+00 : f32
        %parallel_loop3A_238 = vector.broadcast %parallel_loop3A_237 : f32 to vector<16xf32>
        %parallel_loop3A_239 = arith.subf %parallel_loop3A_238, %parallel_loop3A_236 : vector<16xf32>
        %parallel_loop3A_240 = arith.mulf %parallel_loop3A_234, %parallel_loop3A_239 : vector<16xf32>
        %parallel_loop3A_241 = arith.mulf %parallel_loop3A_228, %parallel_loop3A_240 : vector<16xf32>
        %parallel_loop3A_242 = arith.mulf %parallel_loop3A_241, %parallel_loop3A_240 : vector<16xf32>
        %parallel_loop3A_243 = arith.constant 1.500000e+00 : f32
        %parallel_loop3A_244 = vector.broadcast %parallel_loop3A_243 : f32 to vector<16xf32>
        %parallel_loop3A_245 = arith.subf %parallel_loop3A_244, %parallel_loop3A_242 : vector<16xf32>
        %parallel_loop3A_246 = arith.mulf %parallel_loop3A_240, %parallel_loop3A_245 : vector<16xf32>
        %parallel_loop3A_247 = arith.mulf %parallel_loop3A_217, %parallel_loop3A_246 : vector<16xf32>
        %parallel_loop3A_248 = arith.constant 16 : i32
        %parallel_loop3A_249 = arith.muli %parallel_loop3A_210, %parallel_loop3A_248 : i32
        %parallel_loop3A_250 = arith.constant 0 : i32
        %parallel_loop3A_251 = arith.constant 1 : i32
        %parallel_loop3A_252 = arith.index_cast %parallel_loop3A_250 : i32 to index
        %parallel_loop3A_253 = arith.index_cast %parallel_loop3A_251 : i32 to index
        %parallel_loop3A_254 = arith.index_cast %parallel_loop3A_249 : i32 to index
        %parallel_loop3A_255 = tpu.vector_load %arg8[%parallel_loop3A_252, %parallel_loop3A_253, %parallel_loop3A_254] {strides = array<i32>} : memref<65x8x128xf32, #tpu.memory_space<vmem>>, vector<16xf32>,
        tpu.vector_store %arg8[%parallel_loop3A_252, %parallel_loop3A_253, %parallel_loop3A_254], %parallel_loop3A_247 {strides = array<i32>} : memref<65x8x128xf32, #tpu.memory_space<vmem>>, vector<16xf32>,
      } {sc.loop_unroll_factor = 2 : i64, sc.parallel_access}
      %dma_wait3A_70 = arith.constant 256 : i32
      %dma_wait3A_71 = tpu.memref_slice %arg5[%and3A_16, %dma_wait3A_70] : memref<16x1024xi32, #tpu.memory_space<vmem>> -> memref<1x128xi32, #tpu.memory_space<vmem>>
      %dma_wait3A_72 = tpu.memref_squeeze %dma_wait3A_71 : memref<1x128xi32, #tpu.memory_space<vmem>> -> memref<128xi32, #tpu.memory_space<vmem>>
      %dma_wait3A_73 = arith.constant 0 : i32
      %dma_wait3A_74 = arith.constant 0 : i32
      %dma_wait3A_75 = tpu.memref_slice %arg2[%dma_wait3A_73, %dma_wait3A_74] : memref<1000000x128xf32, #tpu.memory_space<hbm>> -> memref<1000000x128xf32, #tpu.memory_space<hbm>>
      tpu.wait_indirect_dma semaphore(%arg10 : memref<!tpu.dma_semaphore, #tpu.memory_space<semaphore_mem>>) src(%dma_wait3A_75 : memref<1000000x128xf32, #tpu.memory_space<hbm>>) dst(%arg6 : memref<128x128xf32, #tpu.memory_space<vmem>>)
      %dma_start3A_76 = arith.constant 384 : i32
      %dma_start3A_77 = tpu.memref_slice %arg5[%and3A_16, %dma_start3A_76] : memref<16x1024xi32, #tpu.memory_space<vmem>> -> memref<1x128xi32, #tpu.memory_space<vmem>>
      %dma_start3A_78 = tpu.memref_squeeze %dma_start3A_77 : memref<1x128xi32, #tpu.memory_space<vmem>> -> memref<128xi32, #tpu.memory_space<vmem>>
      %dma_start3A_79 = arith.constant 0 : i32
      %dma_start3A_80 = arith.constant 0 : i32
      %dma_start3A_81 = tpu.memref_slice %arg2[%dma_start3A_79, %dma_start3A_80] : memref<1000000x128xf32, #tpu.memory_space<hbm>> -> memref<1000000x128xf32, #tpu.memory_space<hbm>>
      tpu.enqueue_indirect_dma source(%dma_start3A_81 : memref<1000000x128xf32, #tpu.memory_space<hbm>>) target(%arg7 : memref<128x128xf32, #tpu.memory_space<vmem>>) offsets(%dma_start3A_78 : memref<128xi32, #tpu.memory_space<vmem>>) semaphore(%arg10 : memref<!tpu.dma_semaphore, #tpu.memory_space<semaphore_mem>>)
      %broadcast_in_dim3A_82 = arith.constant 0.000000e+00 : f32
      %broadcast_in_dim3A_83 = vector.broadcast %broadcast_in_dim3A_82 : f32 to vector<16xf32>
      %scan3A_84 = arith.constant 0 : i32
      %scan3A_85 = arith.constant 0 : i32
      %scan3A_86 = arith.constant 8 : i32
      %scan3A_87 = arith.addi %scan3A_85, %scan3A_86 : i32
      %scan3A_88 = arith.constant 1 : i32
      scf.for %scan3A_210 = %scan3A_85 to %scan3A_87 step %scan3A_88  : i32 {
        %mul3A_211 = arith.constant 16 : i32
        %mul3A_212 = arith.muli %scan3A_210, %mul3A_211 : i32
        %add3A_213 = vector.broadcast %mul3A_212 : i32 to vector<16xi32>
        %add3A_214 = arith.addi %add3A_213, %iota3A : vector<16xi32>
        %parallel_loop3A_215 = arith.constant 0 : i32
        %parallel_loop3A_216 = arith.constant 64 : i32
        %parallel_loop3A_217 = arith.constant 4 : i32
        %parallel_loop3A_218:4 = scf.for %parallel_loop3A_225 = %parallel_loop3A_215 to %parallel_loop3A_216 step %parallel_loop3A_217 iter_args(%parallel_loop3A_226 = %broadcast_in_dim3A_83, %parallel_loop3A_227 = %broadcast_in_dim3A_83, %parallel_loop3A_228 = %broadcast_in_dim3A_83, %parallel_loop3A_229 = %broadcast_in_dim3A_83) -> (vector<16xf32>, vector<16xf32>, vector<16xf32>, vector<16xf32>)  : i32 {
          %parallel_loop3A_230 = arith.constant 0 : i32
          %parallel_loop3A_231 = vector.broadcast %parallel_loop3A_230 : i32 to vector<16xi32>
          %parallel_loop3A_232 = arith.muli %iota3A, %parallel_loop3A_231 : vector<16xi32>
          %parallel_loop3A_233 = vector.broadcast %parallel_loop3A_225 : i32 to vector<16xi32>
          %parallel_loop3A_234 = arith.addi %parallel_loop3A_232, %parallel_loop3A_233 : vector<16xi32>
          %parallel_loop3A_235 = tpu.vector_load_idx %arg6[%add3A_214, %parallel_loop3A_234] : memref<128x128xf32, #tpu.memory_space<vmem>>[vector<16xi32>, vector<16xi32>], vector<16xf32>,
          %parallel_loop3A_236 = arith.constant 0 : i32
          %parallel_loop3A_237 = vector.broadcast %parallel_loop3A_236 : i32 to vector<16xi32>
          %parallel_loop3A_238 = arith.muli %iota3A, %parallel_loop3A_237 : vector<16xi32>
          %parallel_loop3A_239 = arith.constant 1 : i32
          %parallel_loop3A_240 = arith.addi %parallel_loop3A_225, %parallel_loop3A_239 : i32
          %parallel_loop3A_241 = vector.broadcast %parallel_loop3A_240 : i32 to vector<16xi32>
          %parallel_loop3A_242 = arith.addi %parallel_loop3A_238, %parallel_loop3A_241 : vector<16xi32>
          %parallel_loop3A_243 = tpu.vector_load_idx %arg6[%add3A_214, %parallel_loop3A_242] : memref<128x128xf32, #tpu.memory_space<vmem>>[vector<16xi32>, vector<16xi32>], vector<16xf32>,
          %parallel_loop3A_244 = arith.constant 0 : i32
          %parallel_loop3A_245 = vector.broadcast %parallel_loop3A_244 : i32 to vector<16xi32>
          %parallel_loop3A_246 = arith.muli %iota3A, %parallel_loop3A_245 : vector<16xi32>
          %parallel_loop3A_247 = arith.constant 2 : i32
          %parallel_loop3A_248 = arith.addi %parallel_loop3A_225, %parallel_loop3A_247 : i32
          %parallel_loop3A_249 = vector.broadcast %parallel_loop3A_248 : i32 to vector<16xi32>
          %parallel_loop3A_250 = arith.addi %parallel_loop3A_246, %parallel_loop3A_249 : vector<16xi32>
          %parallel_loop3A_251 = tpu.vector_load_idx %arg6[%add3A_214, %parallel_loop3A_250] : memref<128x128xf32, #tpu.memory_space<vmem>>[vector<16xi32>, vector<16xi32>], vector<16xf32>,
          %parallel_loop3A_252 = arith.constant 0 : i32
          %parallel_loop3A_253 = vector.broadcast %parallel_loop3A_252 : i32 to vector<16xi32>
          %parallel_loop3A_254 = arith.muli %iota3A, %parallel_loop3A_253 : vector<16xi32>
          %parallel_loop3A_255 = arith.constant 3 : i32
          %parallel_loop3A_256 = arith.addi %parallel_loop3A_225, %parallel_loop3A_255 : i32
          %parallel_loop3A_257 = vector.broadcast %parallel_loop3A_256 : i32 to vector<16xi32>
          %parallel_loop3A_258 = arith.addi %parallel_loop3A_254, %parallel_loop3A_257 : vector<16xi32>
          %parallel_loop3A_259 = tpu.vector_load_idx %arg6[%add3A_214, %parallel_loop3A_258] : memref<128x128xf32, #tpu.memory_space<vmem>>[vector<16xi32>, vector<16xi32>], vector<16xf32>,
          %parallel_loop3A_260 = arith.constant 1 : i32
          %parallel_loop3A_261 = arith.addi %parallel_loop3A_225, %parallel_loop3A_260 : i32
          %parallel_loop3A_262 = arith.constant 16 : i32
          %parallel_loop3A_263 = arith.muli %scan3A_210, %parallel_loop3A_262 : i32
          %parallel_loop3A_264 = arith.constant 2 : i32
          %parallel_loop3A_265 = arith.index_cast %parallel_loop3A_261 : i32 to index
          %parallel_loop3A_266 = arith.index_cast %parallel_loop3A_264 : i32 to index
          %parallel_loop3A_267 = arith.index_cast %parallel_loop3A_263 : i32 to index
          %parallel_loop3A_268 = tpu.vector_load %arg8[%parallel_loop3A_265, %parallel_loop3A_266, %parallel_loop3A_267] {strides = array<i32>} : memref<65x8x128xf32, #tpu.memory_space<vmem>>, vector<16xf32>,
          tpu.vector_store %arg8[%parallel_loop3A_265, %parallel_loop3A_266, %parallel_loop3A_267], %parallel_loop3A_235 {strides = array<i32>} : memref<65x8x128xf32, #tpu.memory_space<vmem>>, vector<16xf32>,
          %parallel_loop3A_269 = arith.constant 2 : i32
          %parallel_loop3A_270 = arith.addi %parallel_loop3A_225, %parallel_loop3A_269 : i32
          %parallel_loop3A_271 = arith.constant 16 : i32
          %parallel_loop3A_272 = arith.muli %scan3A_210, %parallel_loop3A_271 : i32
          %parallel_loop3A_273 = arith.constant 2 : i32
          %parallel_loop3A_274 = arith.index_cast %parallel_loop3A_270 : i32 to index
          %parallel_loop3A_275 = arith.index_cast %parallel_loop3A_273 : i32 to index
          %parallel_loop3A_276 = arith.index_cast %parallel_loop3A_272 : i32 to index
          %parallel_loop3A_277 = tpu.vector_load %arg8[%parallel_loop3A_274, %parallel_loop3A_275, %parallel_loop3A_276] {strides = array<i32>} : memref<65x8x128xf32, #tpu.memory_space<vmem>>, vector<16xf32>,
          tpu.vector_store %arg8[%parallel_loop3A_274, %parallel_loop3A_275, %parallel_loop3A_276], %parallel_loop3A_243 {strides = array<i32>} : memref<65x8x128xf32, #tpu.memory_space<vmem>>, vector<16xf32>,
          %parallel_loop3A_278 = arith.constant 3 : i32
          %parallel_loop3A_279 = arith.addi %parallel_loop3A_225, %parallel_loop3A_278 : i32
          %parallel_loop3A_280 = arith.constant 16 : i32
          %parallel_loop3A_281 = arith.muli %scan3A_210, %parallel_loop3A_280 : i32
          %parallel_loop3A_282 = arith.constant 2 : i32
          %parallel_loop3A_283 = arith.index_cast %parallel_loop3A_279 : i32 to index
          %parallel_loop3A_284 = arith.index_cast %parallel_loop3A_282 : i32 to index
          %parallel_loop3A_285 = arith.index_cast %parallel_loop3A_281 : i32 to index
          %parallel_loop3A_286 = tpu.vector_load %arg8[%parallel_loop3A_283, %parallel_loop3A_284, %parallel_loop3A_285] {strides = array<i32>} : memref<65x8x128xf32, #tpu.memory_space<vmem>>, vector<16xf32>,
          tpu.vector_store %arg8[%parallel_loop3A_283, %parallel_loop3A_284, %parallel_loop3A_285], %parallel_loop3A_251 {strides = array<i32>} : memref<65x8x128xf32, #tpu.memory_space<vmem>>, vector<16xf32>,
          %parallel_loop3A_287 = arith.constant 4 : i32
          %parallel_loop3A_288 = arith.addi %parallel_loop3A_225, %parallel_loop3A_287 : i32
          %parallel_loop3A_289 = arith.constant 16 : i32
          %parallel_loop3A_290 = arith.muli %scan3A_210, %parallel_loop3A_289 : i32
          %parallel_loop3A_291 = arith.constant 2 : i32
          %parallel_loop3A_292 = arith.index_cast %parallel_loop3A_288 : i32 to index
          %parallel_loop3A_293 = arith.index_cast %parallel_loop3A_291 : i32 to index
          %parallel_loop3A_294 = arith.index_cast %parallel_loop3A_290 : i32 to index
          %parallel_loop3A_295 = tpu.vector_load %arg8[%parallel_loop3A_292, %parallel_loop3A_293, %parallel_loop3A_294] {strides = array<i32>} : memref<65x8x128xf32, #tpu.memory_space<vmem>>, vector<16xf32>,
          tpu.vector_store %arg8[%parallel_loop3A_292, %parallel_loop3A_293, %parallel_loop3A_294], %parallel_loop3A_259 {strides = array<i32>} : memref<65x8x128xf32, #tpu.memory_space<vmem>>, vector<16xf32>,
          %parallel_loop3A_296 = arith.mulf %parallel_loop3A_235, %parallel_loop3A_235 : vector<16xf32>
          %parallel_loop3A_297 = arith.addf %parallel_loop3A_226, %parallel_loop3A_296 : vector<16xf32>
          %parallel_loop3A_298 = arith.mulf %parallel_loop3A_243, %parallel_loop3A_243 : vector<16xf32>
          %parallel_loop3A_299 = arith.addf %parallel_loop3A_227, %parallel_loop3A_298 : vector<16xf32>
          %parallel_loop3A_300 = arith.mulf %parallel_loop3A_251, %parallel_loop3A_251 : vector<16xf32>
          %parallel_loop3A_301 = arith.addf %parallel_loop3A_228, %parallel_loop3A_300 : vector<16xf32>
          %parallel_loop3A_302 = arith.mulf %parallel_loop3A_259, %parallel_loop3A_259 : vector<16xf32>
          %parallel_loop3A_303 = arith.addf %parallel_loop3A_229, %parallel_loop3A_302 : vector<16xf32>
          scf.yield %parallel_loop3A_297, %parallel_loop3A_299, %parallel_loop3A_301, %parallel_loop3A_303 : vector<16xf32>, vector<16xf32>, vector<16xf32>, vector<16xf32>
        } {sc.loop_unroll_factor = 2 : i64, sc.parallel_access}
        %add3A_219 = arith.addf %parallel_loop3A_218#0, %parallel_loop3A_218#1 : vector<16xf32>
        %add3A_220 = arith.addf %parallel_loop3A_218#2, %parallel_loop3A_218#3 : vector<16xf32>
        %add3A_221 = arith.addf %add3A_219, %add3A_220 : vector<16xf32>
        %mul3A_222 = arith.constant 16 : i32
        %mul3A_223 = arith.muli %scan3A_210, %mul3A_222 : i32
        %swap3A = arith.index_cast %mul3A_223 : i32 to index
        %swap3A_224 = tpu.vector_load %arg9[%swap3A] {strides = array<i32>} : memref<128xf32, #tpu.memory_space<vmem>>, vector<16xf32>,
        tpu.vector_store %arg9[%swap3A], %add3A_221 {strides = array<i32>} : memref<128xf32, #tpu.memory_space<vmem>>, vector<16xf32>,
      }
      %scan3A_89 = arith.constant 8 : i32
      %parallel_loop3A_90 = arith.constant 0 : i32
      %parallel_loop3A_91 = arith.constant 8 : i32
      %parallel_loop3A_92 = arith.constant 1 : i32
      scf.for %parallel_loop3A_210 = %parallel_loop3A_90 to %parallel_loop3A_91 step %parallel_loop3A_92  : i32 {
        %parallel_loop3A_211 = arith.constant 16 : i32
        %parallel_loop3A_212 = arith.muli %parallel_loop3A_210, %parallel_loop3A_211 : i32
        %parallel_loop3A_213 = arith.index_cast %parallel_loop3A_212 : i32 to index
        %parallel_loop3A_214 = tpu.vector_load %arg9[%parallel_loop3A_213] {strides = array<i32>} : memref<128xf32, #tpu.memory_space<vmem>>, vector<16xf32>,
        %parallel_loop3A_215 = arith.constant 1.000000e+00 : f32
        %parallel_loop3A_216 = vector.broadcast %parallel_loop3A_215 : f32 to vector<16xf32>
        %parallel_loop3A_217 = arith.addf %parallel_loop3A_216, %parallel_loop3A_214 : vector<16xf32>
        %parallel_loop3A_218 = tpu.bitcast %parallel_loop3A_217 : vector<16xf32> -> vector<16xi32>
        %parallel_loop3A_219 = arith.constant 1 : i32
        %parallel_loop3A_220 = vector.broadcast %parallel_loop3A_219 : i32 to vector<16xi32>
        %parallel_loop3A_221 = arith.shrsi %parallel_loop3A_218, %parallel_loop3A_220 : vector<16xi32>
        %parallel_loop3A_222 = arith.constant 1597463007 : i32
        %parallel_loop3A_223 = vector.broadcast %parallel_loop3A_222 : i32 to vector<16xi32>
        %parallel_loop3A_224 = arith.subi %parallel_loop3A_223, %parallel_loop3A_221 : vector<16xi32>
        %parallel_loop3A_225 = tpu.bitcast %parallel_loop3A_224 : vector<16xi32> -> vector<16xf32>
        %parallel_loop3A_226 = arith.constant 5.000000e-01 : f32
        %parallel_loop3A_227 = vector.broadcast %parallel_loop3A_226 : f32 to vector<16xf32>
        %parallel_loop3A_228 = arith.mulf %parallel_loop3A_227, %parallel_loop3A_217 : vector<16xf32>
        %parallel_loop3A_229 = arith.mulf %parallel_loop3A_228, %parallel_loop3A_225 : vector<16xf32>
        %parallel_loop3A_230 = arith.mulf %parallel_loop3A_229, %parallel_loop3A_225 : vector<16xf32>
        %parallel_loop3A_231 = arith.constant 1.500000e+00 : f32
        %parallel_loop3A_232 = vector.broadcast %parallel_loop3A_231 : f32 to vector<16xf32>
        %parallel_loop3A_233 = arith.subf %parallel_loop3A_232, %parallel_loop3A_230 : vector<16xf32>
        %parallel_loop3A_234 = arith.mulf %parallel_loop3A_225, %parallel_loop3A_233 : vector<16xf32>
        %parallel_loop3A_235 = arith.mulf %parallel_loop3A_228, %parallel_loop3A_234 : vector<16xf32>
        %parallel_loop3A_236 = arith.mulf %parallel_loop3A_235, %parallel_loop3A_234 : vector<16xf32>
        %parallel_loop3A_237 = arith.constant 1.500000e+00 : f32
        %parallel_loop3A_238 = vector.broadcast %parallel_loop3A_237 : f32 to vector<16xf32>
        %parallel_loop3A_239 = arith.subf %parallel_loop3A_238, %parallel_loop3A_236 : vector<16xf32>
        %parallel_loop3A_240 = arith.mulf %parallel_loop3A_234, %parallel_loop3A_239 : vector<16xf32>
        %parallel_loop3A_241 = arith.mulf %parallel_loop3A_228, %parallel_loop3A_240 : vector<16xf32>
        %parallel_loop3A_242 = arith.mulf %parallel_loop3A_241, %parallel_loop3A_240 : vector<16xf32>
        %parallel_loop3A_243 = arith.constant 1.500000e+00 : f32
        %parallel_loop3A_244 = vector.broadcast %parallel_loop3A_243 : f32 to vector<16xf32>
        %parallel_loop3A_245 = arith.subf %parallel_loop3A_244, %parallel_loop3A_242 : vector<16xf32>
        %parallel_loop3A_246 = arith.mulf %parallel_loop3A_240, %parallel_loop3A_245 : vector<16xf32>
        %parallel_loop3A_247 = arith.mulf %parallel_loop3A_217, %parallel_loop3A_246 : vector<16xf32>
        %parallel_loop3A_248 = arith.constant 16 : i32
        %parallel_loop3A_249 = arith.muli %parallel_loop3A_210, %parallel_loop3A_248 : i32
        %parallel_loop3A_250 = arith.constant 0 : i32
        %parallel_loop3A_251 = arith.constant 2 : i32
        %parallel_loop3A_252 = arith.index_cast %parallel_loop3A_250 : i32 to index
        %parallel_loop3A_253 = arith.index_cast %parallel_loop3A_251 : i32 to index
        %parallel_loop3A_254 = arith.index_cast %parallel_loop3A_249 : i32 to index
        %parallel_loop3A_255 = tpu.vector_load %arg8[%parallel_loop3A_252, %parallel_loop3A_253, %parallel_loop3A_254] {strides = array<i32>} : memref<65x8x128xf32, #tpu.memory_space<vmem>>, vector<16xf32>,
        tpu.vector_store %arg8[%parallel_loop3A_252, %parallel_loop3A_253, %parallel_loop3A_254], %parallel_loop3A_247 {strides = array<i32>} : memref<65x8x128xf32, #tpu.memory_space<vmem>>, vector<16xf32>,
      } {sc.loop_unroll_factor = 2 : i64, sc.parallel_access}
      %dma_wait3A_93 = arith.constant 384 : i32
      %dma_wait3A_94 = tpu.memref_slice %arg5[%and3A_16, %dma_wait3A_93] : memref<16x1024xi32, #tpu.memory_space<vmem>> -> memref<1x128xi32, #tpu.memory_space<vmem>>
      %dma_wait3A_95 = tpu.memref_squeeze %dma_wait3A_94 : memref<1x128xi32, #tpu.memory_space<vmem>> -> memref<128xi32, #tpu.memory_space<vmem>>
      %dma_wait3A_96 = arith.constant 0 : i32
      %dma_wait3A_97 = arith.constant 0 : i32
      %dma_wait3A_98 = tpu.memref_slice %arg2[%dma_wait3A_96, %dma_wait3A_97] : memref<1000000x128xf32, #tpu.memory_space<hbm>> -> memref<1000000x128xf32, #tpu.memory_space<hbm>>
      tpu.wait_indirect_dma semaphore(%arg10 : memref<!tpu.dma_semaphore, #tpu.memory_space<semaphore_mem>>) src(%dma_wait3A_98 : memref<1000000x128xf32, #tpu.memory_space<hbm>>) dst(%arg7 : memref<128x128xf32, #tpu.memory_space<vmem>>)
      %dma_start3A_99 = arith.constant 512 : i32
      %dma_start3A_100 = tpu.memref_slice %arg5[%and3A_16, %dma_start3A_99] : memref<16x1024xi32, #tpu.memory_space<vmem>> -> memref<1x128xi32, #tpu.memory_space<vmem>>
      %dma_start3A_101 = tpu.memref_squeeze %dma_start3A_100 : memref<1x128xi32, #tpu.memory_space<vmem>> -> memref<128xi32, #tpu.memory_space<vmem>>
      %dma_start3A_102 = arith.constant 0 : i32
      %dma_start3A_103 = arith.constant 0 : i32
      %dma_start3A_104 = tpu.memref_slice %arg2[%dma_start3A_102, %dma_start3A_103] : memref<1000000x128xf32, #tpu.memory_space<hbm>> -> memref<1000000x128xf32, #tpu.memory_space<hbm>>
      tpu.enqueue_indirect_dma source(%dma_start3A_104 : memref<1000000x128xf32, #tpu.memory_space<hbm>>) target(%arg6 : memref<128x128xf32, #tpu.memory_space<vmem>>) offsets(%dma_start3A_101 : memref<128xi32, #tpu.memory_space<vmem>>) semaphore(%arg10 : memref<!tpu.dma_semaphore, #tpu.memory_space<semaphore_mem>>)
      %broadcast_in_dim3A_105 = arith.constant 0.000000e+00 : f32
      %broadcast_in_dim3A_106 = vector.broadcast %broadcast_in_dim3A_105 : f32 to vector<16xf32>
      %scan3A_107 = arith.constant 0 : i32
      %scan3A_108 = arith.constant 0 : i32
      %scan3A_109 = arith.constant 8 : i32
      %scan3A_110 = arith.addi %scan3A_108, %scan3A_109 : i32
      %scan3A_111 = arith.constant 1 : i32
      scf.for %scan3A_210 = %scan3A_108 to %scan3A_110 step %scan3A_111  : i32 {
        %mul3A_211 = arith.constant 16 : i32
        %mul3A_212 = arith.muli %scan3A_210, %mul3A_211 : i32
        %add3A_213 = vector.broadcast %mul3A_212 : i32 to vector<16xi32>
        %add3A_214 = arith.addi %add3A_213, %iota3A : vector<16xi32>
        %parallel_loop3A_215 = arith.constant 0 : i32
        %parallel_loop3A_216 = arith.constant 64 : i32
        %parallel_loop3A_217 = arith.constant 4 : i32
        %parallel_loop3A_218:4 = scf.for %parallel_loop3A_225 = %parallel_loop3A_215 to %parallel_loop3A_216 step %parallel_loop3A_217 iter_args(%parallel_loop3A_226 = %broadcast_in_dim3A_106, %parallel_loop3A_227 = %broadcast_in_dim3A_106, %parallel_loop3A_228 = %broadcast_in_dim3A_106, %parallel_loop3A_229 = %broadcast_in_dim3A_106) -> (vector<16xf32>, vector<16xf32>, vector<16xf32>, vector<16xf32>)  : i32 {
          %parallel_loop3A_230 = arith.constant 0 : i32
          %parallel_loop3A_231 = vector.broadcast %parallel_loop3A_230 : i32 to vector<16xi32>
          %parallel_loop3A_232 = arith.muli %iota3A, %parallel_loop3A_231 : vector<16xi32>
          %parallel_loop3A_233 = vector.broadcast %parallel_loop3A_225 : i32 to vector<16xi32>
          %parallel_loop3A_234 = arith.addi %parallel_loop3A_232, %parallel_loop3A_233 : vector<16xi32>
          %parallel_loop3A_235 = tpu.vector_load_idx %arg7[%add3A_214, %parallel_loop3A_234] : memref<128x128xf32, #tpu.memory_space<vmem>>[vector<16xi32>, vector<16xi32>], vector<16xf32>,
          %parallel_loop3A_236 = arith.constant 0 : i32
          %parallel_loop3A_237 = vector.broadcast %parallel_loop3A_236 : i32 to vector<16xi32>
          %parallel_loop3A_238 = arith.muli %iota3A, %parallel_loop3A_237 : vector<16xi32>
          %parallel_loop3A_239 = arith.constant 1 : i32
          %parallel_loop3A_240 = arith.addi %parallel_loop3A_225, %parallel_loop3A_239 : i32
          %parallel_loop3A_241 = vector.broadcast %parallel_loop3A_240 : i32 to vector<16xi32>
          %parallel_loop3A_242 = arith.addi %parallel_loop3A_238, %parallel_loop3A_241 : vector<16xi32>
          %parallel_loop3A_243 = tpu.vector_load_idx %arg7[%add3A_214, %parallel_loop3A_242] : memref<128x128xf32, #tpu.memory_space<vmem>>[vector<16xi32>, vector<16xi32>], vector<16xf32>,
          %parallel_loop3A_244 = arith.constant 0 : i32
          %parallel_loop3A_245 = vector.broadcast %parallel_loop3A_244 : i32 to vector<16xi32>
          %parallel_loop3A_246 = arith.muli %iota3A, %parallel_loop3A_245 : vector<16xi32>
          %parallel_loop3A_247 = arith.constant 2 : i32
          %parallel_loop3A_248 = arith.addi %parallel_loop3A_225, %parallel_loop3A_247 : i32
          %parallel_loop3A_249 = vector.broadcast %parallel_loop3A_248 : i32 to vector<16xi32>
          %parallel_loop3A_250 = arith.addi %parallel_loop3A_246, %parallel_loop3A_249 : vector<16xi32>
          %parallel_loop3A_251 = tpu.vector_load_idx %arg7[%add3A_214, %parallel_loop3A_250] : memref<128x128xf32, #tpu.memory_space<vmem>>[vector<16xi32>, vector<16xi32>], vector<16xf32>,
          %parallel_loop3A_252 = arith.constant 0 : i32
          %parallel_loop3A_253 = vector.broadcast %parallel_loop3A_252 : i32 to vector<16xi32>
          %parallel_loop3A_254 = arith.muli %iota3A, %parallel_loop3A_253 : vector<16xi32>
          %parallel_loop3A_255 = arith.constant 3 : i32
          %parallel_loop3A_256 = arith.addi %parallel_loop3A_225, %parallel_loop3A_255 : i32
          %parallel_loop3A_257 = vector.broadcast %parallel_loop3A_256 : i32 to vector<16xi32>
          %parallel_loop3A_258 = arith.addi %parallel_loop3A_254, %parallel_loop3A_257 : vector<16xi32>
          %parallel_loop3A_259 = tpu.vector_load_idx %arg7[%add3A_214, %parallel_loop3A_258] : memref<128x128xf32, #tpu.memory_space<vmem>>[vector<16xi32>, vector<16xi32>], vector<16xf32>,
          %parallel_loop3A_260 = arith.constant 1 : i32
          %parallel_loop3A_261 = arith.addi %parallel_loop3A_225, %parallel_loop3A_260 : i32
          %parallel_loop3A_262 = arith.constant 16 : i32
          %parallel_loop3A_263 = arith.muli %scan3A_210, %parallel_loop3A_262 : i32
          %parallel_loop3A_264 = arith.constant 3 : i32
          %parallel_loop3A_265 = arith.index_cast %parallel_loop3A_261 : i32 to index
          %parallel_loop3A_266 = arith.index_cast %parallel_loop3A_264 : i32 to index
          %parallel_loop3A_267 = arith.index_cast %parallel_loop3A_263 : i32 to index
          %parallel_loop3A_268 = tpu.vector_load %arg8[%parallel_loop3A_265, %parallel_loop3A_266, %parallel_loop3A_267] {strides = array<i32>} : memref<65x8x128xf32, #tpu.memory_space<vmem>>, vector<16xf32>,
          tpu.vector_store %arg8[%parallel_loop3A_265, %parallel_loop3A_266, %parallel_loop3A_267], %parallel_loop3A_235 {strides = array<i32>} : memref<65x8x128xf32, #tpu.memory_space<vmem>>, vector<16xf32>,
          %parallel_loop3A_269 = arith.constant 2 : i32
          %parallel_loop3A_270 = arith.addi %parallel_loop3A_225, %parallel_loop3A_269 : i32
          %parallel_loop3A_271 = arith.constant 16 : i32
          %parallel_loop3A_272 = arith.muli %scan3A_210, %parallel_loop3A_271 : i32
          %parallel_loop3A_273 = arith.constant 3 : i32
          %parallel_loop3A_274 = arith.index_cast %parallel_loop3A_270 : i32 to index
          %parallel_loop3A_275 = arith.index_cast %parallel_loop3A_273 : i32 to index
          %parallel_loop3A_276 = arith.index_cast %parallel_loop3A_272 : i32 to index
          %parallel_loop3A_277 = tpu.vector_load %arg8[%parallel_loop3A_274, %parallel_loop3A_275, %parallel_loop3A_276] {strides = array<i32>} : memref<65x8x128xf32, #tpu.memory_space<vmem>>, vector<16xf32>,
          tpu.vector_store %arg8[%parallel_loop3A_274, %parallel_loop3A_275, %parallel_loop3A_276], %parallel_loop3A_243 {strides = array<i32>} : memref<65x8x128xf32, #tpu.memory_space<vmem>>, vector<16xf32>,
          %parallel_loop3A_278 = arith.constant 3 : i32
          %parallel_loop3A_279 = arith.addi %parallel_loop3A_225, %parallel_loop3A_278 : i32
          %parallel_loop3A_280 = arith.constant 16 : i32
          %parallel_loop3A_281 = arith.muli %scan3A_210, %parallel_loop3A_280 : i32
          %parallel_loop3A_282 = arith.constant 3 : i32
          %parallel_loop3A_283 = arith.index_cast %parallel_loop3A_279 : i32 to index
          %parallel_loop3A_284 = arith.index_cast %parallel_loop3A_282 : i32 to index
          %parallel_loop3A_285 = arith.index_cast %parallel_loop3A_281 : i32 to index
          %parallel_loop3A_286 = tpu.vector_load %arg8[%parallel_loop3A_283, %parallel_loop3A_284, %parallel_loop3A_285] {strides = array<i32>} : memref<65x8x128xf32, #tpu.memory_space<vmem>>, vector<16xf32>,
          tpu.vector_store %arg8[%parallel_loop3A_283, %parallel_loop3A_284, %parallel_loop3A_285], %parallel_loop3A_251 {strides = array<i32>} : memref<65x8x128xf32, #tpu.memory_space<vmem>>, vector<16xf32>,
          %parallel_loop3A_287 = arith.constant 4 : i32
          %parallel_loop3A_288 = arith.addi %parallel_loop3A_225, %parallel_loop3A_287 : i32
          %parallel_loop3A_289 = arith.constant 16 : i32
          %parallel_loop3A_290 = arith.muli %scan3A_210, %parallel_loop3A_289 : i32
          %parallel_loop3A_291 = arith.constant 3 : i32
          %parallel_loop3A_292 = arith.index_cast %parallel_loop3A_288 : i32 to index
          %parallel_loop3A_293 = arith.index_cast %parallel_loop3A_291 : i32 to index
          %parallel_loop3A_294 = arith.index_cast %parallel_loop3A_290 : i32 to index
          %parallel_loop3A_295 = tpu.vector_load %arg8[%parallel_loop3A_292, %parallel_loop3A_293, %parallel_loop3A_294] {strides = array<i32>} : memref<65x8x128xf32, #tpu.memory_space<vmem>>, vector<16xf32>,
          tpu.vector_store %arg8[%parallel_loop3A_292, %parallel_loop3A_293, %parallel_loop3A_294], %parallel_loop3A_259 {strides = array<i32>} : memref<65x8x128xf32, #tpu.memory_space<vmem>>, vector<16xf32>,
          %parallel_loop3A_296 = arith.mulf %parallel_loop3A_235, %parallel_loop3A_235 : vector<16xf32>
          %parallel_loop3A_297 = arith.addf %parallel_loop3A_226, %parallel_loop3A_296 : vector<16xf32>
          %parallel_loop3A_298 = arith.mulf %parallel_loop3A_243, %parallel_loop3A_243 : vector<16xf32>
          %parallel_loop3A_299 = arith.addf %parallel_loop3A_227, %parallel_loop3A_298 : vector<16xf32>
          %parallel_loop3A_300 = arith.mulf %parallel_loop3A_251, %parallel_loop3A_251 : vector<16xf32>
          %parallel_loop3A_301 = arith.addf %parallel_loop3A_228, %parallel_loop3A_300 : vector<16xf32>
          %parallel_loop3A_302 = arith.mulf %parallel_loop3A_259, %parallel_loop3A_259 : vector<16xf32>
          %parallel_loop3A_303 = arith.addf %parallel_loop3A_229, %parallel_loop3A_302 : vector<16xf32>
          scf.yield %parallel_loop3A_297, %parallel_loop3A_299, %parallel_loop3A_301, %parallel_loop3A_303 : vector<16xf32>, vector<16xf32>, vector<16xf32>, vector<16xf32>
        } {sc.loop_unroll_factor = 2 : i64, sc.parallel_access}
        %add3A_219 = arith.addf %parallel_loop3A_218#0, %parallel_loop3A_218#1 : vector<16xf32>
        %add3A_220 = arith.addf %parallel_loop3A_218#2, %parallel_loop3A_218#3 : vector<16xf32>
        %add3A_221 = arith.addf %add3A_219, %add3A_220 : vector<16xf32>
        %mul3A_222 = arith.constant 16 : i32
        %mul3A_223 = arith.muli %scan3A_210, %mul3A_222 : i32
        %swap3A = arith.index_cast %mul3A_223 : i32 to index
        %swap3A_224 = tpu.vector_load %arg9[%swap3A] {strides = array<i32>} : memref<128xf32, #tpu.memory_space<vmem>>, vector<16xf32>,
        tpu.vector_store %arg9[%swap3A], %add3A_221 {strides = array<i32>} : memref<128xf32, #tpu.memory_space<vmem>>, vector<16xf32>,
      }
      %scan3A_112 = arith.constant 8 : i32
      %parallel_loop3A_113 = arith.constant 0 : i32
      %parallel_loop3A_114 = arith.constant 8 : i32
      %parallel_loop3A_115 = arith.constant 1 : i32
      scf.for %parallel_loop3A_210 = %parallel_loop3A_113 to %parallel_loop3A_114 step %parallel_loop3A_115  : i32 {
        %parallel_loop3A_211 = arith.constant 16 : i32
        %parallel_loop3A_212 = arith.muli %parallel_loop3A_210, %parallel_loop3A_211 : i32
        %parallel_loop3A_213 = arith.index_cast %parallel_loop3A_212 : i32 to index
        %parallel_loop3A_214 = tpu.vector_load %arg9[%parallel_loop3A_213] {strides = array<i32>} : memref<128xf32, #tpu.memory_space<vmem>>, vector<16xf32>,
        %parallel_loop3A_215 = arith.constant 1.000000e+00 : f32
        %parallel_loop3A_216 = vector.broadcast %parallel_loop3A_215 : f32 to vector<16xf32>
        %parallel_loop3A_217 = arith.addf %parallel_loop3A_216, %parallel_loop3A_214 : vector<16xf32>
        %parallel_loop3A_218 = tpu.bitcast %parallel_loop3A_217 : vector<16xf32> -> vector<16xi32>
        %parallel_loop3A_219 = arith.constant 1 : i32
        %parallel_loop3A_220 = vector.broadcast %parallel_loop3A_219 : i32 to vector<16xi32>
        %parallel_loop3A_221 = arith.shrsi %parallel_loop3A_218, %parallel_loop3A_220 : vector<16xi32>
        %parallel_loop3A_222 = arith.constant 1597463007 : i32
        %parallel_loop3A_223 = vector.broadcast %parallel_loop3A_222 : i32 to vector<16xi32>
        %parallel_loop3A_224 = arith.subi %parallel_loop3A_223, %parallel_loop3A_221 : vector<16xi32>
        %parallel_loop3A_225 = tpu.bitcast %parallel_loop3A_224 : vector<16xi32> -> vector<16xf32>
        %parallel_loop3A_226 = arith.constant 5.000000e-01 : f32
        %parallel_loop3A_227 = vector.broadcast %parallel_loop3A_226 : f32 to vector<16xf32>
        %parallel_loop3A_228 = arith.mulf %parallel_loop3A_227, %parallel_loop3A_217 : vector<16xf32>
        %parallel_loop3A_229 = arith.mulf %parallel_loop3A_228, %parallel_loop3A_225 : vector<16xf32>
        %parallel_loop3A_230 = arith.mulf %parallel_loop3A_229, %parallel_loop3A_225 : vector<16xf32>
        %parallel_loop3A_231 = arith.constant 1.500000e+00 : f32
        %parallel_loop3A_232 = vector.broadcast %parallel_loop3A_231 : f32 to vector<16xf32>
        %parallel_loop3A_233 = arith.subf %parallel_loop3A_232, %parallel_loop3A_230 : vector<16xf32>
        %parallel_loop3A_234 = arith.mulf %parallel_loop3A_225, %parallel_loop3A_233 : vector<16xf32>
        %parallel_loop3A_235 = arith.mulf %parallel_loop3A_228, %parallel_loop3A_234 : vector<16xf32>
        %parallel_loop3A_236 = arith.mulf %parallel_loop3A_235, %parallel_loop3A_234 : vector<16xf32>
        %parallel_loop3A_237 = arith.constant 1.500000e+00 : f32
        %parallel_loop3A_238 = vector.broadcast %parallel_loop3A_237 : f32 to vector<16xf32>
        %parallel_loop3A_239 = arith.subf %parallel_loop3A_238, %parallel_loop3A_236 : vector<16xf32>
        %parallel_loop3A_240 = arith.mulf %parallel_loop3A_234, %parallel_loop3A_239 : vector<16xf32>
        %parallel_loop3A_241 = arith.mulf %parallel_loop3A_228, %parallel_loop3A_240 : vector<16xf32>
        %parallel_loop3A_242 = arith.mulf %parallel_loop3A_241, %parallel_loop3A_240 : vector<16xf32>
        %parallel_loop3A_243 = arith.constant 1.500000e+00 : f32
        %parallel_loop3A_244 = vector.broadcast %parallel_loop3A_243 : f32 to vector<16xf32>
        %parallel_loop3A_245 = arith.subf %parallel_loop3A_244, %parallel_loop3A_242 : vector<16xf32>
        %parallel_loop3A_246 = arith.mulf %parallel_loop3A_240, %parallel_loop3A_245 : vector<16xf32>
        %parallel_loop3A_247 = arith.mulf %parallel_loop3A_217, %parallel_loop3A_246 : vector<16xf32>
        %parallel_loop3A_248 = arith.constant 16 : i32
        %parallel_loop3A_249 = arith.muli %parallel_loop3A_210, %parallel_loop3A_248 : i32
        %parallel_loop3A_250 = arith.constant 0 : i32
        %parallel_loop3A_251 = arith.constant 3 : i32
        %parallel_loop3A_252 = arith.index_cast %parallel_loop3A_250 : i32 to index
        %parallel_loop3A_253 = arith.index_cast %parallel_loop3A_251 : i32 to index
        %parallel_loop3A_254 = arith.index_cast %parallel_loop3A_249 : i32 to index
        %parallel_loop3A_255 = tpu.vector_load %arg8[%parallel_loop3A_252, %parallel_loop3A_253, %parallel_loop3A_254] {strides = array<i32>} : memref<65x8x128xf32, #tpu.memory_space<vmem>>, vector<16xf32>,
        tpu.vector_store %arg8[%parallel_loop3A_252, %parallel_loop3A_253, %parallel_loop3A_254], %parallel_loop3A_247 {strides = array<i32>} : memref<65x8x128xf32, #tpu.memory_space<vmem>>, vector<16xf32>,
      } {sc.loop_unroll_factor = 2 : i64, sc.parallel_access}
      %dma_wait3A_116 = arith.constant 512 : i32
      %dma_wait3A_117 = tpu.memref_slice %arg5[%and3A_16, %dma_wait3A_116] : memref<16x1024xi32, #tpu.memory_space<vmem>> -> memref<1x128xi32, #tpu.memory_space<vmem>>
      %dma_wait3A_118 = tpu.memref_squeeze %dma_wait3A_117 : memref<1x128xi32, #tpu.memory_space<vmem>> -> memref<128xi32, #tpu.memory_space<vmem>>
      %dma_wait3A_119 = arith.constant 0 : i32
      %dma_wait3A_120 = arith.constant 0 : i32
      %dma_wait3A_121 = tpu.memref_slice %arg2[%dma_wait3A_119, %dma_wait3A_120] : memref<1000000x128xf32, #tpu.memory_space<hbm>> -> memref<1000000x128xf32, #tpu.memory_space<hbm>>
      tpu.wait_indirect_dma semaphore(%arg10 : memref<!tpu.dma_semaphore, #tpu.memory_space<semaphore_mem>>) src(%dma_wait3A_121 : memref<1000000x128xf32, #tpu.memory_space<hbm>>) dst(%arg6 : memref<128x128xf32, #tpu.memory_space<vmem>>)
      %dma_start3A_122 = arith.constant 640 : i32
      %dma_start3A_123 = tpu.memref_slice %arg5[%and3A_16, %dma_start3A_122] : memref<16x1024xi32, #tpu.memory_space<vmem>> -> memref<1x128xi32, #tpu.memory_space<vmem>>
      %dma_start3A_124 = tpu.memref_squeeze %dma_start3A_123 : memref<1x128xi32, #tpu.memory_space<vmem>> -> memref<128xi32, #tpu.memory_space<vmem>>
      %dma_start3A_125 = arith.constant 0 : i32
      %dma_start3A_126 = arith.constant 0 : i32
      %dma_start3A_127 = tpu.memref_slice %arg2[%dma_start3A_125, %dma_start3A_126] : memref<1000000x128xf32, #tpu.memory_space<hbm>> -> memref<1000000x128xf32, #tpu.memory_space<hbm>>
      tpu.enqueue_indirect_dma source(%dma_start3A_127 : memref<1000000x128xf32, #tpu.memory_space<hbm>>) target(%arg7 : memref<128x128xf32, #tpu.memory_space<vmem>>) offsets(%dma_start3A_124 : memref<128xi32, #tpu.memory_space<vmem>>) semaphore(%arg10 : memref<!tpu.dma_semaphore, #tpu.memory_space<semaphore_mem>>)
      %broadcast_in_dim3A_128 = arith.constant 0.000000e+00 : f32
      %broadcast_in_dim3A_129 = vector.broadcast %broadcast_in_dim3A_128 : f32 to vector<16xf32>
      %scan3A_130 = arith.constant 0 : i32
      %scan3A_131 = arith.constant 0 : i32
      %scan3A_132 = arith.constant 8 : i32
      %scan3A_133 = arith.addi %scan3A_131, %scan3A_132 : i32
      %scan3A_134 = arith.constant 1 : i32
      scf.for %scan3A_210 = %scan3A_131 to %scan3A_133 step %scan3A_134  : i32 {
        %mul3A_211 = arith.constant 16 : i32
        %mul3A_212 = arith.muli %scan3A_210, %mul3A_211 : i32
        %add3A_213 = vector.broadcast %mul3A_212 : i32 to vector<16xi32>
        %add3A_214 = arith.addi %add3A_213, %iota3A : vector<16xi32>
        %parallel_loop3A_215 = arith.constant 0 : i32
        %parallel_loop3A_216 = arith.constant 64 : i32
        %parallel_loop3A_217 = arith.constant 4 : i32
        %parallel_loop3A_218:4 = scf.for %parallel_loop3A_225 = %parallel_loop3A_215 to %parallel_loop3A_216 step %parallel_loop3A_217 iter_args(%parallel_loop3A_226 = %broadcast_in_dim3A_129, %parallel_loop3A_227 = %broadcast_in_dim3A_129, %parallel_loop3A_228 = %broadcast_in_dim3A_129, %parallel_loop3A_229 = %broadcast_in_dim3A_129) -> (vector<16xf32>, vector<16xf32>, vector<16xf32>, vector<16xf32>)  : i32 {
          %parallel_loop3A_230 = arith.constant 0 : i32
          %parallel_loop3A_231 = vector.broadcast %parallel_loop3A_230 : i32 to vector<16xi32>
          %parallel_loop3A_232 = arith.muli %iota3A, %parallel_loop3A_231 : vector<16xi32>
          %parallel_loop3A_233 = vector.broadcast %parallel_loop3A_225 : i32 to vector<16xi32>
          %parallel_loop3A_234 = arith.addi %parallel_loop3A_232, %parallel_loop3A_233 : vector<16xi32>
          %parallel_loop3A_235 = tpu.vector_load_idx %arg6[%add3A_214, %parallel_loop3A_234] : memref<128x128xf32, #tpu.memory_space<vmem>>[vector<16xi32>, vector<16xi32>], vector<16xf32>,
          %parallel_loop3A_236 = arith.constant 0 : i32
          %parallel_loop3A_237 = vector.broadcast %parallel_loop3A_236 : i32 to vector<16xi32>
          %parallel_loop3A_238 = arith.muli %iota3A, %parallel_loop3A_237 : vector<16xi32>
          %parallel_loop3A_239 = arith.constant 1 : i32
          %parallel_loop3A_240 = arith.addi %parallel_loop3A_225, %parallel_loop3A_239 : i32
          %parallel_loop3A_241 = vector.broadcast %parallel_loop3A_240 : i32 to vector<16xi32>
          %parallel_loop3A_242 = arith.addi %parallel_loop3A_238, %parallel_loop3A_241 : vector<16xi32>
          %parallel_loop3A_243 = tpu.vector_load_idx %arg6[%add3A_214, %parallel_loop3A_242] : memref<128x128xf32, #tpu.memory_space<vmem>>[vector<16xi32>, vector<16xi32>], vector<16xf32>,
          %parallel_loop3A_244 = arith.constant 0 : i32
          %parallel_loop3A_245 = vector.broadcast %parallel_loop3A_244 : i32 to vector<16xi32>
          %parallel_loop3A_246 = arith.muli %iota3A, %parallel_loop3A_245 : vector<16xi32>
          %parallel_loop3A_247 = arith.constant 2 : i32
          %parallel_loop3A_248 = arith.addi %parallel_loop3A_225, %parallel_loop3A_247 : i32
          %parallel_loop3A_249 = vector.broadcast %parallel_loop3A_248 : i32 to vector<16xi32>
          %parallel_loop3A_250 = arith.addi %parallel_loop3A_246, %parallel_loop3A_249 : vector<16xi32>
          %parallel_loop3A_251 = tpu.vector_load_idx %arg6[%add3A_214, %parallel_loop3A_250] : memref<128x128xf32, #tpu.memory_space<vmem>>[vector<16xi32>, vector<16xi32>], vector<16xf32>,
          %parallel_loop3A_252 = arith.constant 0 : i32
          %parallel_loop3A_253 = vector.broadcast %parallel_loop3A_252 : i32 to vector<16xi32>
          %parallel_loop3A_254 = arith.muli %iota3A, %parallel_loop3A_253 : vector<16xi32>
          %parallel_loop3A_255 = arith.constant 3 : i32
          %parallel_loop3A_256 = arith.addi %parallel_loop3A_225, %parallel_loop3A_255 : i32
          %parallel_loop3A_257 = vector.broadcast %parallel_loop3A_256 : i32 to vector<16xi32>
          %parallel_loop3A_258 = arith.addi %parallel_loop3A_254, %parallel_loop3A_257 : vector<16xi32>
          %parallel_loop3A_259 = tpu.vector_load_idx %arg6[%add3A_214, %parallel_loop3A_258] : memref<128x128xf32, #tpu.memory_space<vmem>>[vector<16xi32>, vector<16xi32>], vector<16xf32>,
          %parallel_loop3A_260 = arith.constant 1 : i32
          %parallel_loop3A_261 = arith.addi %parallel_loop3A_225, %parallel_loop3A_260 : i32
          %parallel_loop3A_262 = arith.constant 16 : i32
          %parallel_loop3A_263 = arith.muli %scan3A_210, %parallel_loop3A_262 : i32
          %parallel_loop3A_264 = arith.constant 4 : i32
          %parallel_loop3A_265 = arith.index_cast %parallel_loop3A_261 : i32 to index
          %parallel_loop3A_266 = arith.index_cast %parallel_loop3A_264 : i32 to index
          %parallel_loop3A_267 = arith.index_cast %parallel_loop3A_263 : i32 to index
          %parallel_loop3A_268 = tpu.vector_load %arg8[%parallel_loop3A_265, %parallel_loop3A_266, %parallel_loop3A_267] {strides = array<i32>} : memref<65x8x128xf32, #tpu.memory_space<vmem>>, vector<16xf32>,
          tpu.vector_store %arg8[%parallel_loop3A_265, %parallel_loop3A_266, %parallel_loop3A_267], %parallel_loop3A_235 {strides = array<i32>} : memref<65x8x128xf32, #tpu.memory_space<vmem>>, vector<16xf32>,
          %parallel_loop3A_269 = arith.constant 2 : i32
          %parallel_loop3A_270 = arith.addi %parallel_loop3A_225, %parallel_loop3A_269 : i32
          %parallel_loop3A_271 = arith.constant 16 : i32
          %parallel_loop3A_272 = arith.muli %scan3A_210, %parallel_loop3A_271 : i32
          %parallel_loop3A_273 = arith.constant 4 : i32
          %parallel_loop3A_274 = arith.index_cast %parallel_loop3A_270 : i32 to index
          %parallel_loop3A_275 = arith.index_cast %parallel_loop3A_273 : i32 to index
          %parallel_loop3A_276 = arith.index_cast %parallel_loop3A_272 : i32 to index
          %parallel_loop3A_277 = tpu.vector_load %arg8[%parallel_loop3A_274, %parallel_loop3A_275, %parallel_loop3A_276] {strides = array<i32>} : memref<65x8x128xf32, #tpu.memory_space<vmem>>, vector<16xf32>,
          tpu.vector_store %arg8[%parallel_loop3A_274, %parallel_loop3A_275, %parallel_loop3A_276], %parallel_loop3A_243 {strides = array<i32>} : memref<65x8x128xf32, #tpu.memory_space<vmem>>, vector<16xf32>,
          %parallel_loop3A_278 = arith.constant 3 : i32
          %parallel_loop3A_279 = arith.addi %parallel_loop3A_225, %parallel_loop3A_278 : i32
          %parallel_loop3A_280 = arith.constant 16 : i32
          %parallel_loop3A_281 = arith.muli %scan3A_210, %parallel_loop3A_280 : i32
          %parallel_loop3A_282 = arith.constant 4 : i32
          %parallel_loop3A_283 = arith.index_cast %parallel_loop3A_279 : i32 to index
          %parallel_loop3A_284 = arith.index_cast %parallel_loop3A_282 : i32 to index
          %parallel_loop3A_285 = arith.index_cast %parallel_loop3A_281 : i32 to index
          %parallel_loop3A_286 = tpu.vector_load %arg8[%parallel_loop3A_283, %parallel_loop3A_284, %parallel_loop3A_285] {strides = array<i32>} : memref<65x8x128xf32, #tpu.memory_space<vmem>>, vector<16xf32>,
          tpu.vector_store %arg8[%parallel_loop3A_283, %parallel_loop3A_284, %parallel_loop3A_285], %parallel_loop3A_251 {strides = array<i32>} : memref<65x8x128xf32, #tpu.memory_space<vmem>>, vector<16xf32>,
          %parallel_loop3A_287 = arith.constant 4 : i32
          %parallel_loop3A_288 = arith.addi %parallel_loop3A_225, %parallel_loop3A_287 : i32
          %parallel_loop3A_289 = arith.constant 16 : i32
          %parallel_loop3A_290 = arith.muli %scan3A_210, %parallel_loop3A_289 : i32
          %parallel_loop3A_291 = arith.constant 4 : i32
          %parallel_loop3A_292 = arith.index_cast %parallel_loop3A_288 : i32 to index
          %parallel_loop3A_293 = arith.index_cast %parallel_loop3A_291 : i32 to index
          %parallel_loop3A_294 = arith.index_cast %parallel_loop3A_290 : i32 to index
          %parallel_loop3A_295 = tpu.vector_load %arg8[%parallel_loop3A_292, %parallel_loop3A_293, %parallel_loop3A_294] {strides = array<i32>} : memref<65x8x128xf32, #tpu.memory_space<vmem>>, vector<16xf32>,
          tpu.vector_store %arg8[%parallel_loop3A_292, %parallel_loop3A_293, %parallel_loop3A_294], %parallel_loop3A_259 {strides = array<i32>} : memref<65x8x128xf32, #tpu.memory_space<vmem>>, vector<16xf32>,
          %parallel_loop3A_296 = arith.mulf %parallel_loop3A_235, %parallel_loop3A_235 : vector<16xf32>
          %parallel_loop3A_297 = arith.addf %parallel_loop3A_226, %parallel_loop3A_296 : vector<16xf32>
          %parallel_loop3A_298 = arith.mulf %parallel_loop3A_243, %parallel_loop3A_243 : vector<16xf32>
          %parallel_loop3A_299 = arith.addf %parallel_loop3A_227, %parallel_loop3A_298 : vector<16xf32>
          %parallel_loop3A_300 = arith.mulf %parallel_loop3A_251, %parallel_loop3A_251 : vector<16xf32>
          %parallel_loop3A_301 = arith.addf %parallel_loop3A_228, %parallel_loop3A_300 : vector<16xf32>
          %parallel_loop3A_302 = arith.mulf %parallel_loop3A_259, %parallel_loop3A_259 : vector<16xf32>
          %parallel_loop3A_303 = arith.addf %parallel_loop3A_229, %parallel_loop3A_302 : vector<16xf32>
          scf.yield %parallel_loop3A_297, %parallel_loop3A_299, %parallel_loop3A_301, %parallel_loop3A_303 : vector<16xf32>, vector<16xf32>, vector<16xf32>, vector<16xf32>
        } {sc.loop_unroll_factor = 2 : i64, sc.parallel_access}
        %add3A_219 = arith.addf %parallel_loop3A_218#0, %parallel_loop3A_218#1 : vector<16xf32>
        %add3A_220 = arith.addf %parallel_loop3A_218#2, %parallel_loop3A_218#3 : vector<16xf32>
        %add3A_221 = arith.addf %add3A_219, %add3A_220 : vector<16xf32>
        %mul3A_222 = arith.constant 16 : i32
        %mul3A_223 = arith.muli %scan3A_210, %mul3A_222 : i32
        %swap3A = arith.index_cast %mul3A_223 : i32 to index
        %swap3A_224 = tpu.vector_load %arg9[%swap3A] {strides = array<i32>} : memref<128xf32, #tpu.memory_space<vmem>>, vector<16xf32>,
        tpu.vector_store %arg9[%swap3A], %add3A_221 {strides = array<i32>} : memref<128xf32, #tpu.memory_space<vmem>>, vector<16xf32>,
      }
      %scan3A_135 = arith.constant 8 : i32
      %parallel_loop3A_136 = arith.constant 0 : i32
      %parallel_loop3A_137 = arith.constant 8 : i32
      %parallel_loop3A_138 = arith.constant 1 : i32
      scf.for %parallel_loop3A_210 = %parallel_loop3A_136 to %parallel_loop3A_137 step %parallel_loop3A_138  : i32 {
        %parallel_loop3A_211 = arith.constant 16 : i32
        %parallel_loop3A_212 = arith.muli %parallel_loop3A_210, %parallel_loop3A_211 : i32
        %parallel_loop3A_213 = arith.index_cast %parallel_loop3A_212 : i32 to index
        %parallel_loop3A_214 = tpu.vector_load %arg9[%parallel_loop3A_213] {strides = array<i32>} : memref<128xf32, #tpu.memory_space<vmem>>, vector<16xf32>,
        %parallel_loop3A_215 = arith.constant 1.000000e+00 : f32
        %parallel_loop3A_216 = vector.broadcast %parallel_loop3A_215 : f32 to vector<16xf32>
        %parallel_loop3A_217 = arith.addf %parallel_loop3A_216, %parallel_loop3A_214 : vector<16xf32>
        %parallel_loop3A_218 = tpu.bitcast %parallel_loop3A_217 : vector<16xf32> -> vector<16xi32>
        %parallel_loop3A_219 = arith.constant 1 : i32
        %parallel_loop3A_220 = vector.broadcast %parallel_loop3A_219 : i32 to vector<16xi32>
        %parallel_loop3A_221 = arith.shrsi %parallel_loop3A_218, %parallel_loop3A_220 : vector<16xi32>
        %parallel_loop3A_222 = arith.constant 1597463007 : i32
        %parallel_loop3A_223 = vector.broadcast %parallel_loop3A_222 : i32 to vector<16xi32>
        %parallel_loop3A_224 = arith.subi %parallel_loop3A_223, %parallel_loop3A_221 : vector<16xi32>
        %parallel_loop3A_225 = tpu.bitcast %parallel_loop3A_224 : vector<16xi32> -> vector<16xf32>
        %parallel_loop3A_226 = arith.constant 5.000000e-01 : f32
        %parallel_loop3A_227 = vector.broadcast %parallel_loop3A_226 : f32 to vector<16xf32>
        %parallel_loop3A_228 = arith.mulf %parallel_loop3A_227, %parallel_loop3A_217 : vector<16xf32>
        %parallel_loop3A_229 = arith.mulf %parallel_loop3A_228, %parallel_loop3A_225 : vector<16xf32>
        %parallel_loop3A_230 = arith.mulf %parallel_loop3A_229, %parallel_loop3A_225 : vector<16xf32>
        %parallel_loop3A_231 = arith.constant 1.500000e+00 : f32
        %parallel_loop3A_232 = vector.broadcast %parallel_loop3A_231 : f32 to vector<16xf32>
        %parallel_loop3A_233 = arith.subf %parallel_loop3A_232, %parallel_loop3A_230 : vector<16xf32>
        %parallel_loop3A_234 = arith.mulf %parallel_loop3A_225, %parallel_loop3A_233 : vector<16xf32>
        %parallel_loop3A_235 = arith.mulf %parallel_loop3A_228, %parallel_loop3A_234 : vector<16xf32>
        %parallel_loop3A_236 = arith.mulf %parallel_loop3A_235, %parallel_loop3A_234 : vector<16xf32>
        %parallel_loop3A_237 = arith.constant 1.500000e+00 : f32
        %parallel_loop3A_238 = vector.broadcast %parallel_loop3A_237 : f32 to vector<16xf32>
        %parallel_loop3A_239 = arith.subf %parallel_loop3A_238, %parallel_loop3A_236 : vector<16xf32>
        %parallel_loop3A_240 = arith.mulf %parallel_loop3A_234, %parallel_loop3A_239 : vector<16xf32>
        %parallel_loop3A_241 = arith.mulf %parallel_loop3A_228, %parallel_loop3A_240 : vector<16xf32>
        %parallel_loop3A_242 = arith.mulf %parallel_loop3A_241, %parallel_loop3A_240 : vector<16xf32>
        %parallel_loop3A_243 = arith.constant 1.500000e+00 : f32
        %parallel_loop3A_244 = vector.broadcast %parallel_loop3A_243 : f32 to vector<16xf32>
        %parallel_loop3A_245 = arith.subf %parallel_loop3A_244, %parallel_loop3A_242 : vector<16xf32>
        %parallel_loop3A_246 = arith.mulf %parallel_loop3A_240, %parallel_loop3A_245 : vector<16xf32>
        %parallel_loop3A_247 = arith.mulf %parallel_loop3A_217, %parallel_loop3A_246 : vector<16xf32>
        %parallel_loop3A_248 = arith.constant 16 : i32
        %parallel_loop3A_249 = arith.muli %parallel_loop3A_210, %parallel_loop3A_248 : i32
        %parallel_loop3A_250 = arith.constant 0 : i32
        %parallel_loop3A_251 = arith.constant 4 : i32
        %parallel_loop3A_252 = arith.index_cast %parallel_loop3A_250 : i32 to index
        %parallel_loop3A_253 = arith.index_cast %parallel_loop3A_251 : i32 to index
        %parallel_loop3A_254 = arith.index_cast %parallel_loop3A_249 : i32 to index
        %parallel_loop3A_255 = tpu.vector_load %arg8[%parallel_loop3A_252, %parallel_loop3A_253, %parallel_loop3A_254] {strides = array<i32>} : memref<65x8x128xf32, #tpu.memory_space<vmem>>, vector<16xf32>,
        tpu.vector_store %arg8[%parallel_loop3A_252, %parallel_loop3A_253, %parallel_loop3A_254], %parallel_loop3A_247 {strides = array<i32>} : memref<65x8x128xf32, #tpu.memory_space<vmem>>, vector<16xf32>,
      } {sc.loop_unroll_factor = 2 : i64, sc.parallel_access}
      %dma_wait3A_139 = arith.constant 640 : i32
      %dma_wait3A_140 = tpu.memref_slice %arg5[%and3A_16, %dma_wait3A_139] : memref<16x1024xi32, #tpu.memory_space<vmem>> -> memref<1x128xi32, #tpu.memory_space<vmem>>
      %dma_wait3A_141 = tpu.memref_squeeze %dma_wait3A_140 : memref<1x128xi32, #tpu.memory_space<vmem>> -> memref<128xi32, #tpu.memory_space<vmem>>
      %dma_wait3A_142 = arith.constant 0 : i32
      %dma_wait3A_143 = arith.constant 0 : i32
      %dma_wait3A_144 = tpu.memref_slice %arg2[%dma_wait3A_142, %dma_wait3A_143] : memref<1000000x128xf32, #tpu.memory_space<hbm>> -> memref<1000000x128xf32, #tpu.memory_space<hbm>>
      tpu.wait_indirect_dma semaphore(%arg10 : memref<!tpu.dma_semaphore, #tpu.memory_space<semaphore_mem>>) src(%dma_wait3A_144 : memref<1000000x128xf32, #tpu.memory_space<hbm>>) dst(%arg7 : memref<128x128xf32, #tpu.memory_space<vmem>>)
      %dma_start3A_145 = arith.constant 768 : i32
      %dma_start3A_146 = tpu.memref_slice %arg5[%and3A_16, %dma_start3A_145] : memref<16x1024xi32, #tpu.memory_space<vmem>> -> memref<1x128xi32, #tpu.memory_space<vmem>>
      %dma_start3A_147 = tpu.memref_squeeze %dma_start3A_146 : memref<1x128xi32, #tpu.memory_space<vmem>> -> memref<128xi32, #tpu.memory_space<vmem>>
      %dma_start3A_148 = arith.constant 0 : i32
      %dma_start3A_149 = arith.constant 0 : i32
      %dma_start3A_150 = tpu.memref_slice %arg2[%dma_start3A_148, %dma_start3A_149] : memref<1000000x128xf32, #tpu.memory_space<hbm>> -> memref<1000000x128xf32, #tpu.memory_space<hbm>>
      tpu.enqueue_indirect_dma source(%dma_start3A_150 : memref<1000000x128xf32, #tpu.memory_space<hbm>>) target(%arg6 : memref<128x128xf32, #tpu.memory_space<vmem>>) offsets(%dma_start3A_147 : memref<128xi32, #tpu.memory_space<vmem>>) semaphore(%arg10 : memref<!tpu.dma_semaphore, #tpu.memory_space<semaphore_mem>>)
      %broadcast_in_dim3A_151 = arith.constant 0.000000e+00 : f32
      %broadcast_in_dim3A_152 = vector.broadcast %broadcast_in_dim3A_151 : f32 to vector<16xf32>
      %scan3A_153 = arith.constant 0 : i32
      %scan3A_154 = arith.constant 0 : i32
      %scan3A_155 = arith.constant 8 : i32
      %scan3A_156 = arith.addi %scan3A_154, %scan3A_155 : i32
      %scan3A_157 = arith.constant 1 : i32
      scf.for %scan3A_210 = %scan3A_154 to %scan3A_156 step %scan3A_157  : i32 {
        %mul3A_211 = arith.constant 16 : i32
        %mul3A_212 = arith.muli %scan3A_210, %mul3A_211 : i32
        %add3A_213 = vector.broadcast %mul3A_212 : i32 to vector<16xi32>
        %add3A_214 = arith.addi %add3A_213, %iota3A : vector<16xi32>
        %parallel_loop3A_215 = arith.constant 0 : i32
        %parallel_loop3A_216 = arith.constant 64 : i32
        %parallel_loop3A_217 = arith.constant 4 : i32
        %parallel_loop3A_218:4 = scf.for %parallel_loop3A_225 = %parallel_loop3A_215 to %parallel_loop3A_216 step %parallel_loop3A_217 iter_args(%parallel_loop3A_226 = %broadcast_in_dim3A_152, %parallel_loop3A_227 = %broadcast_in_dim3A_152, %parallel_loop3A_228 = %broadcast_in_dim3A_152, %parallel_loop3A_229 = %broadcast_in_dim3A_152) -> (vector<16xf32>, vector<16xf32>, vector<16xf32>, vector<16xf32>)  : i32 {
          %parallel_loop3A_230 = arith.constant 0 : i32
          %parallel_loop3A_231 = vector.broadcast %parallel_loop3A_230 : i32 to vector<16xi32>
          %parallel_loop3A_232 = arith.muli %iota3A, %parallel_loop3A_231 : vector<16xi32>
          %parallel_loop3A_233 = vector.broadcast %parallel_loop3A_225 : i32 to vector<16xi32>
          %parallel_loop3A_234 = arith.addi %parallel_loop3A_232, %parallel_loop3A_233 : vector<16xi32>
          %parallel_loop3A_235 = tpu.vector_load_idx %arg7[%add3A_214, %parallel_loop3A_234] : memref<128x128xf32, #tpu.memory_space<vmem>>[vector<16xi32>, vector<16xi32>], vector<16xf32>,
          %parallel_loop3A_236 = arith.constant 0 : i32
          %parallel_loop3A_237 = vector.broadcast %parallel_loop3A_236 : i32 to vector<16xi32>
          %parallel_loop3A_238 = arith.muli %iota3A, %parallel_loop3A_237 : vector<16xi32>
          %parallel_loop3A_239 = arith.constant 1 : i32
          %parallel_loop3A_240 = arith.addi %parallel_loop3A_225, %parallel_loop3A_239 : i32
          %parallel_loop3A_241 = vector.broadcast %parallel_loop3A_240 : i32 to vector<16xi32>
          %parallel_loop3A_242 = arith.addi %parallel_loop3A_238, %parallel_loop3A_241 : vector<16xi32>
          %parallel_loop3A_243 = tpu.vector_load_idx %arg7[%add3A_214, %parallel_loop3A_242] : memref<128x128xf32, #tpu.memory_space<vmem>>[vector<16xi32>, vector<16xi32>], vector<16xf32>,
          %parallel_loop3A_244 = arith.constant 0 : i32
          %parallel_loop3A_245 = vector.broadcast %parallel_loop3A_244 : i32 to vector<16xi32>
          %parallel_loop3A_246 = arith.muli %iota3A, %parallel_loop3A_245 : vector<16xi32>
          %parallel_loop3A_247 = arith.constant 2 : i32
          %parallel_loop3A_248 = arith.addi %parallel_loop3A_225, %parallel_loop3A_247 : i32
          %parallel_loop3A_249 = vector.broadcast %parallel_loop3A_248 : i32 to vector<16xi32>
          %parallel_loop3A_250 = arith.addi %parallel_loop3A_246, %parallel_loop3A_249 : vector<16xi32>
          %parallel_loop3A_251 = tpu.vector_load_idx %arg7[%add3A_214, %parallel_loop3A_250] : memref<128x128xf32, #tpu.memory_space<vmem>>[vector<16xi32>, vector<16xi32>], vector<16xf32>,
          %parallel_loop3A_252 = arith.constant 0 : i32
          %parallel_loop3A_253 = vector.broadcast %parallel_loop3A_252 : i32 to vector<16xi32>
          %parallel_loop3A_254 = arith.muli %iota3A, %parallel_loop3A_253 : vector<16xi32>
          %parallel_loop3A_255 = arith.constant 3 : i32
          %parallel_loop3A_256 = arith.addi %parallel_loop3A_225, %parallel_loop3A_255 : i32
          %parallel_loop3A_257 = vector.broadcast %parallel_loop3A_256 : i32 to vector<16xi32>
          %parallel_loop3A_258 = arith.addi %parallel_loop3A_254, %parallel_loop3A_257 : vector<16xi32>
          %parallel_loop3A_259 = tpu.vector_load_idx %arg7[%add3A_214, %parallel_loop3A_258] : memref<128x128xf32, #tpu.memory_space<vmem>>[vector<16xi32>, vector<16xi32>], vector<16xf32>,
          %parallel_loop3A_260 = arith.constant 1 : i32
          %parallel_loop3A_261 = arith.addi %parallel_loop3A_225, %parallel_loop3A_260 : i32
          %parallel_loop3A_262 = arith.constant 16 : i32
          %parallel_loop3A_263 = arith.muli %scan3A_210, %parallel_loop3A_262 : i32
          %parallel_loop3A_264 = arith.constant 5 : i32
          %parallel_loop3A_265 = arith.index_cast %parallel_loop3A_261 : i32 to index
          %parallel_loop3A_266 = arith.index_cast %parallel_loop3A_264 : i32 to index
          %parallel_loop3A_267 = arith.index_cast %parallel_loop3A_263 : i32 to index
          %parallel_loop3A_268 = tpu.vector_load %arg8[%parallel_loop3A_265, %parallel_loop3A_266, %parallel_loop3A_267] {strides = array<i32>} : memref<65x8x128xf32, #tpu.memory_space<vmem>>, vector<16xf32>,
          tpu.vector_store %arg8[%parallel_loop3A_265, %parallel_loop3A_266, %parallel_loop3A_267], %parallel_loop3A_235 {strides = array<i32>} : memref<65x8x128xf32, #tpu.memory_space<vmem>>, vector<16xf32>,
          %parallel_loop3A_269 = arith.constant 2 : i32
          %parallel_loop3A_270 = arith.addi %parallel_loop3A_225, %parallel_loop3A_269 : i32
          %parallel_loop3A_271 = arith.constant 16 : i32
          %parallel_loop3A_272 = arith.muli %scan3A_210, %parallel_loop3A_271 : i32
          %parallel_loop3A_273 = arith.constant 5 : i32
          %parallel_loop3A_274 = arith.index_cast %parallel_loop3A_270 : i32 to index
          %parallel_loop3A_275 = arith.index_cast %parallel_loop3A_273 : i32 to index
          %parallel_loop3A_276 = arith.index_cast %parallel_loop3A_272 : i32 to index
          %parallel_loop3A_277 = tpu.vector_load %arg8[%parallel_loop3A_274, %parallel_loop3A_275, %parallel_loop3A_276] {strides = array<i32>} : memref<65x8x128xf32, #tpu.memory_space<vmem>>, vector<16xf32>,
          tpu.vector_store %arg8[%parallel_loop3A_274, %parallel_loop3A_275, %parallel_loop3A_276], %parallel_loop3A_243 {strides = array<i32>} : memref<65x8x128xf32, #tpu.memory_space<vmem>>, vector<16xf32>,
          %parallel_loop3A_278 = arith.constant 3 : i32
          %parallel_loop3A_279 = arith.addi %parallel_loop3A_225, %parallel_loop3A_278 : i32
          %parallel_loop3A_280 = arith.constant 16 : i32
          %parallel_loop3A_281 = arith.muli %scan3A_210, %parallel_loop3A_280 : i32
          %parallel_loop3A_282 = arith.constant 5 : i32
          %parallel_loop3A_283 = arith.index_cast %parallel_loop3A_279 : i32 to index
          %parallel_loop3A_284 = arith.index_cast %parallel_loop3A_282 : i32 to index
          %parallel_loop3A_285 = arith.index_cast %parallel_loop3A_281 : i32 to index
          %parallel_loop3A_286 = tpu.vector_load %arg8[%parallel_loop3A_283, %parallel_loop3A_284, %parallel_loop3A_285] {strides = array<i32>} : memref<65x8x128xf32, #tpu.memory_space<vmem>>, vector<16xf32>,
          tpu.vector_store %arg8[%parallel_loop3A_283, %parallel_loop3A_284, %parallel_loop3A_285], %parallel_loop3A_251 {strides = array<i32>} : memref<65x8x128xf32, #tpu.memory_space<vmem>>, vector<16xf32>,
          %parallel_loop3A_287 = arith.constant 4 : i32
          %parallel_loop3A_288 = arith.addi %parallel_loop3A_225, %parallel_loop3A_287 : i32
          %parallel_loop3A_289 = arith.constant 16 : i32
          %parallel_loop3A_290 = arith.muli %scan3A_210, %parallel_loop3A_289 : i32
          %parallel_loop3A_291 = arith.constant 5 : i32
          %parallel_loop3A_292 = arith.index_cast %parallel_loop3A_288 : i32 to index
          %parallel_loop3A_293 = arith.index_cast %parallel_loop3A_291 : i32 to index
          %parallel_loop3A_294 = arith.index_cast %parallel_loop3A_290 : i32 to index
          %parallel_loop3A_295 = tpu.vector_load %arg8[%parallel_loop3A_292, %parallel_loop3A_293, %parallel_loop3A_294] {strides = array<i32>} : memref<65x8x128xf32, #tpu.memory_space<vmem>>, vector<16xf32>,
          tpu.vector_store %arg8[%parallel_loop3A_292, %parallel_loop3A_293, %parallel_loop3A_294], %parallel_loop3A_259 {strides = array<i32>} : memref<65x8x128xf32, #tpu.memory_space<vmem>>, vector<16xf32>,
          %parallel_loop3A_296 = arith.mulf %parallel_loop3A_235, %parallel_loop3A_235 : vector<16xf32>
          %parallel_loop3A_297 = arith.addf %parallel_loop3A_226, %parallel_loop3A_296 : vector<16xf32>
          %parallel_loop3A_298 = arith.mulf %parallel_loop3A_243, %parallel_loop3A_243 : vector<16xf32>
          %parallel_loop3A_299 = arith.addf %parallel_loop3A_227, %parallel_loop3A_298 : vector<16xf32>
          %parallel_loop3A_300 = arith.mulf %parallel_loop3A_251, %parallel_loop3A_251 : vector<16xf32>
          %parallel_loop3A_301 = arith.addf %parallel_loop3A_228, %parallel_loop3A_300 : vector<16xf32>
          %parallel_loop3A_302 = arith.mulf %parallel_loop3A_259, %parallel_loop3A_259 : vector<16xf32>
          %parallel_loop3A_303 = arith.addf %parallel_loop3A_229, %parallel_loop3A_302 : vector<16xf32>
          scf.yield %parallel_loop3A_297, %parallel_loop3A_299, %parallel_loop3A_301, %parallel_loop3A_303 : vector<16xf32>, vector<16xf32>, vector<16xf32>, vector<16xf32>
        } {sc.loop_unroll_factor = 2 : i64, sc.parallel_access}
        %add3A_219 = arith.addf %parallel_loop3A_218#0, %parallel_loop3A_218#1 : vector<16xf32>
        %add3A_220 = arith.addf %parallel_loop3A_218#2, %parallel_loop3A_218#3 : vector<16xf32>
        %add3A_221 = arith.addf %add3A_219, %add3A_220 : vector<16xf32>
        %mul3A_222 = arith.constant 16 : i32
        %mul3A_223 = arith.muli %scan3A_210, %mul3A_222 : i32
        %swap3A = arith.index_cast %mul3A_223 : i32 to index
        %swap3A_224 = tpu.vector_load %arg9[%swap3A] {strides = array<i32>} : memref<128xf32, #tpu.memory_space<vmem>>, vector<16xf32>,
        tpu.vector_store %arg9[%swap3A], %add3A_221 {strides = array<i32>} : memref<128xf32, #tpu.memory_space<vmem>>, vector<16xf32>,
      }
      %scan3A_158 = arith.constant 8 : i32
      %parallel_loop3A_159 = arith.constant 0 : i32
      %parallel_loop3A_160 = arith.constant 8 : i32
      %parallel_loop3A_161 = arith.constant 1 : i32
      scf.for %parallel_loop3A_210 = %parallel_loop3A_159 to %parallel_loop3A_160 step %parallel_loop3A_161  : i32 {
        %parallel_loop3A_211 = arith.constant 16 : i32
        %parallel_loop3A_212 = arith.muli %parallel_loop3A_210, %parallel_loop3A_211 : i32
        %parallel_loop3A_213 = arith.index_cast %parallel_loop3A_212 : i32 to index
        %parallel_loop3A_214 = tpu.vector_load %arg9[%parallel_loop3A_213] {strides = array<i32>} : memref<128xf32, #tpu.memory_space<vmem>>, vector<16xf32>,
        %parallel_loop3A_215 = arith.constant 1.000000e+00 : f32
        %parallel_loop3A_216 = vector.broadcast %parallel_loop3A_215 : f32 to vector<16xf32>
        %parallel_loop3A_217 = arith.addf %parallel_loop3A_216, %parallel_loop3A_214 : vector<16xf32>
        %parallel_loop3A_218 = tpu.bitcast %parallel_loop3A_217 : vector<16xf32> -> vector<16xi32>
        %parallel_loop3A_219 = arith.constant 1 : i32
        %parallel_loop3A_220 = vector.broadcast %parallel_loop3A_219 : i32 to vector<16xi32>
        %parallel_loop3A_221 = arith.shrsi %parallel_loop3A_218, %parallel_loop3A_220 : vector<16xi32>
        %parallel_loop3A_222 = arith.constant 1597463007 : i32
        %parallel_loop3A_223 = vector.broadcast %parallel_loop3A_222 : i32 to vector<16xi32>
        %parallel_loop3A_224 = arith.subi %parallel_loop3A_223, %parallel_loop3A_221 : vector<16xi32>
        %parallel_loop3A_225 = tpu.bitcast %parallel_loop3A_224 : vector<16xi32> -> vector<16xf32>
        %parallel_loop3A_226 = arith.constant 5.000000e-01 : f32
        %parallel_loop3A_227 = vector.broadcast %parallel_loop3A_226 : f32 to vector<16xf32>
        %parallel_loop3A_228 = arith.mulf %parallel_loop3A_227, %parallel_loop3A_217 : vector<16xf32>
        %parallel_loop3A_229 = arith.mulf %parallel_loop3A_228, %parallel_loop3A_225 : vector<16xf32>
        %parallel_loop3A_230 = arith.mulf %parallel_loop3A_229, %parallel_loop3A_225 : vector<16xf32>
        %parallel_loop3A_231 = arith.constant 1.500000e+00 : f32
        %parallel_loop3A_232 = vector.broadcast %parallel_loop3A_231 : f32 to vector<16xf32>
        %parallel_loop3A_233 = arith.subf %parallel_loop3A_232, %parallel_loop3A_230 : vector<16xf32>
        %parallel_loop3A_234 = arith.mulf %parallel_loop3A_225, %parallel_loop3A_233 : vector<16xf32>
        %parallel_loop3A_235 = arith.mulf %parallel_loop3A_228, %parallel_loop3A_234 : vector<16xf32>
        %parallel_loop3A_236 = arith.mulf %parallel_loop3A_235, %parallel_loop3A_234 : vector<16xf32>
        %parallel_loop3A_237 = arith.constant 1.500000e+00 : f32
        %parallel_loop3A_238 = vector.broadcast %parallel_loop3A_237 : f32 to vector<16xf32>
        %parallel_loop3A_239 = arith.subf %parallel_loop3A_238, %parallel_loop3A_236 : vector<16xf32>
        %parallel_loop3A_240 = arith.mulf %parallel_loop3A_234, %parallel_loop3A_239 : vector<16xf32>
        %parallel_loop3A_241 = arith.mulf %parallel_loop3A_228, %parallel_loop3A_240 : vector<16xf32>
        %parallel_loop3A_242 = arith.mulf %parallel_loop3A_241, %parallel_loop3A_240 : vector<16xf32>
        %parallel_loop3A_243 = arith.constant 1.500000e+00 : f32
        %parallel_loop3A_244 = vector.broadcast %parallel_loop3A_243 : f32 to vector<16xf32>
        %parallel_loop3A_245 = arith.subf %parallel_loop3A_244, %parallel_loop3A_242 : vector<16xf32>
        %parallel_loop3A_246 = arith.mulf %parallel_loop3A_240, %parallel_loop3A_245 : vector<16xf32>
        %parallel_loop3A_247 = arith.mulf %parallel_loop3A_217, %parallel_loop3A_246 : vector<16xf32>
        %parallel_loop3A_248 = arith.constant 16 : i32
        %parallel_loop3A_249 = arith.muli %parallel_loop3A_210, %parallel_loop3A_248 : i32
        %parallel_loop3A_250 = arith.constant 0 : i32
        %parallel_loop3A_251 = arith.constant 5 : i32
        %parallel_loop3A_252 = arith.index_cast %parallel_loop3A_250 : i32 to index
        %parallel_loop3A_253 = arith.index_cast %parallel_loop3A_251 : i32 to index
        %parallel_loop3A_254 = arith.index_cast %parallel_loop3A_249 : i32 to index
        %parallel_loop3A_255 = tpu.vector_load %arg8[%parallel_loop3A_252, %parallel_loop3A_253, %parallel_loop3A_254] {strides = array<i32>} : memref<65x8x128xf32, #tpu.memory_space<vmem>>, vector<16xf32>,
        tpu.vector_store %arg8[%parallel_loop3A_252, %parallel_loop3A_253, %parallel_loop3A_254], %parallel_loop3A_247 {strides = array<i32>} : memref<65x8x128xf32, #tpu.memory_space<vmem>>, vector<16xf32>,
      } {sc.loop_unroll_factor = 2 : i64, sc.parallel_access}
      %dma_wait3A_162 = arith.constant 768 : i32
      %dma_wait3A_163 = tpu.memref_slice %arg5[%and3A_16, %dma_wait3A_162] : memref<16x1024xi32, #tpu.memory_space<vmem>> -> memref<1x128xi32, #tpu.memory_space<vmem>>
      %dma_wait3A_164 = tpu.memref_squeeze %dma_wait3A_163 : memref<1x128xi32, #tpu.memory_space<vmem>> -> memref<128xi32, #tpu.memory_space<vmem>>
      %dma_wait3A_165 = arith.constant 0 : i32
      %dma_wait3A_166 = arith.constant 0 : i32
      %dma_wait3A_167 = tpu.memref_slice %arg2[%dma_wait3A_165, %dma_wait3A_166] : memref<1000000x128xf32, #tpu.memory_space<hbm>> -> memref<1000000x128xf32, #tpu.memory_space<hbm>>
      tpu.wait_indirect_dma semaphore(%arg10 : memref<!tpu.dma_semaphore, #tpu.memory_space<semaphore_mem>>) src(%dma_wait3A_167 : memref<1000000x128xf32, #tpu.memory_space<hbm>>) dst(%arg6 : memref<128x128xf32, #tpu.memory_space<vmem>>)
      %dma_start3A_168 = arith.constant 896 : i32
      %dma_start3A_169 = tpu.memref_slice %arg5[%and3A_16, %dma_start3A_168] : memref<16x1024xi32, #tpu.memory_space<vmem>> -> memref<1x128xi32, #tpu.memory_space<vmem>>
      %dma_start3A_170 = tpu.memref_squeeze %dma_start3A_169 : memref<1x128xi32, #tpu.memory_space<vmem>> -> memref<128xi32, #tpu.memory_space<vmem>>
      %dma_start3A_171 = arith.constant 0 : i32
      %dma_start3A_172 = arith.constant 0 : i32
      %dma_start3A_173 = tpu.memref_slice %arg2[%dma_start3A_171, %dma_start3A_172] : memref<1000000x128xf32, #tpu.memory_space<hbm>> -> memref<1000000x128xf32, #tpu.memory_space<hbm>>
      tpu.enqueue_indirect_dma source(%dma_start3A_173 : memref<1000000x128xf32, #tpu.memory_space<hbm>>) target(%arg7 : memref<128x128xf32, #tpu.memory_space<vmem>>) offsets(%dma_start3A_170 : memref<128xi32, #tpu.memory_space<vmem>>) semaphore(%arg10 : memref<!tpu.dma_semaphore, #tpu.memory_space<semaphore_mem>>)
      %broadcast_in_dim3A_174 = arith.constant 0.000000e+00 : f32
      %broadcast_in_dim3A_175 = vector.broadcast %broadcast_in_dim3A_174 : f32 to vector<16xf32>
      %scan3A_176 = arith.constant 0 : i32
      %scan3A_177 = arith.constant 0 : i32
      %scan3A_178 = arith.constant 8 : i32
      %scan3A_179 = arith.addi %scan3A_177, %scan3A_178 : i32
      %scan3A_180 = arith.constant 1 : i32
      scf.for %scan3A_210 = %scan3A_177 to %scan3A_179 step %scan3A_180  : i32 {
        %mul3A_211 = arith.constant 16 : i32
        %mul3A_212 = arith.muli %scan3A_210, %mul3A_211 : i32
        %add3A_213 = vector.broadcast %mul3A_212 : i32 to vector<16xi32>
        %add3A_214 = arith.addi %add3A_213, %iota3A : vector<16xi32>
        %parallel_loop3A_215 = arith.constant 0 : i32
        %parallel_loop3A_216 = arith.constant 64 : i32
        %parallel_loop3A_217 = arith.constant 4 : i32
        %parallel_loop3A_218:4 = scf.for %parallel_loop3A_225 = %parallel_loop3A_215 to %parallel_loop3A_216 step %parallel_loop3A_217 iter_args(%parallel_loop3A_226 = %broadcast_in_dim3A_175, %parallel_loop3A_227 = %broadcast_in_dim3A_175, %parallel_loop3A_228 = %broadcast_in_dim3A_175, %parallel_loop3A_229 = %broadcast_in_dim3A_175) -> (vector<16xf32>, vector<16xf32>, vector<16xf32>, vector<16xf32>)  : i32 {
          %parallel_loop3A_230 = arith.constant 0 : i32
          %parallel_loop3A_231 = vector.broadcast %parallel_loop3A_230 : i32 to vector<16xi32>
          %parallel_loop3A_232 = arith.muli %iota3A, %parallel_loop3A_231 : vector<16xi32>
          %parallel_loop3A_233 = vector.broadcast %parallel_loop3A_225 : i32 to vector<16xi32>
          %parallel_loop3A_234 = arith.addi %parallel_loop3A_232, %parallel_loop3A_233 : vector<16xi32>
          %parallel_loop3A_235 = tpu.vector_load_idx %arg6[%add3A_214, %parallel_loop3A_234] : memref<128x128xf32, #tpu.memory_space<vmem>>[vector<16xi32>, vector<16xi32>], vector<16xf32>,
          %parallel_loop3A_236 = arith.constant 0 : i32
          %parallel_loop3A_237 = vector.broadcast %parallel_loop3A_236 : i32 to vector<16xi32>
          %parallel_loop3A_238 = arith.muli %iota3A, %parallel_loop3A_237 : vector<16xi32>
          %parallel_loop3A_239 = arith.constant 1 : i32
          %parallel_loop3A_240 = arith.addi %parallel_loop3A_225, %parallel_loop3A_239 : i32
          %parallel_loop3A_241 = vector.broadcast %parallel_loop3A_240 : i32 to vector<16xi32>
          %parallel_loop3A_242 = arith.addi %parallel_loop3A_238, %parallel_loop3A_241 : vector<16xi32>
          %parallel_loop3A_243 = tpu.vector_load_idx %arg6[%add3A_214, %parallel_loop3A_242] : memref<128x128xf32, #tpu.memory_space<vmem>>[vector<16xi32>, vector<16xi32>], vector<16xf32>,
          %parallel_loop3A_244 = arith.constant 0 : i32
          %parallel_loop3A_245 = vector.broadcast %parallel_loop3A_244 : i32 to vector<16xi32>
          %parallel_loop3A_246 = arith.muli %iota3A, %parallel_loop3A_245 : vector<16xi32>
          %parallel_loop3A_247 = arith.constant 2 : i32
          %parallel_loop3A_248 = arith.addi %parallel_loop3A_225, %parallel_loop3A_247 : i32
          %parallel_loop3A_249 = vector.broadcast %parallel_loop3A_248 : i32 to vector<16xi32>
          %parallel_loop3A_250 = arith.addi %parallel_loop3A_246, %parallel_loop3A_249 : vector<16xi32>
          %parallel_loop3A_251 = tpu.vector_load_idx %arg6[%add3A_214, %parallel_loop3A_250] : memref<128x128xf32, #tpu.memory_space<vmem>>[vector<16xi32>, vector<16xi32>], vector<16xf32>,
          %parallel_loop3A_252 = arith.constant 0 : i32
          %parallel_loop3A_253 = vector.broadcast %parallel_loop3A_252 : i32 to vector<16xi32>
          %parallel_loop3A_254 = arith.muli %iota3A, %parallel_loop3A_253 : vector<16xi32>
          %parallel_loop3A_255 = arith.constant 3 : i32
          %parallel_loop3A_256 = arith.addi %parallel_loop3A_225, %parallel_loop3A_255 : i32
          %parallel_loop3A_257 = vector.broadcast %parallel_loop3A_256 : i32 to vector<16xi32>
          %parallel_loop3A_258 = arith.addi %parallel_loop3A_254, %parallel_loop3A_257 : vector<16xi32>
          %parallel_loop3A_259 = tpu.vector_load_idx %arg6[%add3A_214, %parallel_loop3A_258] : memref<128x128xf32, #tpu.memory_space<vmem>>[vector<16xi32>, vector<16xi32>], vector<16xf32>,
          %parallel_loop3A_260 = arith.constant 1 : i32
          %parallel_loop3A_261 = arith.addi %parallel_loop3A_225, %parallel_loop3A_260 : i32
          %parallel_loop3A_262 = arith.constant 16 : i32
          %parallel_loop3A_263 = arith.muli %scan3A_210, %parallel_loop3A_262 : i32
          %parallel_loop3A_264 = arith.constant 6 : i32
          %parallel_loop3A_265 = arith.index_cast %parallel_loop3A_261 : i32 to index
          %parallel_loop3A_266 = arith.index_cast %parallel_loop3A_264 : i32 to index
          %parallel_loop3A_267 = arith.index_cast %parallel_loop3A_263 : i32 to index
          %parallel_loop3A_268 = tpu.vector_load %arg8[%parallel_loop3A_265, %parallel_loop3A_266, %parallel_loop3A_267] {strides = array<i32>} : memref<65x8x128xf32, #tpu.memory_space<vmem>>, vector<16xf32>,
          tpu.vector_store %arg8[%parallel_loop3A_265, %parallel_loop3A_266, %parallel_loop3A_267], %parallel_loop3A_235 {strides = array<i32>} : memref<65x8x128xf32, #tpu.memory_space<vmem>>, vector<16xf32>,
          %parallel_loop3A_269 = arith.constant 2 : i32
          %parallel_loop3A_270 = arith.addi %parallel_loop3A_225, %parallel_loop3A_269 : i32
          %parallel_loop3A_271 = arith.constant 16 : i32
          %parallel_loop3A_272 = arith.muli %scan3A_210, %parallel_loop3A_271 : i32
          %parallel_loop3A_273 = arith.constant 6 : i32
          %parallel_loop3A_274 = arith.index_cast %parallel_loop3A_270 : i32 to index
          %parallel_loop3A_275 = arith.index_cast %parallel_loop3A_273 : i32 to index
          %parallel_loop3A_276 = arith.index_cast %parallel_loop3A_272 : i32 to index
          %parallel_loop3A_277 = tpu.vector_load %arg8[%parallel_loop3A_274, %parallel_loop3A_275, %parallel_loop3A_276] {strides = array<i32>} : memref<65x8x128xf32, #tpu.memory_space<vmem>>, vector<16xf32>,
          tpu.vector_store %arg8[%parallel_loop3A_274, %parallel_loop3A_275, %parallel_loop3A_276], %parallel_loop3A_243 {strides = array<i32>} : memref<65x8x128xf32, #tpu.memory_space<vmem>>, vector<16xf32>,
          %parallel_loop3A_278 = arith.constant 3 : i32
          %parallel_loop3A_279 = arith.addi %parallel_loop3A_225, %parallel_loop3A_278 : i32
          %parallel_loop3A_280 = arith.constant 16 : i32
          %parallel_loop3A_281 = arith.muli %scan3A_210, %parallel_loop3A_280 : i32
          %parallel_loop3A_282 = arith.constant 6 : i32
          %parallel_loop3A_283 = arith.index_cast %parallel_loop3A_279 : i32 to index
          %parallel_loop3A_284 = arith.index_cast %parallel_loop3A_282 : i32 to index
          %parallel_loop3A_285 = arith.index_cast %parallel_loop3A_281 : i32 to index
          %parallel_loop3A_286 = tpu.vector_load %arg8[%parallel_loop3A_283, %parallel_loop3A_284, %parallel_loop3A_285] {strides = array<i32>} : memref<65x8x128xf32, #tpu.memory_space<vmem>>, vector<16xf32>,
          tpu.vector_store %arg8[%parallel_loop3A_283, %parallel_loop3A_284, %parallel_loop3A_285], %parallel_loop3A_251 {strides = array<i32>} : memref<65x8x128xf32, #tpu.memory_space<vmem>>, vector<16xf32>,
          %parallel_loop3A_287 = arith.constant 4 : i32
          %parallel_loop3A_288 = arith.addi %parallel_loop3A_225, %parallel_loop3A_287 : i32
          %parallel_loop3A_289 = arith.constant 16 : i32
          %parallel_loop3A_290 = arith.muli %scan3A_210, %parallel_loop3A_289 : i32
          %parallel_loop3A_291 = arith.constant 6 : i32
          %parallel_loop3A_292 = arith.index_cast %parallel_loop3A_288 : i32 to index
          %parallel_loop3A_293 = arith.index_cast %parallel_loop3A_291 : i32 to index
          %parallel_loop3A_294 = arith.index_cast %parallel_loop3A_290 : i32 to index
          %parallel_loop3A_295 = tpu.vector_load %arg8[%parallel_loop3A_292, %parallel_loop3A_293, %parallel_loop3A_294] {strides = array<i32>} : memref<65x8x128xf32, #tpu.memory_space<vmem>>, vector<16xf32>,
          tpu.vector_store %arg8[%parallel_loop3A_292, %parallel_loop3A_293, %parallel_loop3A_294], %parallel_loop3A_259 {strides = array<i32>} : memref<65x8x128xf32, #tpu.memory_space<vmem>>, vector<16xf32>,
          %parallel_loop3A_296 = arith.mulf %parallel_loop3A_235, %parallel_loop3A_235 : vector<16xf32>
          %parallel_loop3A_297 = arith.addf %parallel_loop3A_226, %parallel_loop3A_296 : vector<16xf32>
          %parallel_loop3A_298 = arith.mulf %parallel_loop3A_243, %parallel_loop3A_243 : vector<16xf32>
          %parallel_loop3A_299 = arith.addf %parallel_loop3A_227, %parallel_loop3A_298 : vector<16xf32>
          %parallel_loop3A_300 = arith.mulf %parallel_loop3A_251, %parallel_loop3A_251 : vector<16xf32>
          %parallel_loop3A_301 = arith.addf %parallel_loop3A_228, %parallel_loop3A_300 : vector<16xf32>
          %parallel_loop3A_302 = arith.mulf %parallel_loop3A_259, %parallel_loop3A_259 : vector<16xf32>
          %parallel_loop3A_303 = arith.addf %parallel_loop3A_229, %parallel_loop3A_302 : vector<16xf32>
          scf.yield %parallel_loop3A_297, %parallel_loop3A_299, %parallel_loop3A_301, %parallel_loop3A_303 : vector<16xf32>, vector<16xf32>, vector<16xf32>, vector<16xf32>
        } {sc.loop_unroll_factor = 2 : i64, sc.parallel_access}
        %add3A_219 = arith.addf %parallel_loop3A_218#0, %parallel_loop3A_218#1 : vector<16xf32>
        %add3A_220 = arith.addf %parallel_loop3A_218#2, %parallel_loop3A_218#3 : vector<16xf32>
        %add3A_221 = arith.addf %add3A_219, %add3A_220 : vector<16xf32>
        %mul3A_222 = arith.constant 16 : i32
        %mul3A_223 = arith.muli %scan3A_210, %mul3A_222 : i32
        %swap3A = arith.index_cast %mul3A_223 : i32 to index
        %swap3A_224 = tpu.vector_load %arg9[%swap3A] {strides = array<i32>} : memref<128xf32, #tpu.memory_space<vmem>>, vector<16xf32>,
        tpu.vector_store %arg9[%swap3A], %add3A_221 {strides = array<i32>} : memref<128xf32, #tpu.memory_space<vmem>>, vector<16xf32>,
      }
      %scan3A_181 = arith.constant 8 : i32
      %parallel_loop3A_182 = arith.constant 0 : i32
      %parallel_loop3A_183 = arith.constant 8 : i32
      %parallel_loop3A_184 = arith.constant 1 : i32
      scf.for %parallel_loop3A_210 = %parallel_loop3A_182 to %parallel_loop3A_183 step %parallel_loop3A_184  : i32 {
        %parallel_loop3A_211 = arith.constant 16 : i32
        %parallel_loop3A_212 = arith.muli %parallel_loop3A_210, %parallel_loop3A_211 : i32
        %parallel_loop3A_213 = arith.index_cast %parallel_loop3A_212 : i32 to index
        %parallel_loop3A_214 = tpu.vector_load %arg9[%parallel_loop3A_213] {strides = array<i32>} : memref<128xf32, #tpu.memory_space<vmem>>, vector<16xf32>,
        %parallel_loop3A_215 = arith.constant 1.000000e+00 : f32
        %parallel_loop3A_216 = vector.broadcast %parallel_loop3A_215 : f32 to vector<16xf32>
        %parallel_loop3A_217 = arith.addf %parallel_loop3A_216, %parallel_loop3A_214 : vector<16xf32>
        %parallel_loop3A_218 = tpu.bitcast %parallel_loop3A_217 : vector<16xf32> -> vector<16xi32>
        %parallel_loop3A_219 = arith.constant 1 : i32
        %parallel_loop3A_220 = vector.broadcast %parallel_loop3A_219 : i32 to vector<16xi32>
        %parallel_loop3A_221 = arith.shrsi %parallel_loop3A_218, %parallel_loop3A_220 : vector<16xi32>
        %parallel_loop3A_222 = arith.constant 1597463007 : i32
        %parallel_loop3A_223 = vector.broadcast %parallel_loop3A_222 : i32 to vector<16xi32>
        %parallel_loop3A_224 = arith.subi %parallel_loop3A_223, %parallel_loop3A_221 : vector<16xi32>
        %parallel_loop3A_225 = tpu.bitcast %parallel_loop3A_224 : vector<16xi32> -> vector<16xf32>
        %parallel_loop3A_226 = arith.constant 5.000000e-01 : f32
        %parallel_loop3A_227 = vector.broadcast %parallel_loop3A_226 : f32 to vector<16xf32>
        %parallel_loop3A_228 = arith.mulf %parallel_loop3A_227, %parallel_loop3A_217 : vector<16xf32>
        %parallel_loop3A_229 = arith.mulf %parallel_loop3A_228, %parallel_loop3A_225 : vector<16xf32>
        %parallel_loop3A_230 = arith.mulf %parallel_loop3A_229, %parallel_loop3A_225 : vector<16xf32>
        %parallel_loop3A_231 = arith.constant 1.500000e+00 : f32
        %parallel_loop3A_232 = vector.broadcast %parallel_loop3A_231 : f32 to vector<16xf32>
        %parallel_loop3A_233 = arith.subf %parallel_loop3A_232, %parallel_loop3A_230 : vector<16xf32>
        %parallel_loop3A_234 = arith.mulf %parallel_loop3A_225, %parallel_loop3A_233 : vector<16xf32>
        %parallel_loop3A_235 = arith.mulf %parallel_loop3A_228, %parallel_loop3A_234 : vector<16xf32>
        %parallel_loop3A_236 = arith.mulf %parallel_loop3A_235, %parallel_loop3A_234 : vector<16xf32>
        %parallel_loop3A_237 = arith.constant 1.500000e+00 : f32
        %parallel_loop3A_238 = vector.broadcast %parallel_loop3A_237 : f32 to vector<16xf32>
        %parallel_loop3A_239 = arith.subf %parallel_loop3A_238, %parallel_loop3A_236 : vector<16xf32>
        %parallel_loop3A_240 = arith.mulf %parallel_loop3A_234, %parallel_loop3A_239 : vector<16xf32>
        %parallel_loop3A_241 = arith.mulf %parallel_loop3A_228, %parallel_loop3A_240 : vector<16xf32>
        %parallel_loop3A_242 = arith.mulf %parallel_loop3A_241, %parallel_loop3A_240 : vector<16xf32>
        %parallel_loop3A_243 = arith.constant 1.500000e+00 : f32
        %parallel_loop3A_244 = vector.broadcast %parallel_loop3A_243 : f32 to vector<16xf32>
        %parallel_loop3A_245 = arith.subf %parallel_loop3A_244, %parallel_loop3A_242 : vector<16xf32>
        %parallel_loop3A_246 = arith.mulf %parallel_loop3A_240, %parallel_loop3A_245 : vector<16xf32>
        %parallel_loop3A_247 = arith.mulf %parallel_loop3A_217, %parallel_loop3A_246 : vector<16xf32>
        %parallel_loop3A_248 = arith.constant 16 : i32
        %parallel_loop3A_249 = arith.muli %parallel_loop3A_210, %parallel_loop3A_248 : i32
        %parallel_loop3A_250 = arith.constant 0 : i32
        %parallel_loop3A_251 = arith.constant 6 : i32
        %parallel_loop3A_252 = arith.index_cast %parallel_loop3A_250 : i32 to index
        %parallel_loop3A_253 = arith.index_cast %parallel_loop3A_251 : i32 to index
        %parallel_loop3A_254 = arith.index_cast %parallel_loop3A_249 : i32 to index
        %parallel_loop3A_255 = tpu.vector_load %arg8[%parallel_loop3A_252, %parallel_loop3A_253, %parallel_loop3A_254] {strides = array<i32>} : memref<65x8x128xf32, #tpu.memory_space<vmem>>, vector<16xf32>,
        tpu.vector_store %arg8[%parallel_loop3A_252, %parallel_loop3A_253, %parallel_loop3A_254], %parallel_loop3A_247 {strides = array<i32>} : memref<65x8x128xf32, #tpu.memory_space<vmem>>, vector<16xf32>,
      } {sc.loop_unroll_factor = 2 : i64, sc.parallel_access}
      %dma_wait3A_185 = arith.constant 896 : i32
      %dma_wait3A_186 = tpu.memref_slice %arg5[%and3A_16, %dma_wait3A_185] : memref<16x1024xi32, #tpu.memory_space<vmem>> -> memref<1x128xi32, #tpu.memory_space<vmem>>
      %dma_wait3A_187 = tpu.memref_squeeze %dma_wait3A_186 : memref<1x128xi32, #tpu.memory_space<vmem>> -> memref<128xi32, #tpu.memory_space<vmem>>
      %dma_wait3A_188 = arith.constant 0 : i32
      %dma_wait3A_189 = arith.constant 0 : i32
      %dma_wait3A_190 = tpu.memref_slice %arg2[%dma_wait3A_188, %dma_wait3A_189] : memref<1000000x128xf32, #tpu.memory_space<hbm>> -> memref<1000000x128xf32, #tpu.memory_space<hbm>>
      tpu.wait_indirect_dma semaphore(%arg10 : memref<!tpu.dma_semaphore, #tpu.memory_space<semaphore_mem>>) src(%dma_wait3A_190 : memref<1000000x128xf32, #tpu.memory_space<hbm>>) dst(%arg7 : memref<128x128xf32, #tpu.memory_space<vmem>>)
      %broadcast_in_dim3A_191 = arith.constant 0.000000e+00 : f32
      %broadcast_in_dim3A_192 = vector.broadcast %broadcast_in_dim3A_191 : f32 to vector<16xf32>
      %scan3A_193 = arith.constant 0 : i32
      %scan3A_194 = arith.constant 0 : i32
      %scan3A_195 = arith.constant 8 : i32
      %scan3A_196 = arith.addi %scan3A_194, %scan3A_195 : i32
      %scan3A_197 = arith.constant 1 : i32
      scf.for %scan3A_210 = %scan3A_194 to %scan3A_196 step %scan3A_197  : i32 {
        %mul3A_211 = arith.constant 16 : i32
        %mul3A_212 = arith.muli %scan3A_210, %mul3A_211 : i32
        %add3A_213 = vector.broadcast %mul3A_212 : i32 to vector<16xi32>
        %add3A_214 = arith.addi %add3A_213, %iota3A : vector<16xi32>
        %parallel_loop3A_215 = arith.constant 0 : i32
        %parallel_loop3A_216 = arith.constant 64 : i32
        %parallel_loop3A_217 = arith.constant 4 : i32
        %parallel_loop3A_218:4 = scf.for %parallel_loop3A_225 = %parallel_loop3A_215 to %parallel_loop3A_216 step %parallel_loop3A_217 iter_args(%parallel_loop3A_226 = %broadcast_in_dim3A_192, %parallel_loop3A_227 = %broadcast_in_dim3A_192, %parallel_loop3A_228 = %broadcast_in_dim3A_192, %parallel_loop3A_229 = %broadcast_in_dim3A_192) -> (vector<16xf32>, vector<16xf32>, vector<16xf32>, vector<16xf32>)  : i32 {
          %parallel_loop3A_230 = arith.constant 0 : i32
          %parallel_loop3A_231 = vector.broadcast %parallel_loop3A_230 : i32 to vector<16xi32>
          %parallel_loop3A_232 = arith.muli %iota3A, %parallel_loop3A_231 : vector<16xi32>
          %parallel_loop3A_233 = vector.broadcast %parallel_loop3A_225 : i32 to vector<16xi32>
          %parallel_loop3A_234 = arith.addi %parallel_loop3A_232, %parallel_loop3A_233 : vector<16xi32>
          %parallel_loop3A_235 = tpu.vector_load_idx %arg7[%add3A_214, %parallel_loop3A_234] : memref<128x128xf32, #tpu.memory_space<vmem>>[vector<16xi32>, vector<16xi32>], vector<16xf32>,
          %parallel_loop3A_236 = arith.constant 0 : i32
          %parallel_loop3A_237 = vector.broadcast %parallel_loop3A_236 : i32 to vector<16xi32>
          %parallel_loop3A_238 = arith.muli %iota3A, %parallel_loop3A_237 : vector<16xi32>
          %parallel_loop3A_239 = arith.constant 1 : i32
          %parallel_loop3A_240 = arith.addi %parallel_loop3A_225, %parallel_loop3A_239 : i32
          %parallel_loop3A_241 = vector.broadcast %parallel_loop3A_240 : i32 to vector<16xi32>
          %parallel_loop3A_242 = arith.addi %parallel_loop3A_238, %parallel_loop3A_241 : vector<16xi32>
          %parallel_loop3A_243 = tpu.vector_load_idx %arg7[%add3A_214, %parallel_loop3A_242] : memref<128x128xf32, #tpu.memory_space<vmem>>[vector<16xi32>, vector<16xi32>], vector<16xf32>,
          %parallel_loop3A_244 = arith.constant 0 : i32
          %parallel_loop3A_245 = vector.broadcast %parallel_loop3A_244 : i32 to vector<16xi32>
          %parallel_loop3A_246 = arith.muli %iota3A, %parallel_loop3A_245 : vector<16xi32>
          %parallel_loop3A_247 = arith.constant 2 : i32
          %parallel_loop3A_248 = arith.addi %parallel_loop3A_225, %parallel_loop3A_247 : i32
          %parallel_loop3A_249 = vector.broadcast %parallel_loop3A_248 : i32 to vector<16xi32>
          %parallel_loop3A_250 = arith.addi %parallel_loop3A_246, %parallel_loop3A_249 : vector<16xi32>
          %parallel_loop3A_251 = tpu.vector_load_idx %arg7[%add3A_214, %parallel_loop3A_250] : memref<128x128xf32, #tpu.memory_space<vmem>>[vector<16xi32>, vector<16xi32>], vector<16xf32>,
          %parallel_loop3A_252 = arith.constant 0 : i32
          %parallel_loop3A_253 = vector.broadcast %parallel_loop3A_252 : i32 to vector<16xi32>
          %parallel_loop3A_254 = arith.muli %iota3A, %parallel_loop3A_253 : vector<16xi32>
          %parallel_loop3A_255 = arith.constant 3 : i32
          %parallel_loop3A_256 = arith.addi %parallel_loop3A_225, %parallel_loop3A_255 : i32
          %parallel_loop3A_257 = vector.broadcast %parallel_loop3A_256 : i32 to vector<16xi32>
          %parallel_loop3A_258 = arith.addi %parallel_loop3A_254, %parallel_loop3A_257 : vector<16xi32>
          %parallel_loop3A_259 = tpu.vector_load_idx %arg7[%add3A_214, %parallel_loop3A_258] : memref<128x128xf32, #tpu.memory_space<vmem>>[vector<16xi32>, vector<16xi32>], vector<16xf32>,
          %parallel_loop3A_260 = arith.constant 1 : i32
          %parallel_loop3A_261 = arith.addi %parallel_loop3A_225, %parallel_loop3A_260 : i32
          %parallel_loop3A_262 = arith.constant 16 : i32
          %parallel_loop3A_263 = arith.muli %scan3A_210, %parallel_loop3A_262 : i32
          %parallel_loop3A_264 = arith.constant 7 : i32
          %parallel_loop3A_265 = arith.index_cast %parallel_loop3A_261 : i32 to index
          %parallel_loop3A_266 = arith.index_cast %parallel_loop3A_264 : i32 to index
          %parallel_loop3A_267 = arith.index_cast %parallel_loop3A_263 : i32 to index
          %parallel_loop3A_268 = tpu.vector_load %arg8[%parallel_loop3A_265, %parallel_loop3A_266, %parallel_loop3A_267] {strides = array<i32>} : memref<65x8x128xf32, #tpu.memory_space<vmem>>, vector<16xf32>,
          tpu.vector_store %arg8[%parallel_loop3A_265, %parallel_loop3A_266, %parallel_loop3A_267], %parallel_loop3A_235 {strides = array<i32>} : memref<65x8x128xf32, #tpu.memory_space<vmem>>, vector<16xf32>,
          %parallel_loop3A_269 = arith.constant 2 : i32
          %parallel_loop3A_270 = arith.addi %parallel_loop3A_225, %parallel_loop3A_269 : i32
          %parallel_loop3A_271 = arith.constant 16 : i32
          %parallel_loop3A_272 = arith.muli %scan3A_210, %parallel_loop3A_271 : i32
          %parallel_loop3A_273 = arith.constant 7 : i32
          %parallel_loop3A_274 = arith.index_cast %parallel_loop3A_270 : i32 to index
          %parallel_loop3A_275 = arith.index_cast %parallel_loop3A_273 : i32 to index
          %parallel_loop3A_276 = arith.index_cast %parallel_loop3A_272 : i32 to index
          %parallel_loop3A_277 = tpu.vector_load %arg8[%parallel_loop3A_274, %parallel_loop3A_275, %parallel_loop3A_276] {strides = array<i32>} : memref<65x8x128xf32, #tpu.memory_space<vmem>>, vector<16xf32>,
          tpu.vector_store %arg8[%parallel_loop3A_274, %parallel_loop3A_275, %parallel_loop3A_276], %parallel_loop3A_243 {strides = array<i32>} : memref<65x8x128xf32, #tpu.memory_space<vmem>>, vector<16xf32>,
          %parallel_loop3A_278 = arith.constant 3 : i32
          %parallel_loop3A_279 = arith.addi %parallel_loop3A_225, %parallel_loop3A_278 : i32
          %parallel_loop3A_280 = arith.constant 16 : i32
          %parallel_loop3A_281 = arith.muli %scan3A_210, %parallel_loop3A_280 : i32
          %parallel_loop3A_282 = arith.constant 7 : i32
          %parallel_loop3A_283 = arith.index_cast %parallel_loop3A_279 : i32 to index
          %parallel_loop3A_284 = arith.index_cast %parallel_loop3A_282 : i32 to index
          %parallel_loop3A_285 = arith.index_cast %parallel_loop3A_281 : i32 to index
          %parallel_loop3A_286 = tpu.vector_load %arg8[%parallel_loop3A_283, %parallel_loop3A_284, %parallel_loop3A_285] {strides = array<i32>} : memref<65x8x128xf32, #tpu.memory_space<vmem>>, vector<16xf32>,
          tpu.vector_store %arg8[%parallel_loop3A_283, %parallel_loop3A_284, %parallel_loop3A_285], %parallel_loop3A_251 {strides = array<i32>} : memref<65x8x128xf32, #tpu.memory_space<vmem>>, vector<16xf32>,
          %parallel_loop3A_287 = arith.constant 4 : i32
          %parallel_loop3A_288 = arith.addi %parallel_loop3A_225, %parallel_loop3A_287 : i32
          %parallel_loop3A_289 = arith.constant 16 : i32
          %parallel_loop3A_290 = arith.muli %scan3A_210, %parallel_loop3A_289 : i32
          %parallel_loop3A_291 = arith.constant 7 : i32
          %parallel_loop3A_292 = arith.index_cast %parallel_loop3A_288 : i32 to index
          %parallel_loop3A_293 = arith.index_cast %parallel_loop3A_291 : i32 to index
          %parallel_loop3A_294 = arith.index_cast %parallel_loop3A_290 : i32 to index
          %parallel_loop3A_295 = tpu.vector_load %arg8[%parallel_loop3A_292, %parallel_loop3A_293, %parallel_loop3A_294] {strides = array<i32>} : memref<65x8x128xf32, #tpu.memory_space<vmem>>, vector<16xf32>,
          tpu.vector_store %arg8[%parallel_loop3A_292, %parallel_loop3A_293, %parallel_loop3A_294], %parallel_loop3A_259 {strides = array<i32>} : memref<65x8x128xf32, #tpu.memory_space<vmem>>, vector<16xf32>,
          %parallel_loop3A_296 = arith.mulf %parallel_loop3A_235, %parallel_loop3A_235 : vector<16xf32>
          %parallel_loop3A_297 = arith.addf %parallel_loop3A_226, %parallel_loop3A_296 : vector<16xf32>
          %parallel_loop3A_298 = arith.mulf %parallel_loop3A_243, %parallel_loop3A_243 : vector<16xf32>
          %parallel_loop3A_299 = arith.addf %parallel_loop3A_227, %parallel_loop3A_298 : vector<16xf32>
          %parallel_loop3A_300 = arith.mulf %parallel_loop3A_251, %parallel_loop3A_251 : vector<16xf32>
          %parallel_loop3A_301 = arith.addf %parallel_loop3A_228, %parallel_loop3A_300 : vector<16xf32>
          %parallel_loop3A_302 = arith.mulf %parallel_loop3A_259, %parallel_loop3A_259 : vector<16xf32>
          %parallel_loop3A_303 = arith.addf %parallel_loop3A_229, %parallel_loop3A_302 : vector<16xf32>
          scf.yield %parallel_loop3A_297, %parallel_loop3A_299, %parallel_loop3A_301, %parallel_loop3A_303 : vector<16xf32>, vector<16xf32>, vector<16xf32>, vector<16xf32>
        } {sc.loop_unroll_factor = 2 : i64, sc.parallel_access}
        %add3A_219 = arith.addf %parallel_loop3A_218#0, %parallel_loop3A_218#1 : vector<16xf32>
        %add3A_220 = arith.addf %parallel_loop3A_218#2, %parallel_loop3A_218#3 : vector<16xf32>
        %add3A_221 = arith.addf %add3A_219, %add3A_220 : vector<16xf32>
        %mul3A_222 = arith.constant 16 : i32
        %mul3A_223 = arith.muli %scan3A_210, %mul3A_222 : i32
        %swap3A = arith.index_cast %mul3A_223 : i32 to index
        %swap3A_224 = tpu.vector_load %arg9[%swap3A] {strides = array<i32>} : memref<128xf32, #tpu.memory_space<vmem>>, vector<16xf32>,
        tpu.vector_store %arg9[%swap3A], %add3A_221 {strides = array<i32>} : memref<128xf32, #tpu.memory_space<vmem>>, vector<16xf32>,
      }
      %scan3A_198 = arith.constant 8 : i32
      %parallel_loop3A_199 = arith.constant 0 : i32
      %parallel_loop3A_200 = arith.constant 8 : i32
      %parallel_loop3A_201 = arith.constant 1 : i32
      scf.for %parallel_loop3A_210 = %parallel_loop3A_199 to %parallel_loop3A_200 step %parallel_loop3A_201  : i32 {
        %parallel_loop3A_211 = arith.constant 16 : i32
        %parallel_loop3A_212 = arith.muli %parallel_loop3A_210, %parallel_loop3A_211 : i32
        %parallel_loop3A_213 = arith.index_cast %parallel_loop3A_212 : i32 to index
        %parallel_loop3A_214 = tpu.vector_load %arg9[%parallel_loop3A_213] {strides = array<i32>} : memref<128xf32, #tpu.memory_space<vmem>>, vector<16xf32>,
        %parallel_loop3A_215 = arith.constant 1.000000e+00 : f32
        %parallel_loop3A_216 = vector.broadcast %parallel_loop3A_215 : f32 to vector<16xf32>
        %parallel_loop3A_217 = arith.addf %parallel_loop3A_216, %parallel_loop3A_214 : vector<16xf32>
        %parallel_loop3A_218 = tpu.bitcast %parallel_loop3A_217 : vector<16xf32> -> vector<16xi32>
        %parallel_loop3A_219 = arith.constant 1 : i32
        %parallel_loop3A_220 = vector.broadcast %parallel_loop3A_219 : i32 to vector<16xi32>
        %parallel_loop3A_221 = arith.shrsi %parallel_loop3A_218, %parallel_loop3A_220 : vector<16xi32>
        %parallel_loop3A_222 = arith.constant 1597463007 : i32
        %parallel_loop3A_223 = vector.broadcast %parallel_loop3A_222 : i32 to vector<16xi32>
        %parallel_loop3A_224 = arith.subi %parallel_loop3A_223, %parallel_loop3A_221 : vector<16xi32>
        %parallel_loop3A_225 = tpu.bitcast %parallel_loop3A_224 : vector<16xi32> -> vector<16xf32>
        %parallel_loop3A_226 = arith.constant 5.000000e-01 : f32
        %parallel_loop3A_227 = vector.broadcast %parallel_loop3A_226 : f32 to vector<16xf32>
        %parallel_loop3A_228 = arith.mulf %parallel_loop3A_227, %parallel_loop3A_217 : vector<16xf32>
        %parallel_loop3A_229 = arith.mulf %parallel_loop3A_228, %parallel_loop3A_225 : vector<16xf32>
        %parallel_loop3A_230 = arith.mulf %parallel_loop3A_229, %parallel_loop3A_225 : vector<16xf32>
        %parallel_loop3A_231 = arith.constant 1.500000e+00 : f32
        %parallel_loop3A_232 = vector.broadcast %parallel_loop3A_231 : f32 to vector<16xf32>
        %parallel_loop3A_233 = arith.subf %parallel_loop3A_232, %parallel_loop3A_230 : vector<16xf32>
        %parallel_loop3A_234 = arith.mulf %parallel_loop3A_225, %parallel_loop3A_233 : vector<16xf32>
        %parallel_loop3A_235 = arith.mulf %parallel_loop3A_228, %parallel_loop3A_234 : vector<16xf32>
        %parallel_loop3A_236 = arith.mulf %parallel_loop3A_235, %parallel_loop3A_234 : vector<16xf32>
        %parallel_loop3A_237 = arith.constant 1.500000e+00 : f32
        %parallel_loop3A_238 = vector.broadcast %parallel_loop3A_237 : f32 to vector<16xf32>
        %parallel_loop3A_239 = arith.subf %parallel_loop3A_238, %parallel_loop3A_236 : vector<16xf32>
        %parallel_loop3A_240 = arith.mulf %parallel_loop3A_234, %parallel_loop3A_239 : vector<16xf32>
        %parallel_loop3A_241 = arith.mulf %parallel_loop3A_228, %parallel_loop3A_240 : vector<16xf32>
        %parallel_loop3A_242 = arith.mulf %parallel_loop3A_241, %parallel_loop3A_240 : vector<16xf32>
        %parallel_loop3A_243 = arith.constant 1.500000e+00 : f32
        %parallel_loop3A_244 = vector.broadcast %parallel_loop3A_243 : f32 to vector<16xf32>
        %parallel_loop3A_245 = arith.subf %parallel_loop3A_244, %parallel_loop3A_242 : vector<16xf32>
        %parallel_loop3A_246 = arith.mulf %parallel_loop3A_240, %parallel_loop3A_245 : vector<16xf32>
        %parallel_loop3A_247 = arith.mulf %parallel_loop3A_217, %parallel_loop3A_246 : vector<16xf32>
        %parallel_loop3A_248 = arith.constant 16 : i32
        %parallel_loop3A_249 = arith.muli %parallel_loop3A_210, %parallel_loop3A_248 : i32
        %parallel_loop3A_250 = arith.constant 0 : i32
        %parallel_loop3A_251 = arith.constant 7 : i32
        %parallel_loop3A_252 = arith.index_cast %parallel_loop3A_250 : i32 to index
        %parallel_loop3A_253 = arith.index_cast %parallel_loop3A_251 : i32 to index
        %parallel_loop3A_254 = arith.index_cast %parallel_loop3A_249 : i32 to index
        %parallel_loop3A_255 = tpu.vector_load %arg8[%parallel_loop3A_252, %parallel_loop3A_253, %parallel_loop3A_254] {strides = array<i32>} : memref<65x8x128xf32, #tpu.memory_space<vmem>>, vector<16xf32>,
        tpu.vector_store %arg8[%parallel_loop3A_252, %parallel_loop3A_253, %parallel_loop3A_254], %parallel_loop3A_247 {strides = array<i32>} : memref<65x8x128xf32, #tpu.memory_space<vmem>>, vector<16xf32>,
      } {sc.loop_unroll_factor = 2 : i64, sc.parallel_access}
      %mul3A_202 = arith.constant 8 : i32
      %mul3A_203 = arith.muli %scan3A_13, %mul3A_202 : i32
      %mul3A_204 = arith.constant 128 : i32
      %mul3A_205 = arith.muli %add3A, %mul3A_204 : i32
      %dma_start3A_206 = arith.constant 0 : i32
      %dma_start3A_207 = tpu.memref_slice %arg4[%dma_start3A_206, %mul3A_203, %mul3A_205] : memref<65x200x4096xf32, #tpu.memory_space<hbm>> -> memref<65x8x128xf32, #tpu.memory_space<hbm>>
      %dma_start3A_208 = arith.constant 0 : i32
      %dma_start3A_209 = tpu.memref_slice %arg4[%dma_start3A_208, %mul3A_203, %mul3A_205] : memref<65x200x4096xf32, #tpu.memory_space<hbm>> -> memref<65x8x128xf32, #tpu.memory_space<hbm>>
      tpu.enqueue_dma source(%arg8 : memref<65x8x128xf32, #tpu.memory_space<vmem>>) target(%dma_start3A_209 : memref<65x8x128xf32, #tpu.memory_space<hbm>>) target_semaphore(%arg11 : memref<!tpu.dma_semaphore, #tpu.memory_space<semaphore_mem>>)
    }
    %scan3A_5 = arith.constant 25 : i32
    %mul3A_6 = arith.constant 128 : i32
    %mul3A_7 = arith.muli %add3A, %mul3A_6 : i32
    %dma_wait3A = arith.constant 0 : i32
    %dma_wait3A_8 = arith.constant 192 : i32
    %dma_wait3A_9 = tpu.memref_slice %arg4[%dma_wait3A, %dma_wait3A_8, %mul3A_7] : memref<65x200x4096xf32, #tpu.memory_space<hbm>> -> memref<65x8x128xf32, #tpu.memory_space<hbm>>
    %dma_wait3A_10 = arith.constant 0 : i32
    %dma_wait3A_11 = arith.constant 192 : i32
    %dma_wait3A_12 = tpu.memref_slice %arg4[%dma_wait3A_10, %dma_wait3A_11, %mul3A_7] : memref<65x200x4096xf32, #tpu.memory_space<hbm>> -> memref<65x8x128xf32, #tpu.memory_space<hbm>>
    tpu.wait_dma2 semaphore(%arg11 : memref<!tpu.dma_semaphore, #tpu.memory_space<semaphore_mem>>) src(%arg8 : memref<65x8x128xf32, #tpu.memory_space<vmem>>) dst(%dma_wait3A_12 : memref<65x8x128xf32, #tpu.memory_space<hbm>>)
    return
  }
}

module attributes {stable_mosaic.version = 14 : i64} {
  func.func @_tc_repack_block(%arg0: i32, %arg1: memref<64x2048xf32, #tpu.memory_space<vmem>>, %arg2: memref<2048x128xf32, #tpu.memory_space<vmem>>) attributes {dimension_semantics = [#tpu.dimension_semantics<arbitrary>], iteration_bounds = array<i64: 489>, scalar_prefetch = 0 : i64, scratch_operands = 0 : i64, tpu.core_type = #tpu.core_type<tc>, window_params = [{transform_indices = @transform_0, window_bounds = array<i64: 64, 2048>}, {transform_indices = @transform_1, window_bounds = array<i64: 2048, 128>}]} {
    %get3A = arith.constant 0 : index
    %get3A_0 = arith.constant 0 : index
    %get3A_1 = vector.load %arg1[%get3A, %get3A_0] : memref<64x2048xf32, #tpu.memory_space<vmem>>, vector<64x2048xf32>
    %transpose3A = tpu.transpose %get3A_1, [1, 0] : vector<64x2048xf32> -> vector<2048x64xf32>
    %swap3A = arith.constant 0 : index
    %swap3A_2 = arith.constant 0 : index
    %swap3A_3 = vector.load %arg2[%swap3A, %swap3A_2] : memref<2048x128xf32, #tpu.memory_space<vmem>>, vector<2048x64xf32>
    tpu.vector_store %arg2[%swap3A, %swap3A_2], %transpose3A {strides = array<i32>} : memref<2048x128xf32, #tpu.memory_space<vmem>>, vector<2048x64xf32>,
    return
  }
  func.func @transform_0(%arg0: i32) -> (i32, i32) {
    %c0_i32 = arith.constant 0 : i32
    %c0_i32_0 = arith.constant 0 : i32
    return %c0_i32, %arg0 : i32, i32
  }
  func.func @transform_1(%arg0: i32) -> (i32, i32) {
    %c0_i32 = arith.constant 0 : i32
    %c0_i32_0 = arith.constant 0 : i32
    return %arg0, %c0_i32 : i32, i32
  }
}

</mosaic_0001>

<sc_bundles>
// kernel: kernel.4.cloned.1.call-start
scs
__scs_entry_jumppad:
0x0: {  	(pc) =	sbr.rel $0x88, $3  }
0x1: {  	(tag) =	ssettag $0x0;
	lr =	simm.s32 $0x1  }
0x2: {  	[smem:$0x3F9F] =	sst lr;
	_ =	strace $0xD0000000  }
0x3: {  	_ = 	snop  }
0x4: {  	_ = 	snop  }
0x5: {  	_ = 	snop  }
0x6: {  	_ = 	snop  }
0x7: {  	_ = 	snop  }
__scs_overlays_trampoline_lowered:
0x8: {  	[smem:$0x3FAE] =	sst s0  }
0x9: {  	[smem:$0x3FAF] =	sst s1  }
0xa: {  	[smem:$0x3FB0] =	sst s2  }
0xb: {  	[smem:$0x3FB1] =	sst s3  }
0xc: {  	[smem:$0x3FB2] =	sst s4  }
0xd: {  	[smem:$0x3FB3] =	sst s5  }
0xe: {  	[smem:$0x3FB4] =	sst s6  }
0xf: {  	[smem:$0x3FB5] =	sst s7  }
0x10: {  	[smem:$0x3FB6] =	sst s8  }
0x11: {  	[smem:$0x3FB7] =	sst s9;
	s0 =	simm.s32 @!p0 $0x0  }
0x12: {  	s1 =	sld [smem:$0x3F9D];
	s0 =	simm.s32 @p0 $0x1  }
0x13: {  	[smem:$0x3FB8] =	sst s0;
	s0 =	simm.s32 @!p1 $0x0  }
0x14: {  	s2 =	sld [smem:$0x3F9C];
	s0 =	simm.s32 @p1 $0x1  }
0x15: {  	[smem:$0x3FB9] =	sst s0;
	s0 =	simm.s32 @!p2 $0x0  }
0x16: {  	s3 =	sld [smem:$0x3FDB];
	s0 =	simm.s32 @p2 $0x1  }
0x17: {  	s4 =	simm.s32 $0x1BF5;
	[smem:$0x3FBB] =	sst s0  }
0x18: {  	s0 =	sld [smem:$0x3F9E];
	_ =	swait.ge [sflag:s4], $0x0  }
0x19: {  	s7 =	sld [smem:$0x3F9F]  }
0x1a: {  	s8 =	sadd.s32 $0xFFFFE003, lr  }
0x1b: {  	s9 =	sadd.s32 $0xFFFFFEF7, lr;
	s5 =	simm.s32 $0xFFFFFFFF;
	p2 =	slt.u32 s8, $0xFFFFF086  }
0x1c: {  	p1 =	slt.u32 s9, $0xF7A;
	s5 =	simm.s32 @!p2 $0x0  }
0x1d: {  	s5 =	simm.s32 @p1 $0x1;
	p0 =	seq.s32 s7, s2  }
0x1e: {  	s7 =	smul.u32 @!p0 $0xF7A, s2;
	p2 =	seq.s32 @!p0 s5, $0x0  }
0x1f: {  	s9 =	smul.u32 $0xF7A, s1;
	s8 =	simm.s32 @!p0 $0x1BF5;
	p2 =	por !p2, p0  }
0x20: {  	[sflag:s8] =	ssyncset.s32 @!p0 $0xFFFFF086;
	s6 =	sadd.s32 @!p0 s3, s7;
	s7 =	simm.s32 @!p0 $0x108  }
0x21: {  	s3 =	sadd.s32 s3, s9;
	s6 =	sadd.s32 @!p0 $0x88, s6;
	s7 =	simm.s32 @p2 $0x1082  }
0x22: {  	[simem:s7], [sflag:s8] =	dma.local @!p0 [hbm:s6], $0xF7A  }
0x23: {  	s9 =	sor.u32 $0xD0000000, s2;
	s6 =	simm.s32 $0x108;
	_ =	swait.ge @!p0 [sflag:s8], $0x0  }
0x24: {  	s3 =	sadd.s32 $0x88, s3;
	s6 =	simm.s32 @!p1 $0x1082;
	[sflag:s4] =	ssyncset.s32 $0xFFFFF086  }
0x25: {  	[simem:s6], [sflag:s4] =	dma.local [hbm:s3], $0xF7A  }
0x26: {  	[smem:$0x3F9F] =	sst s1;
	(tag) =	ssettag s2;
	_ =	strace s9  }
0x27: {  	s1 =	sld [smem:$0x3FAF]  }
0x28: {  	s2 =	sld [smem:$0x3FB0]  }
0x29: {  	s4 =	sld [smem:$0x3FB2]  }
0x2a: {  	p0 =	seq.s32 s5, $0x0;
	s5 =	sld [smem:$0x3FB3]  }
0x2b: {  	s6 =	sld [smem:$0x3FB4]  }
0x2c: {  	s7 =	sld [smem:$0x3FB5]  }
0x2d: {  	s3 =	simm.s32 $0x108;
	s8 =	sld [smem:$0x3FB6]  }
0x2e: {  	s3 =	simm.s32 @!p0 $0x1082;
	s9 =	sld [smem:$0x3FB7]  }
0x2f: {  	lr =	sadd.s32 s0, s3;
	s0 =	sld [smem:$0x3FAE]  }
0x30: {  	s3 =	sld [smem:$0x3FB1]  }
0x31: {  	[smem:$0x3FBA] =	sst s10  }
0x32: {  	s10 =	sld [smem:$0x3FB8];
	_ =	sdelay $0x3  }
0x33: {  	p0 =	seq.s32 s10, $0x1;
	s10 =	sld [smem:$0x3FBA];
	_ =	sdelay $0x3  }
0x34: {  	[smem:$0x3FBA] =	sst s10  }
0x35: {  	s10 =	sld [smem:$0x3FB9];
	_ =	sdelay $0x3  }
0x36: {  	p1 =	seq.s32 s10, $0x1;
	s10 =	sld [smem:$0x3FBA];
	_ =	sdelay $0x3  }
0x37: {  	[smem:$0x3FBA] =	sst s10  }
0x38: {  	s10 =	sld [smem:$0x3FBB]  }
0x39: {  	_ = 	snop;
	(pc) =	sbr.ind lr, $3  }
0x3a: {  	_ = 	snop  }
0x3b: {  	_ = 	snop  }
0x3c: {  	p2 =	seq.s32 s10, $0x1;
	s10 =	sld [smem:$0x3FBA]  }
0x3d: {  	_ =	shalt  }
0x3e: {  	_ =	shalt  }
0x3f: {  	_ =	shalt  }
0x40: {  	_ =	shalt  }
0x41: {  	_ =	shalt  }
0x42: {  	_ =	shalt  }
0x43: {  	_ =	shalt  }
0x44: {  	_ =	shalt  }
0x45: {  	_ =	shalt  }
0x46: {  	_ =	shalt  }
0x47: {  	_ =	shalt  }
0x48: {  	_ =	shalt  }
0x49: {  	_ =	shalt  }
0x4a: {  	_ =	shalt  }
0x4b: {  	_ =	shalt  }
0x4c: {  	_ =	shalt  }
0x4d: {  	_ =	shalt  }
0x4e: {  	_ =	shalt  }
0x4f: {  	_ =	shalt  }
0x50: {  	_ =	shalt  }
0x51: {  	_ =	shalt  }
0x52: {  	_ =	shalt  }
0x53: {  	_ =	shalt  }
0x54: {  	_ =	shalt  }
0x55: {  	_ =	shalt  }
0x56: {  	_ =	shalt  }
0x57: {  	_ =	shalt  }
0x58: {  	_ =	shalt  }
0x59: {  	_ =	shalt  }
0x5a: {  	_ =	shalt  }
0x5b: {  	_ =	shalt  }
0x5c: {  	_ =	shalt  }
0x5d: {  	_ =	shalt  }
0x5e: {  	_ =	shalt  }
0x5f: {  	_ =	shalt  }
0x60: {  	_ =	shalt  }
0x61: {  	_ =	shalt  }
0x62: {  	_ =	shalt  }
0x63: {  	_ =	shalt  }
0x64: {  	_ =	shalt  }
0x65: {  	_ =	shalt  }
0x66: {  	_ =	shalt  }
0x67: {  	_ =	shalt  }
0x68: {  	_ =	shalt  }
0x69: {  	_ =	shalt  }
0x6a: {  	_ =	shalt  }
0x6b: {  	_ =	shalt  }
0x6c: {  	_ =	shalt  }
0x6d: {  	_ =	shalt  }
0x6e: {  	_ =	shalt  }
0x6f: {  	_ =	shalt  }
0x70: {  	_ =	shalt  }
0x71: {  	_ =	shalt  }
0x72: {  	_ =	shalt  }
0x73: {  	_ =	shalt  }
0x74: {  	_ =	shalt  }
0x75: {  	_ =	shalt  }
0x76: {  	_ =	shalt  }
0x77: {  	_ =	shalt  }
0x78: {  	_ =	shalt  }
0x79: {  	_ =	shalt  }
0x7a: {  	_ =	shalt  }
0x7b: {  	_ =	shalt  }
0x7c: {  	_ =	shalt  }
0x7d: {  	_ =	shalt  }
0x7e: {  	_ =	shalt  }
0x7f: {  	_ =	shalt  }
0x80: {  	_ =	shalt  }
0x81: {  	_ =	shalt  }
0x82: {  	_ =	shalt  }
0x83: {  	_ =	shalt  }
0x84: {  	_ =	shalt  }
0x85: {  	_ =	shalt  }
0x86: {  	_ =	shalt  }
0x87: {  	_ =	shalt  }
.Lfunc_end0:
.L_simem_size_0:
called_computation_lowered:
.L_overlay_start_0:
0x88: {  	s2 =	sld [smem:$0x3FD9]  }
0x89: {  	s3 =	sld [smem:$0x3FFE];
	_ =	sdelay $0x1  }
0x8a: {  	s1 =	srdreg.scid  }
0x8b: {  	s0 =	sand.u32 $0x1, s1  }
0x8c: {  	s17 =	sshll.u32 s0, $0xA;
	s2 =	sadd.s32 s3, s2  }
0x8d: {  	s2 =	sadd.s32 s2, s17  }
0x8e: {  	[smem:$0x3FC6] =	sst s2  }
0x8f: {  	_ = 	snop  }
0x90: {  	s2 =	sld [smem:$0x3FD0];
	(tm) =	ssettm $0x1  }
0x91: {  	s18 =	sld [smem:$0x3FFB];
	_ =	sdelay $0x3  }
0x92: {  	_ =	strace s18  }
0x93: {  	s3 =	sld [smem:$0x3FFC];
	_ =	sdelay $0x3  }
0x94: {  	_ =	strace s3  }
0x95: {  	s3 =	sld [smem:$0x3FFD];
	_ =	sdelay $0x3  }
0x96: {  	_ =	strace s3  }
0x97: {  	_ =	strace $0x8FFFFFFF  }
0x98: {  	s19 =	sld [smem:$0x3FDB];
	_ =	sdelay $0x1  }
0x99: {  	s4 =	simm.s32 $_scs_section_size  }
0x9a: {  	s5 =	simm.s32 $_size__tile_overlayer_lowered;
	s6 =	simm.s32 $_tile_overlayer_lowered  }
0x9b: {  	s22 =	simm.s32 $0x1BFF;
	s21 =	sshll.u32 s6, $0x1;
	s3 =	sadd.s32 s4, s19  }
0x9c: {  	s7 =	simm.s32 $0x0;
	s20 =	sshll.u32 s5, $0x1;
	s5 =	sadd.s32 s21, s3  }
0x9d: {  	[timem:s7], [sflag:s22] =	dma.local [hbm:s5], s20  }
0x9e: {  	_ =	swait.ge [sflag:s22], s20  }
0x9f: {  	s4 =	ssub.s32 $0x0, s20;
	[sflag:s22] =	ssyncset.done $0x0  }
0xa0: {  	[sflag:s22] =	ssyncadd.s32 s4;
	_ =	sdelay $0x1  }
0xa1: {  	s23 =	simm.s32 $0x1B8B  }
0xa2: {  	_ =	swait.ge [sflag:s23], $0x1  }
0xa3: {  	[sflag:s23] =	ssyncset.done $0x0  }
0xa4: {  	s25 =	simm.s32 $0x1B8E;
	s24 =	sld [smem:$0x3FFE];
	[sflag:s23] =	ssyncadd.s32 $0xFFFFFFFF  }
0xa5: {  	s26 =	simm.s32 $execute0_lowered;
	[smem:$0x3FD2] =	sst s25  }
0xa6: {  	s5 =	sshll.u32 s26, $0x1;
	_ =	strace $0x80000046;
	[dreg:$0x1] =	wrdreg $0xFFFFFFFF  }
0xa7: {  	s28 =	simm.s32 $_size_execute0_lowered;
	s3 =	sadd.s32 s3, s5;
	[dreg:$0x0] =	wrdreg $0x0  }
0xa8: {  	s5 =	sshll.u32 s28, $0x1;
	[dreg:$0x2] =	wrdreg s3  }
0xa9: {  	[dreg:$0x3] =	wrdreg s5  }
0xaa: {  	[dreg:$0x4] =	wrdreg $0xC0  }
0xab: {  	_ =	task [dreg:s7], $0x5FFFF  }
0xac: {  	[dreg:$0x1] =	wrdreg $0xFFFFFFFF  }
0xad: {  	[dreg:$0x0] =	wrdreg $0x60  }
0xae: {  	[dreg:$0x2] =	wrdreg s24  }
0xaf: {  	[dreg:$0x3] =	wrdreg s2  }
0xb0: {  	[dreg:$0x4] =	wrdreg $0x9  }
0xb1: {  	_ =	task.clear_ibuf [dreg:s7], $0x5FFFF;
	_ =	strace $0x90000046  }
0xb2: {  	s29 =	simm.s32 $0x9;
	_ =	strace $0x80000048  }
0xb3: {  	_ =	swait.ge [sflag:s29], $0x1  }
0xb4: {  	[sflag:s29] =	ssyncadd.s32 $0xFFFFFFFF  }
0xb5: {  	_ =	strace $0x90000048  }
0xb6: {  	_ =	sfence  }
0xb7: {  	s30 =	sld [smem:$0x0];
	_ =	sdelay $0x2  }
0xb8: {  	s31 =	sshll.u32 s1, $0xD;
	s1 =	sshrl.u32 s1, $0x2  }
0xb9: {  	s3 =	sand.u32 $0x4000, s31;
	s1 =	sadd.s32 s1, s30  }
0xba: {  	s0 =	sor.u32 s3, s0;
	s1 =	sshll.u32 s1, $0x11  }
0xbb: {  	s0 =	sor.u32 s1, s0  }
0xbc: {  	s0 =	sadd.s32 $0x8F2B, s0  }
0xbd: {  	[sflag:s0] =	ssyncadd.remote.s32 $0x1  }
0xbe: {  	_ =	sfence.sel $0xFFFF  }
0xbf: {  	[dreg:$0x0] =	wrdreg $0xFFFFFFFF;
	(pc) =	sbr.abs _section_cstart, $3  }
0xc0: {  	[dreg:$0x1] =	wrdreg $0xFFFFFFFF  }
0xc1: {  	_ =	task.clear_ibuf [dreg:s7], $0x2FFFF;
	_ =	strace $0x9FFFFFFF  }
0xc2: {  	(tm) =	ssettm $0x7FFFFFFF  }
0xc3: {  	_ =	shalt  }
tec
execute0_lowered:
.L_overlay_start_1:
0x0: {  	(tag) =	ssettag $0x1  }
0x1: {  	s4 =	rddreg [dreg:$0x0]  }
0x2: {  	s6 =	rddreg [dreg:$0x1]  }
0x3: {  	s0 =	rddreg [dreg:$0x2]  }
0x4: {  	s3 =	srdreg.scid;
	s1 =	stileid.u32  }
0x5: {  	s2 =	simm.s32 $0x0;
	s10 =	simm.s32 $0x4000;
	s11 =	simm.s32 $0x1  }
0x6: {  	s12 =	simm.s32 $0x8000;
	s13 =	simm.s32 $0x400;
	s14 =	simm.s32 $0xC8000  }
0x7: {  	s15 =	simm.s32 $0xC000;
	s16 =	simm.s32 $0x2;
	s17 =	simm.s32 $0x0  }
0x8: {  	s3 =	sand.u32 $0x1, s3;
	s5 =	sshll.u32 s1, $0x1;
	[smem:$0x7FF] =	sst s2  }
0x9: {  	s7 =	sor.u32 s3, s5;
	s31 =	ssub.s32 $0x2, s3;
	_ =	strace $0x80000047  }
0xa: {  	s3 =	sadd.s32 $0x600, s4;
	s8 =	sshll.u32 s7, $0xC;
	s9 =	sshrl.u32 s31, $0x1  }
0xb: {  	s7 =	sshll.u32 s7, $0x7;
	s8 =	sadd.s32 s8, s4;
	s9 =	ssub.s32 s31, s9  }
0xc: {  	v0 =	vlaneseq.u32;
	s6 =	sadd.s32 s6, s7;
	s4 =	sadd.s32 $0xF42A00, s8;
	s5 =	sadd.s32 $0xF43200, s8  }
0xd: {  	v0 =	vmul.u32 $0x80, v0;
	s7 =	smax.u32 s9, $0x1;
	s8 =	simm.s32 $0x3;
	s9 =	simm.s32 $0x80  }
.LBB2_1:
0xe: {  	[tilespmem:s2], [sflag:$0x3] =	stream.linear.gather [hbm4b:s4+s2], $0x4000, $0x38;
	[tilespmem:$0x1C480] =	vst v63  }
0xf: {  	_ =	swait.ge [sflag:s8], $0x4000  }
0x10: {  	[sflag:s8] =	ssyncset.done $0x0  }
0x11: {  	s18 =	simm.s32 $0x0;
	[sflag:s8] =	ssyncadd.s32 $0xFFFFC000  }
.LBB2_2:
0x12: {  	p0 =	sne.s32 s18, $0x10  }
0x13: {  	s19 =	simm.s32 @!p0 $0x0  }
0x14: {  	[tilespmem:s19], [sflag:$0x3] =	stream.linear.gather @!p0 [hbm4b:s5+s19], $0x4000, $0x38;
	[tilespmem:$0x1C480] =	vst v63  }
0x15: {  	s19 =	simm.s32 @!p0 $0x3  }
0x16: {  	s20 =	sshll.u32 s18, $0xA;
	s21 =	sshll.u32 s18, $0x7;
	_ =	swait.ge @!p0 [sflag:s19], $0x4000  }
0x17: {  	s20 =	sand.u32 $0x2000, s20;
	s21 =	sand.u32 $0x380, s21;
	[sflag:s19] =	ssyncset.done @!p0 $0x0  }
0x18: {  	[sflag:s19] =	ssyncadd.s32 @!p0 $0xFFFFC000;
	s19 =	sor.u32 s21, s20;
	p0 =	seq.s32 s18, $0x0  }
0x19: {  	[tilespmem:s10], [sflag:$0x1] =	stream.indirect.gather [hbm4b:s3+s9], $0x80, s19, s9, $0xb8;
	[tilespmem:$0x1C480] =	vst v63  }
0x1a: {  	s20 =	simm.s32 @!p0 $0x2  }
0x1b: {  	_ =	swait.ge @!p0 [sflag:s20], $0x10400  }
0x1c: {  	[sflag:s20] =	ssyncset.done @!p0 $0x0  }
0x1d: {  	[sflag:s20] =	ssyncadd.s32 @!p0 $0xFFFEFC00  }
0x1e: {  	_ =	swait.ge [sflag:s11], $0x4000  }
0x1f: {  	s22 =	simm.s32 $0x0;
	s21 =	simm.s32 $0xD000;
	[sflag:s11] =	ssyncset.done $0x0  }
0x20: {  	s31 =	sadd.s32 $0x400, s19;
	s20 =	simm.s32 $0x0;
	[sflag:s11] =	ssyncadd.s32 $0xFFFFC000  }
0x21: {  	[tilespmem:s12], [sflag:$0x1] =	stream.indirect.gather [hbm4b:s3+s9], $0x80, s31, s9, $0xb8;
	[tilespmem:$0x1C480] =	vst v63  }
.LBB2_3:
0x22: {  	s23 =	sshll.u32 s22, $0x4;
	v2 =	vimm.f32 $0.0e+00;
	v3 =	vmov s20;
	s24 =	simm.s32 $0x4;
	s25 =	simm.s32 $0x5  }
0x23: {  	s26 =	simm.s32 $0x6;
	s29 =	simm.s32 $0x7;
	v1 =	vmov s23;
	v4 =	vmov s24;
	v5 =	vmov s25  }
0x24: {  	s30 =	simm.s32 $0x1;
	s31 =	simm.s32 $0x2;
	s28 =	simm.s32 $0x3;
	v6 =	vmov s26;
	v7 =	vmov s29;
	v3 =	vand.u32 $0x78, v3  }
0x25: {  	v8 =	vmov s30;
	v9 =	vmov s31;
	v10 =	vmov s28  }
0x26: {  	v1 =	vshll.u32 v1, $0x7;
	v4 =	vand.u32 $0x7C, v4;
	v3 =	vbroadcast v3, $0x0  }
0x27: {  	v5 =	vand.u32 $0x7D, v5;
	v8 =	vand.u32 $0x79, v8;
	v9 =	vand.u32 $0x7A, v9  }
0x28: {  	v10 =	vand.u32 $0x7B, v10;
	v1 =	vor.u32 v0, v1;
	v4 =	vbroadcast v4, $0x0  }
0x29: {  	v6 =	vand.u32 $0x7E, v6;
	v5 =	vbroadcast v5, $0x0;
	v3 =	vor.u32 v1, v3  }
0x2a: {  	s29 =	simm.s32 $0x8;
	v7 =	vand.u32 $0x7F, v7;
	v8 =	vbroadcast v8, $0x0;
	v4 =	vor.u32 v1, v4  }
0x2b: {  	s30 =	simm.s32 $0xC;
	v11 =	vmov s29;
	v9 =	vbroadcast v9, $0x0;
	v5 =	vor.u32 v1, v5  }
0x2c: {  	s31 =	simm.s32 $0xD;
	v12 =	vmov s30;
	v10 =	vbroadcast v10, $0x0;
	v8 =	vor.u32 v1, v8  }
0x2d: {  	s26 =	simm.s32 $0xE;
	v13 =	vmov s31;
	v6 =	vbroadcast v6, $0x0;
	v9 =	vor.u32 v1, v9  }
0x2e: {  	s28 =	simm.s32 $0xA;
	s29 =	simm.s32 $0xF;
	v14 =	vmov s26;
	v7 =	vbroadcast v7, $0x0;
	v10 =	vor.u32 v1, v10;
	v3 =	vld.idx.msk [tilespmem:v3+s10+$0x0], $0xffff  }
0x2f: {  	s30 =	simm.s32 $0x9;
	v17 =	vmov s28;
	v16 =	vmov s29;
	v6 =	vor.u32 v1, v6;
	v4 =	vld.idx.msk [tilespmem:v4+s10+$0x0], $0xffff  }
0x30: {  	v11 =	vand.u32 $0x78, v11;
	v15 =	vmov s30;
	v7 =	vor.u32 v1, v7;
	v5 =	vld.idx.msk [tilespmem:v5+s10+$0x0], $0xffff  }
0x31: {  	s31 =	simm.s32 $0xB;
	v12 =	vand.u32 $0x7C, v12;
	v13 =	vand.u32 $0x7D, v13;
	v14 =	vand.u32 $0x7E, v14;
	v19 =	vld.idx.msk [tilespmem:v8+s10+$0x0], $0xffff  }
0x32: {  	v18 =	vbroadcast v11, $0x0;
	v21 =	vbroadcast v13, $0x0;
	v8 =	vmov s31;
	v20 =	vld.idx.msk [tilespmem:v9+s10+$0x0], $0xffff  }
0x33: {  	v9 =	vand.u32 $0x79, v15;
	v22 =	vld.idx.msk [tilespmem:v10+s10+$0x0], $0xffff;
	v10 =	vand.u32 $0x7A, v17;
	v17 =	vbroadcast v12, $0x0  }
0x34: {  	v6 =	vld.idx.msk [tilespmem:v6+s10+$0x0], $0xffff;
	v11 =	vbroadcast v9, $0x0;
	v9 =	vand.u32 $0x7B, v8;
	v8 =	vbroadcast v14, $0x0;
	[tilespmem:s21+$0xFFFFF400] =	vst v3  }
0x35: {  	v7 =	vld.idx.msk [tilespmem:v7+s10+$0x0], $0xffff;
	v15 =	vbroadcast v10, $0x0;
	v10 =	vand.u32 $0x7F, v16;
	v16 =	vor.u32 v1, v18;
	[tilespmem:s21+$0x400] =	vst v4  }
0x36: {  	v14 =	vor.u32 v1, v21;
	v9 =	vbroadcast v9, $0x0;
	v18 =	vmul.f32 v3, v3;
	[tilespmem:s21+$0x800] =	vst v5  }
0x37: {  	v13 =	vor.u32 v1, v17;
	v12 =	vmul.f32 v4, v4;
	[tilespmem:s21+$0xFFFFF800] =	vst v19;
	v19 =	vmul.f32 v19, v19  }
0x38: {  	v3 =	vimm.f32 $0.0e+00;
	v17 =	vmul.f32 v5, v5;
	[tilespmem:s21+$0xFFFFFC00] =	vst v20;
	v21 =	vmul.f32 v20, v20  }
0x39: {  	s25 =	simm.s32 $0x10;
	s24 =	smov.u32 s21;
	v20 =	vmul.f32 v22, v22;
	[tilespmem:s21+$0x0] =	vst v22;
	v5 =	vimm.f32 $0.0e+00;
	v4 =	vimm.f32 $0.0e+00  }
.LBB2_4:
0x3a: {  	p0 =	slt.u32 s25, $0x38;
	v2 =	vadd.f32 v18, v2;
	v5 =	vadd.f32 v19, v5;
	[tilespmem:s24+$0xC00] =	vst v6;
	v6 =	vmul.f32 v6, v6  }
0x3b: {  	v4 =	vadd.f32 v21, v4;
	v3 =	vadd.f32 v20, v3;
	[tilespmem:s24+$0x1000] =	vst v7;
	v7 =	vmul.f32 v7, v7  }
0x3c: {  	v11 =	vor.u32 v1, v11;
	v2 =	vadd.f32 v12, v2;
	v5 =	vadd.f32 v17, v5  }
0x3d: {  	v12 =	vor.u32 v1, v15;
	v4 =	vadd.f32 v6, v4;
	v3 =	vadd.f32 v7, v3  }
0x3e: {  	s26 =	sadd.s32 $0x4, s25;
	s28 =	sadd.s32 $0x5, s25;
	v6 =	vmov s25;
	v7 =	vor.u32 v1, v9;
	v9 =	vbroadcast v10, $0x0;
	v17 =	vld.idx.msk [tilespmem:v16+s10+$0x0], $0xffff  }
0x3f: {  	v8 =	vor.u32 v1, v8;
	v15 =	vmov s28;
	s28 =	sadd.s32 $0x7, s25;
	v10 =	vmov s26;
	s26 =	sadd.s32 $0x6, s25;
	v13 =	vld.idx.msk [tilespmem:v13+s10+$0x0], $0xffff  }
0x40: {  	s29 =	sadd.s32 $0x1, s25;
	s30 =	sadd.s32 $0x2, s25;
	v18 =	vmov s28;
	v16 =	vmov s26;
	v9 =	vor.u32 v1, v9;
	v14 =	vld.idx.msk [tilespmem:v14+s10+$0x0], $0xffff  }
0x41: {  	v19 =	vmov s29;
	v20 =	vmov s30;
	v6 =	vand.u32 $0x78, v6;
	s26 =	sadd.s32 $0x3, s25;
	v21 =	vld.idx.msk [tilespmem:v11+s10+$0x0], $0xffff  }
0x42: {  	v10 =	vand.u32 $0x7C, v10;
	v22 =	vmov s26;
	v11 =	vand.u32 $0x7D, v15;
	v23 =	vld.idx.msk [tilespmem:v12+s10+$0x0], $0xffff  }
0x43: {  	s24 =	sadd.s32 $0x2000, s24;
	v16 =	vand.u32 $0x7E, v16;
	v15 =	vand.u32 $0x79, v19;
	v12 =	vbroadcast v6, $0x0;
	v24 =	vld.idx.msk [tilespmem:v7+s10+$0x0], $0xffff  }
0x44: {  	v19 =	vand.u32 $0x7A, v20;
	v20 =	vbroadcast v10, $0x0;
	v25 =	vbroadcast v11, $0x0;
	[tilespmem:s24+$0xFFFFF400] =	vst v17;
	v6 =	vld.idx.msk [tilespmem:v8+s10+$0x0], $0xffff  }
.Ltmp0:
0x45: {  	v10 =	vand.u32 $0x7B, v22;
	v11 =	vbroadcast v15, $0x0;
	v8 =	vbroadcast v16, $0x0;
	v7 =	vld.idx.msk [tilespmem:v9+s10+$0x0], $0xffff;
	[tilespmem:s24+$0x400] =	vst v13;
	(pc) =	sbr.rel @p0 .LBB2_4-.Ltmp0, $4  }
0x46: {  	v15 =	vbroadcast v19, $0x0;
	v9 =	vbroadcast v10, $0x0;
	v10 =	vand.u32 $0x7F, v18;
	[tilespmem:s24+$0x800] =	vst v14  }
0x47: {  	v16 =	vor.u32 v1, v12;
	v12 =	vmul.f32 v13, v13;
	v18 =	vmul.f32 v17, v17;
	[tilespmem:s24+$0xFFFFF800] =	vst v21  }
0x48: {  	v13 =	vor.u32 v1, v20;
	v17 =	vmul.f32 v14, v14;
	v19 =	vmul.f32 v21, v21;
	[tilespmem:s24+$0xFFFFFC00] =	vst v23  }
0x49: {  	s25 =	sadd.s32 $0x8, s25;
	v14 =	vor.u32 v1, v25;
	v21 =	vmul.f32 v23, v23;
	v20 =	vmul.f32 v24, v24;
	[tilespmem:s24+$0x0] =	vst v24  }
0x4a: {  	_ =	sdelay $0x1  }
0x4b: {  	v11 =	vor.u32 v1, v11  }
0x4c: {  	v15 =	vor.u32 v1, v15  }
0x4d: {  	v16 =	vld.idx.msk [tilespmem:v16+s10+$0x0], $0xffff;
	v9 =	vor.u32 v1, v9;
	v10 =	vbroadcast v10, $0x0  }
0x4e: {  	v13 =	vld.idx.msk [tilespmem:v13+s10+$0x0], $0xffff;
	v8 =	vor.u32 v1, v8  }
0x4f: {  	v14 =	vld.idx.msk [tilespmem:v14+s10+$0x0], $0xffff;
	v1 =	vor.u32 v1, v10  }
0x50: {  	v52 =	vld.idx.msk [tilespmem:v11+s10+$0x0], $0xffff  }
0x51: {  	v53 =	vld.idx.msk [tilespmem:v15+s10+$0x0], $0xffff  }
0x52: {  	v2 =	vadd.f32 v18, v2;
	v9 =	vld.idx.msk [tilespmem:v9+s10+$0x0], $0xffff  }
0x53: {  	v5 =	vadd.f32 v19, v5;
	v54 =	vmul.f32 v6, v6;
	v4 =	vadd.f32 v21, v4;
	v8 =	vld.idx.msk [tilespmem:v8+s10+$0x0], $0xffff  }
0x54: {  	v55 =	vmul.f32 v7, v7;
	v3 =	vadd.f32 v20, v3;
	v2 =	vadd.f32 v12, v2;
	v1 =	vld.idx.msk [tilespmem:v1+s10+$0x0], $0xffff  }
0x55: {  	v5 =	vadd.f32 v17, v5;
	v56 =	vmul.f32 v16, v16;
	v57 =	vmul.f32 v13, v13  }
0x56: {  	v4 =	vadd.f32 v54, v4;
	v59 =	vmul.f32 v14, v14;
	v58 =	vmul.f32 v52, v52  }
0x57: {  	[tilespmem:s24+$0xC00] =	vst v6;
	v3 =	vadd.f32 v55, v3;
	v60 =	vmul.f32 v53, v53;
	v61 =	vmul.f32 v9, v9  }
0x58: {  	[tilespmem:s24+$0x1000] =	vst v7;
	s31 =	sadd.s32 $0x2000, s24;
	v2 =	vadd.f32 v56, v2;
	v62 =	vmul.f32 v8, v8;
	v5 =	vadd.f32 v58, v5  }
0x59: {  	[tilespmem:s31+$0xFFFFF400] =	vst v16;
	v4 =	vadd.f32 v60, v4;
	v3 =	vadd.f32 v61, v3;
	v63 =	vmul.f32 v1, v1  }
0x5a: {  	[tilespmem:s31+$0x400] =	vst v13;
	v2 =	vadd.f32 v57, v2;
	v5 =	vadd.f32 v59, v5  }
0x5b: {  	s22 =	sadd.s32 $0x1, s22;
	[tilespmem:s31+$0x800] =	vst v14;
	v4 =	vadd.f32 v62, v4;
	v3 =	vadd.f32 v63, v3  }
0x5c: {  	p0 =	sne.s32 s22, $0x8;
	[tilespmem:s31+$0xFFFFF800] =	vst v52  }
.Ltmp1:
0x5d: {  	[tilespmem:s31+$0xFFFFFC00] =	vst v53;
	v2 =	vadd.f32 v5, v2;
	v3 =	vadd.f32 v3, v4;
	(pc) =	sbr.rel @p0 .LBB2_3-.Ltmp1, $4  }
0x5e: {  	[tilespmem:s31+$0x0] =	vst v9  }
0x5f: {  	[tilespmem:s31+$0xC00] =	vst v8;
	v2 =	vadd.f32 v3, v2  }
0x60: {  	[tilespmem:s31+$0x1000] =	vst v1  }
0x61: {  	s21 =	sadd.s32 $0x10, s21;
	[tilespmem:s23+$0x1C400] =	vst v2  }
0x62: {  	s20 =	simm.s32 $0x1C410  }
0x63: {  	v1 =	vld [tilespmem:s20+$0x0]  }
0x64: {  	v3 =	vld [tilespmem:s20+$0xFFFFFFF0];
	_ =	sdelay $0x3  }
0x65: {  	v2 =	vadd.f32 $1.000000000e+00, v1  }
0x66: {  	s30 =	simm.s32 $0x1C430;
	v1 =	vadd.f32 $1.000000000e+00, v3  }
0x67: {  	v4 =	vld [tilespmem:s30+$0x0];
	v3 =	vshra.s32 v2, $0x1;
	v10 =	vmul.f32 $5.000000000e-01, v2  }
0x68: {  	v5 =	vsub.s32 $0x5F3759DF, v3;
	v3 =	vshra.s32 v1, $0x1  }
0x69: {  	v7 =	vld [tilespmem:s30+$0xFFFFFFF0];
	v12 =	vmul.f32 $5.000000000e-01, v1;
	v6 =	vsub.s32 $0x5F3759DF, v3;
	v3 =	vmul.f32 v5, v10;
	_ =	sdelay $0x1  }
0x6a: {  	v8 =	vmul.f32 v6, v12;
	v3 =	vmul.f32 v5, v3  }
0x6b: {  	v4 =	vadd.f32 $1.000000000e+00, v4  }
0x6c: {  	v8 =	vmul.f32 v6, v8;
	v9 =	vsub.f32 $1.500000000e+00, v3  }
0x6d: {  	v3 =	vadd.f32 $1.000000000e+00, v7;
	v7 =	vshra.s32 v4, $0x1  }
0x6e: {  	v11 =	vsub.f32 $1.500000000e+00, v8;
	v8 =	vmul.f32 $5.000000000e-01, v4;
	v5 =	vmul.f32 v5, v9  }
0x6f: {  	v9 =	vsub.s32 $0x5F3759DF, v7;
	v13 =	vshra.s32 v3, $0x1;
	v7 =	vmul.f32 $5.000000000e-01, v3  }
0x70: {  	v11 =	vmul.f32 v6, v11;
	v14 =	vsub.s32 $0x5F3759DF, v13;
	v6 =	vmul.f32 v9, v8  }
0x71: {  	s31 =	simm.s32 $0x1C450;
	v13 =	vmul.f32 v5, v10;
	v15 =	vmul.f32 v14, v7  }
0x72: {  	v17 =	vld [tilespmem:s31+$0x0];
	v16 =	vmul.f32 v11, v12;
	v6 =	vmul.f32 v9, v6  }
0x73: {  	v18 =	vld [tilespmem:s31+$0xFFFFFFF0];
	v13 =	vmul.f32 v13, v5;
	v15 =	vmul.f32 v14, v15  }
0x74: {  	v16 =	vmul.f32 v16, v11;
	v6 =	vsub.f32 $1.500000000e+00, v6  }
0x75: {  	v19 =	vsub.f32 $1.500000000e+00, v13;
	v15 =	vsub.f32 $1.500000000e+00, v15  }
0x76: {  	v16 =	vsub.f32 $1.500000000e+00, v16;
	v13 =	vmul.f32 v9, v6  }
0x77: {  	v6 =	vadd.f32 $1.000000000e+00, v17;
	v9 =	vmul.f32 v19, v5;
	v14 =	vmul.f32 v14, v15  }
0x78: {  	v5 =	vadd.f32 $1.000000000e+00, v18;
	v17 =	vmul.f32 v13, v8;
	v11 =	vmul.f32 v16, v11  }
0x79: {  	v15 =	vshra.s32 v6, $0x1;
	v16 =	vmul.f32 v14, v7;
	v18 =	vmul.f32 v9, v10  }
0x7a: {  	v15 =	vsub.s32 $0x5F3759DF, v15;
	v10 =	vmul.f32 $5.000000000e-01, v6;
	v19 =	vmul.f32 v11, v12  }
0x7b: {  	v20 =	vshra.s32 v5, $0x1;
	v12 =	vmul.f32 $5.000000000e-01, v5;
	v23 =	vmul.f32 v17, v13  }
0x7c: {  	s22 =	simm.s32 $0x4;
	v17 =	vsub.s32 $0x5F3759DF, v20;
	v22 =	vmul.f32 v15, v10;
	v18 =	vmul.f32 v18, v9  }
0x7d: {  	s23 =	simm.s32 $0x1C470;
	s21 =	simm.s32 $0xC010;
	s20 =	simm.s32 $0xC010;
	v21 =	vmul.f32 v17, v12;
	v20 =	vsub.f32 $1.500000000e+00, v23;
	v19 =	vmul.f32 v19, v11  }
.LBB2_7:
0x7e: {  	v23 =	vld [tilespmem:s23+$0x0];
	s22 =	sadd.s32 $0x2, s22;
	v22 =	vmul.f32 v15, v22;
	v16 =	vmul.f32 v16, v14;
	v18 =	vsub.f32 $1.500000000e+00, v18;
	s20 =	sadd.s32 $0x20, s20  }
0x7f: {  	v24 =	vld [tilespmem:s23+$0xFFFFFFF0];
	p0 =	slt.u32 s22, $0x6;
	v21 =	vmul.f32 v17, v21;
	v19 =	vsub.f32 $1.500000000e+00, v19  }
0x80: {  	v22 =	vsub.f32 $1.500000000e+00, v22;
	v18 =	vmul.f32 v18, v9;
	v9 =	vmul.f32 v20, v13  }
0x81: {  	v16 =	vsub.f32 $1.500000000e+00, v16;
	v20 =	vsub.f32 $1.500000000e+00, v21;
	v11 =	vmul.f32 v19, v11  }
0x82: {  	v13 =	vmul.f32 v15, v22;
	v15 =	vmul.f32 v18, v2;
	v2 =	vmovc v4;
	v4 =	vmov v6  }
0x83: {  	v6 =	vadd.f32 $1.000000000e+00, v23;
	v17 =	vmul.f32 v17, v20;
	v18 =	vmul.f32 v11, v1;
	v1 =	vmovc v3;
	v3 =	vmovc v5  }
0x84: {  	v11 =	vmul.f32 v16, v14;
	v5 =	vadd.f32 $1.000000000e+00, v24;
	v19 =	vmul.f32 v13, v10;
	[tilespmem:s21+$0x0] =	vst v15  }
.Ltmp2:
0x85: {  	v20 =	vmul.f32 v9, v8;
	v15 =	vshra.s32 v6, $0x1;
	v16 =	vmul.f32 v17, v12;
	[tilespmem:s21+$0xFFFFFFF0] =	vst v18;
	v14 =	vmovc v17;
	s21 =	smov.u32 s20;
	(pc) =	sbr.rel @p0 .LBB2_7-.Ltmp2, $4  }
0x86: {  	v8 =	vmovc v10;
	v23 =	vmul.f32 v11, v7;
	v10 =	vmul.f32 $5.000000000e-01, v6;
	v7 =	vmovc v12;
	v15 =	vsub.s32 $0x5F3759DF, v15  }
0x87: {  	v17 =	vshra.s32 v5, $0x1;
	v12 =	vmul.f32 $5.000000000e-01, v5;
	v19 =	vmul.f32 v19, v13  }
0x88: {  	v18 =	vmul.f32 v20, v9;
	v17 =	vsub.s32 $0x5F3759DF, v17;
	v22 =	vmul.f32 v15, v10  }
0x89: {  	s23 =	sadd.s32 $0x20, s23;
	v21 =	vmul.f32 v17, v12;
	v20 =	vsub.f32 $1.500000000e+00, v19;
	v19 =	vmul.f32 v23, v11  }
0x8a: {  	v22 =	vmul.f32 v15, v22  }
0x8b: {  	v21 =	vmul.f32 v17, v21  }
0x8c: {  	v22 =	vsub.f32 $1.500000000e+00, v22  }
0x8d: {  	v21 =	vsub.f32 $1.500000000e+00, v21  }
0x8e: {  	v50 =	vmul.f32 v15, v22  }
0x8f: {  	v51 =	vmul.f32 v17, v21  }
0x90: {  	v52 =	vmul.f32 v50, v10  }
0x91: {  	v16 =	vmul.f32 v16, v14;
	v53 =	vmul.f32 v51, v12  }
0x92: {  	v21 =	vmul.f32 v52, v50  }
0x93: {  	v16 =	vsub.f32 $1.500000000e+00, v16;
	v22 =	vmul.f32 v53, v51  }
0x94: {  	v13 =	vmul.f32 v20, v13;
	v54 =	vsub.f32 $1.500000000e+00, v21  }
0x95: {  	v55 =	vmul.f32 v16, v14;
	v56 =	vsub.f32 $1.500000000e+00, v22  }
0x96: {  	v8 =	vmul.f32 v13, v8;
	v15 =	vmul.f32 v54, v50  }
0x97: {  	v7 =	vmul.f32 v55, v7;
	v16 =	vmul.f32 v56, v51  }
0x98: {  	v57 =	vsub.f32 $1.500000000e+00, v18;
	v8 =	vmul.f32 v8, v13;
	v58 =	vmul.f32 v15, v10  }
0x99: {  	v59 =	vsub.f32 $1.500000000e+00, v19;
	v7 =	vmul.f32 v7, v55;
	v60 =	vmul.f32 v16, v12  }
0x9a: {  	v9 =	vmul.f32 v57, v9;
	v8 =	vsub.f32 $1.500000000e+00, v8;
	v10 =	vmul.f32 v58, v15  }
0x9b: {  	v11 =	vmul.f32 v59, v11;
	v7 =	vsub.f32 $1.500000000e+00, v7;
	v12 =	vmul.f32 v60, v16  }
0x9c: {  	v2 =	vmul.f32 v9, v2;
	v8 =	vmul.f32 v8, v13;
	v61 =	vsub.f32 $1.500000000e+00, v10  }
0x9d: {  	v1 =	vmul.f32 v11, v1;
	v7 =	vmul.f32 v7, v55;
	v62 =	vsub.f32 $1.500000000e+00, v12  }
0x9e: {  	[tilespmem:s21+$0x0] =	vst v2;
	v2 =	vmul.f32 v8, v4;
	v63 =	vmul.f32 v61, v15  }
0x9f: {  	s20 =	sadd.s32 $0x20, s20;
	[tilespmem:s21+$0xFFFFFFF0] =	vst v1;
	v1 =	vmul.f32 v7, v3;
	v3 =	vmul.f32 v62, v16  }
0xa0: {  	[tilespmem:s20+$0x0] =	vst v2;
	v2 =	vmul.f32 v63, v6  }
0xa1: {  	s30 =	sadd.s32 $0x20, s20;
	[tilespmem:s20+$0xFFFFFFF0] =	vst v1;
	v1 =	vmul.f32 v3, v5  }
0xa2: {  	[tilespmem:s30+$0x0] =	vst v2  }
0xa3: {  	[tilespmem:s30+$0xFFFFFFF0] =	vst v1  }
0xa4: {  	_ =	swait.ge [sflag:s11], $0x4000  }
0xa5: {  	s31 =	sadd.s32 $0x800, s19;
	s22 =	simm.s32 $0x0;
	[sflag:s11] =	ssyncset.done $0x0  }
0xa6: {  	s21 =	simm.s32 $0xD080;
	s20 =	simm.s32 $0x0;
	[sflag:s11] =	ssyncadd.s32 $0xFFFFC000  }
0xa7: {  	[tilespmem:s10], [sflag:$0x1] =	stream.indirect.gather [hbm4b:s3+s9], $0x80, s31, s9, $0xb8;
	[tilespmem:$0x1C480] =	vst v63  }
.LBB2_9:
0xa8: {  	s23 =	sshll.u32 s22, $0x4;
	v2 =	vimm.f32 $0.0e+00;
	v3 =	vmov s20;
	s24 =	simm.s32 $0x4;
	s25 =	simm.s32 $0x5  }
0xa9: {  	s26 =	simm.s32 $0x6;
	s29 =	simm.s32 $0x7;
	v1 =	vmov s23;
	v4 =	vmov s24;
	v5 =	vmov s25  }
0xaa: {  	s30 =	simm.s32 $0x1;
	s31 =	simm.s32 $0x2;
	s28 =	simm.s32 $0x3;
	v6 =	vmov s26;
	v7 =	vmov s29;
	v3 =	vand.u32 $0x78, v3  }
0xab: {  	v8 =	vmov s30;
	v9 =	vmov s31;
	v10 =	vmov s28  }
0xac: {  	v1 =	vshll.u32 v1, $0x7;
	v4 =	vand.u32 $0x7C, v4;
	v3 =	vbroadcast v3, $0x0  }
0xad: {  	v5 =	vand.u32 $0x7D, v5;
	v8 =	vand.u32 $0x79, v8;
	v9 =	vand.u32 $0x7A, v9  }
0xae: {  	v10 =	vand.u32 $0x7B, v10;
	v1 =	vor.u32 v0, v1;
	v4 =	vbroadcast v4, $0x0  }
0xaf: {  	v6 =	vand.u32 $0x7E, v6;
	v5 =	vbroadcast v5, $0x0;
	v3 =	vor.u32 v1, v3  }
0xb0: {  	s29 =	simm.s32 $0x8;
	v7 =	vand.u32 $0x7F, v7;
	v8 =	vbroadcast v8, $0x0;
	v4 =	vor.u32 v1, v4  }
0xb1: {  	s30 =	simm.s32 $0xC;
	v11 =	vmov s29;
	v9 =	vbroadcast v9, $0x0;
	v5 =	vor.u32 v1, v5  }
0xb2: {  	s31 =	simm.s32 $0xD;
	v12 =	vmov s30;
	v10 =	vbroadcast v10, $0x0;
	v8 =	vor.u32 v1, v8  }
0xb3: {  	s26 =	simm.s32 $0xE;
	v13 =	vmov s31;
	v6 =	vbroadcast v6, $0x0;
	v9 =	vor.u32 v1, v9  }
0xb4: {  	s28 =	simm.s32 $0xA;
	s29 =	simm.s32 $0xF;
	v14 =	vmov s26;
	v7 =	vbroadcast v7, $0x0;
	v10 =	vor.u32 v1, v10;
	v3 =	vld.idx.msk [tilespmem:v3+s12+$0x0], $0xffff  }
0xb5: {  	s30 =	simm.s32 $0x9;
	v17 =	vmov s28;
	v16 =	vmov s29;
	v6 =	vor.u32 v1, v6;
	v4 =	vld.idx.msk [tilespmem:v4+s12+$0x0], $0xffff  }
0xb6: {  	v11 =	vand.u32 $0x78, v11;
	v15 =	vmov s30;
	v7 =	vor.u32 v1, v7;
	v5 =	vld.idx.msk [tilespmem:v5+s12+$0x0], $0xffff  }
0xb7: {  	s31 =	simm.s32 $0xB;
	v12 =	vand.u32 $0x7C, v12;
	v13 =	vand.u32 $0x7D, v13;
	v14 =	vand.u32 $0x7E, v14;
	v19 =	vld.idx.msk [tilespmem:v8+s12+$0x0], $0xffff  }
0xb8: {  	v18 =	vbroadcast v11, $0x0;
	v21 =	vbroadcast v13, $0x0;
	v8 =	vmov s31;
	v20 =	vld.idx.msk [tilespmem:v9+s12+$0x0], $0xffff  }
0xb9: {  	v9 =	vand.u32 $0x79, v15;
	v22 =	vld.idx.msk [tilespmem:v10+s12+$0x0], $0xffff;
	v10 =	vand.u32 $0x7A, v17;
	v17 =	vbroadcast v12, $0x0  }
0xba: {  	v6 =	vld.idx.msk [tilespmem:v6+s12+$0x0], $0xffff;
	v11 =	vbroadcast v9, $0x0;
	v9 =	vand.u32 $0x7B, v8;
	v8 =	vbroadcast v14, $0x0;
	[tilespmem:s21+$0xFFFFF400] =	vst v3  }
0xbb: {  	v7 =	vld.idx.msk [tilespmem:v7+s12+$0x0], $0xffff;
	v15 =	vbroadcast v10, $0x0;
	v10 =	vand.u32 $0x7F, v16;
	v16 =	vor.u32 v1, v18;
	[tilespmem:s21+$0x400] =	vst v4  }
0xbc: {  	v14 =	vor.u32 v1, v21;
	v9 =	vbroadcast v9, $0x0;
	v18 =	vmul.f32 v3, v3;
	[tilespmem:s21+$0x800] =	vst v5  }
0xbd: {  	v13 =	vor.u32 v1, v17;
	v12 =	vmul.f32 v4, v4;
	[tilespmem:s21+$0xFFFFF800] =	vst v19;
	v19 =	vmul.f32 v19, v19  }
0xbe: {  	v3 =	vimm.f32 $0.0e+00;
	v17 =	vmul.f32 v5, v5;
	[tilespmem:s21+$0xFFFFFC00] =	vst v20;
	v21 =	vmul.f32 v20, v20  }
0xbf: {  	s25 =	simm.s32 $0x10;
	s24 =	smov.u32 s21;
	v20 =	vmul.f32 v22, v22;
	[tilespmem:s21+$0x0] =	vst v22;
	v5 =	vimm.f32 $0.0e+00;
	v4 =	vimm.f32 $0.0e+00  }
.LBB2_10:
0xc0: {  	p0 =	slt.u32 s25, $0x38;
	v2 =	vadd.f32 v18, v2;
	v5 =	vadd.f32 v19, v5;
	[tilespmem:s24+$0xC00] =	vst v6;
	v6 =	vmul.f32 v6, v6  }
0xc1: {  	v4 =	vadd.f32 v21, v4;
	v3 =	vadd.f32 v20, v3;
	[tilespmem:s24+$0x1000] =	vst v7;
	v7 =	vmul.f32 v7, v7  }
0xc2: {  	v11 =	vor.u32 v1, v11;
	v2 =	vadd.f32 v12, v2;
	v5 =	vadd.f32 v17, v5  }
0xc3: {  	v12 =	vor.u32 v1, v15;
	v4 =	vadd.f32 v6, v4;
	v3 =	vadd.f32 v7, v3  }
0xc4: {  	s26 =	sadd.s32 $0x4, s25;
	s28 =	sadd.s32 $0x5, s25;
	v6 =	vmov s25;
	v7 =	vor.u32 v1, v9;
	v9 =	vbroadcast v10, $0x0;
	v17 =	vld.idx.msk [tilespmem:v16+s12+$0x0], $0xffff  }
0xc5: {  	v8 =	vor.u32 v1, v8;
	v15 =	vmov s28;
	s28 =	sadd.s32 $0x7, s25;
	v10 =	vmov s26;
	s26 =	sadd.s32 $0x6, s25;
	v13 =	vld.idx.msk [tilespmem:v13+s12+$0x0], $0xffff  }
0xc6: {  	s29 =	sadd.s32 $0x1, s25;
	s30 =	sadd.s32 $0x2, s25;
	v18 =	vmov s28;
	v16 =	vmov s26;
	v9 =	vor.u32 v1, v9;
	v14 =	vld.idx.msk [tilespmem:v14+s12+$0x0], $0xffff  }
0xc7: {  	v19 =	vmov s29;
	v20 =	vmov s30;
	v6 =	vand.u32 $0x78, v6;
	s26 =	sadd.s32 $0x3, s25;
	v21 =	vld.idx.msk [tilespmem:v11+s12+$0x0], $0xffff  }
0xc8: {  	v10 =	vand.u32 $0x7C, v10;
	v22 =	vmov s26;
	v11 =	vand.u32 $0x7D, v15;
	v23 =	vld.idx.msk [tilespmem:v12+s12+$0x0], $0xffff  }
0xc9: {  	s24 =	sadd.s32 $0x2000, s24;
	v16 =	vand.u32 $0x7E, v16;
	v15 =	vand.u32 $0x79, v19;
	v12 =	vbroadcast v6, $0x0;
	v24 =	vld.idx.msk [tilespmem:v7+s12+$0x0], $0xffff  }
0xca: {  	v19 =	vand.u32 $0x7A, v20;
	v20 =	vbroadcast v10, $0x0;
	v25 =	vbroadcast v11, $0x0;
	[tilespmem:s24+$0xFFFFF400] =	vst v17;
	v6 =	vld.idx.msk [tilespmem:v8+s12+$0x0], $0xffff  }
.Ltmp3:
0xcb: {  	v10 =	vand.u32 $0x7B, v22;
	v11 =	vbroadcast v15, $0x0;
	v8 =	vbroadcast v16, $0x0;
	v7 =	vld.idx.msk [tilespmem:v9+s12+$0x0], $0xffff;
	[tilespmem:s24+$0x400] =	vst v13;
	(pc) =	sbr.rel @p0 .LBB2_10-.Ltmp3, $4  }
0xcc: {  	v15 =	vbroadcast v19, $0x0;
	v9 =	vbroadcast v10, $0x0;
	v10 =	vand.u32 $0x7F, v18;
	[tilespmem:s24+$0x800] =	vst v14  }
0xcd: {  	v16 =	vor.u32 v1, v12;
	v12 =	vmul.f32 v13, v13;
	v18 =	vmul.f32 v17, v17;
	[tilespmem:s24+$0xFFFFF800] =	vst v21  }
0xce: {  	v13 =	vor.u32 v1, v20;
	v17 =	vmul.f32 v14, v14;
	v19 =	vmul.f32 v21, v21;
	[tilespmem:s24+$0xFFFFFC00] =	vst v23  }
0xcf: {  	s25 =	sadd.s32 $0x8, s25;
	v14 =	vor.u32 v1, v25;
	v21 =	vmul.f32 v23, v23;
	v20 =	vmul.f32 v24, v24;
	[tilespmem:s24+$0x0] =	vst v24  }
0xd0: {  	_ =	sdelay $0x1  }
0xd1: {  	v11 =	vor.u32 v1, v11  }
0xd2: {  	v15 =	vor.u32 v1, v15  }
0xd3: {  	v16 =	vld.idx.msk [tilespmem:v16+s12+$0x0], $0xffff;
	v9 =	vor.u32 v1, v9;
	v10 =	vbroadcast v10, $0x0  }
0xd4: {  	v13 =	vld.idx.msk [tilespmem:v13+s12+$0x0], $0xffff;
	v8 =	vor.u32 v1, v8  }
0xd5: {  	v14 =	vld.idx.msk [tilespmem:v14+s12+$0x0], $0xffff;
	v1 =	vor.u32 v1, v10  }
0xd6: {  	v52 =	vld.idx.msk [tilespmem:v11+s12+$0x0], $0xffff  }
0xd7: {  	v53 =	vld.idx.msk [tilespmem:v15+s12+$0x0], $0xffff  }
0xd8: {  	v2 =	vadd.f32 v18, v2;
	v9 =	vld.idx.msk [tilespmem:v9+s12+$0x0], $0xffff  }
0xd9: {  	v5 =	vadd.f32 v19, v5;
	v54 =	vmul.f32 v6, v6;
	v4 =	vadd.f32 v21, v4;
	v8 =	vld.idx.msk [tilespmem:v8+s12+$0x0], $0xffff  }
0xda: {  	v55 =	vmul.f32 v7, v7;
	v3 =	vadd.f32 v20, v3;
	v2 =	vadd.f32 v12, v2;
	v1 =	vld.idx.msk [tilespmem:v1+s12+$0x0], $0xffff  }
0xdb: {  	v5 =	vadd.f32 v17, v5;
	v56 =	vmul.f32 v16, v16;
	v57 =	vmul.f32 v13, v13  }
0xdc: {  	v4 =	vadd.f32 v54, v4;
	v59 =	vmul.f32 v14, v14;
	v58 =	vmul.f32 v52, v52  }
0xdd: {  	[tilespmem:s24+$0xC00] =	vst v6;
	v3 =	vadd.f32 v55, v3;
	v60 =	vmul.f32 v53, v53;
	v61 =	vmul.f32 v9, v9  }
0xde: {  	[tilespmem:s24+$0x1000] =	vst v7;
	s31 =	sadd.s32 $0x2000, s24;
	v2 =	vadd.f32 v56, v2;
	v62 =	vmul.f32 v8, v8;
	v5 =	vadd.f32 v58, v5  }
0xdf: {  	[tilespmem:s31+$0xFFFFF400] =	vst v16;
	v4 =	vadd.f32 v60, v4;
	v3 =	vadd.f32 v61, v3;
	v63 =	vmul.f32 v1, v1  }
0xe0: {  	[tilespmem:s31+$0x400] =	vst v13;
	v2 =	vadd.f32 v57, v2;
	v5 =	vadd.f32 v59, v5  }
0xe1: {  	s22 =	sadd.s32 $0x1, s22;
	[tilespmem:s31+$0x800] =	vst v14;
	v4 =	vadd.f32 v62, v4;
	v3 =	vadd.f32 v63, v3  }
0xe2: {  	p0 =	sne.s32 s22, $0x8;
	[tilespmem:s31+$0xFFFFF800] =	vst v52  }
.Ltmp4:
0xe3: {  	[tilespmem:s31+$0xFFFFFC00] =	vst v53;
	v2 =	vadd.f32 v5, v2;
	v3 =	vadd.f32 v3, v4;
	(pc) =	sbr.rel @p0 .LBB2_9-.Ltmp4, $4  }
0xe4: {  	[tilespmem:s31+$0x0] =	vst v9  }
0xe5: {  	[tilespmem:s31+$0xC00] =	vst v8;
	v2 =	vadd.f32 v3, v2  }
0xe6: {  	[tilespmem:s31+$0x1000] =	vst v1  }
0xe7: {  	s21 =	sadd.s32 $0x10, s21;
	[tilespmem:s23+$0x1C400] =	vst v2  }
0xe8: {  	s20 =	simm.s32 $0x1C410  }
0xe9: {  	v1 =	vld [tilespmem:s20+$0x0]  }
0xea: {  	v3 =	vld [tilespmem:s20+$0xFFFFFFF0];
	_ =	sdelay $0x3  }
0xeb: {  	v2 =	vadd.f32 $1.000000000e+00, v1  }
0xec: {  	s30 =	simm.s32 $0x1C430;
	v1 =	vadd.f32 $1.000000000e+00, v3  }
0xed: {  	v4 =	vld [tilespmem:s30+$0x0];
	v3 =	vshra.s32 v2, $0x1;
	v10 =	vmul.f32 $5.000000000e-01, v2  }
0xee: {  	v5 =	vsub.s32 $0x5F3759DF, v3;
	v3 =	vshra.s32 v1, $0x1  }
0xef: {  	v7 =	vld [tilespmem:s30+$0xFFFFFFF0];
	v12 =	vmul.f32 $5.000000000e-01, v1;
	v6 =	vsub.s32 $0x5F3759DF, v3;
	v3 =	vmul.f32 v5, v10;
	_ =	sdelay $0x1  }
0xf0: {  	v8 =	vmul.f32 v6, v12;
	v3 =	vmul.f32 v5, v3  }
0xf1: {  	v4 =	vadd.f32 $1.000000000e+00, v4  }
0xf2: {  	v8 =	vmul.f32 v6, v8;
	v9 =	vsub.f32 $1.500000000e+00, v3  }
0xf3: {  	v3 =	vadd.f32 $1.000000000e+00, v7;
	v7 =	vshra.s32 v4, $0x1  }
0xf4: {  	v11 =	vsub.f32 $1.500000000e+00, v8;
	v8 =	vmul.f32 $5.000000000e-01, v4;
	v5 =	vmul.f32 v5, v9  }
0xf5: {  	v9 =	vsub.s32 $0x5F3759DF, v7;
	v13 =	vshra.s32 v3, $0x1;
	v7 =	vmul.f32 $5.000000000e-01, v3  }
0xf6: {  	v11 =	vmul.f32 v6, v11;
	v14 =	vsub.s32 $0x5F3759DF, v13;
	v6 =	vmul.f32 v9, v8  }
0xf7: {  	s31 =	simm.s32 $0x1C450;
	v13 =	vmul.f32 v5, v10;
	v15 =	vmul.f32 v14, v7  }
0xf8: {  	v17 =	vld [tilespmem:s31+$0x0];
	v16 =	vmul.f32 v11, v12;
	v6 =	vmul.f32 v9, v6  }
0xf9: {  	v18 =	vld [tilespmem:s31+$0xFFFFFFF0];
	v13 =	vmul.f32 v13, v5;
	v15 =	vmul.f32 v14, v15  }
0xfa: {  	v16 =	vmul.f32 v16, v11;
	v6 =	vsub.f32 $1.500000000e+00, v6  }
0xfb: {  	v19 =	vsub.f32 $1.500000000e+00, v13;
	v15 =	vsub.f32 $1.500000000e+00, v15  }
0xfc: {  	v16 =	vsub.f32 $1.500000000e+00, v16;
	v13 =	vmul.f32 v9, v6  }
0xfd: {  	v6 =	vadd.f32 $1.000000000e+00, v17;
	v9 =	vmul.f32 v19, v5;
	v14 =	vmul.f32 v14, v15  }
0xfe: {  	v5 =	vadd.f32 $1.000000000e+00, v18;
	v17 =	vmul.f32 v13, v8;
	v11 =	vmul.f32 v16, v11  }
0xff: {  	v15 =	vshra.s32 v6, $0x1;
	v16 =	vmul.f32 v14, v7;
	v18 =	vmul.f32 v9, v10  }
0x100: {  	v15 =	vsub.s32 $0x5F3759DF, v15;
	v10 =	vmul.f32 $5.000000000e-01, v6;
	v19 =	vmul.f32 v11, v12  }
0x101: {  	v20 =	vshra.s32 v5, $0x1;
	v12 =	vmul.f32 $5.000000000e-01, v5;
	v23 =	vmul.f32 v17, v13  }
0x102: {  	s22 =	simm.s32 $0x4;
	v17 =	vsub.s32 $0x5F3759DF, v20;
	v22 =	vmul.f32 v15, v10;
	v18 =	vmul.f32 v18, v9  }
0x103: {  	s23 =	simm.s32 $0x1C470;
	s21 =	simm.s32 $0xC090;
	s20 =	simm.s32 $0xC090;
	v21 =	vmul.f32 v17, v12;
	v20 =	vsub.f32 $1.500000000e+00, v23;
	v19 =	vmul.f32 v19, v11  }
.LBB2_13:
0x104: {  	v23 =	vld [tilespmem:s23+$0x0];
	s22 =	sadd.s32 $0x2, s22;
	v22 =	vmul.f32 v15, v22;
	v16 =	vmul.f32 v16, v14;
	v18 =	vsub.f32 $1.500000000e+00, v18;
	s20 =	sadd.s32 $0x20, s20  }
0x105: {  	v24 =	vld [tilespmem:s23+$0xFFFFFFF0];
	p0 =	slt.u32 s22, $0x6;
	v21 =	vmul.f32 v17, v21;
	v19 =	vsub.f32 $1.500000000e+00, v19  }
0x106: {  	v22 =	vsub.f32 $1.500000000e+00, v22;
	v18 =	vmul.f32 v18, v9;
	v9 =	vmul.f32 v20, v13  }
0x107: {  	v16 =	vsub.f32 $1.500000000e+00, v16;
	v20 =	vsub.f32 $1.500000000e+00, v21;
	v11 =	vmul.f32 v19, v11  }
0x108: {  	v13 =	vmul.f32 v15, v22;
	v15 =	vmul.f32 v18, v2;
	v2 =	vmovc v4;
	v4 =	vmov v6  }
0x109: {  	v6 =	vadd.f32 $1.000000000e+00, v23;
	v17 =	vmul.f32 v17, v20;
	v18 =	vmul.f32 v11, v1;
	v1 =	vmovc v3;
	v3 =	vmovc v5  }
0x10a: {  	v11 =	vmul.f32 v16, v14;
	v5 =	vadd.f32 $1.000000000e+00, v24;
	v19 =	vmul.f32 v13, v10;
	[tilespmem:s21+$0x0] =	vst v15  }
.Ltmp5:
0x10b: {  	v20 =	vmul.f32 v9, v8;
	v15 =	vshra.s32 v6, $0x1;
	v16 =	vmul.f32 v17, v12;
	[tilespmem:s21+$0xFFFFFFF0] =	vst v18;
	v14 =	vmovc v17;
	s21 =	smov.u32 s20;
	(pc) =	sbr.rel @p0 .LBB2_13-.Ltmp5, $4  }
0x10c: {  	v8 =	vmovc v10;
	v23 =	vmul.f32 v11, v7;
	v10 =	vmul.f32 $5.000000000e-01, v6;
	v7 =	vmovc v12;
	v15 =	vsub.s32 $0x5F3759DF, v15  }
0x10d: {  	v17 =	vshra.s32 v5, $0x1;
	v12 =	vmul.f32 $5.000000000e-01, v5;
	v19 =	vmul.f32 v19, v13  }
0x10e: {  	v18 =	vmul.f32 v20, v9;
	v17 =	vsub.s32 $0x5F3759DF, v17;
	v22 =	vmul.f32 v15, v10  }
0x10f: {  	s23 =	sadd.s32 $0x20, s23;
	v21 =	vmul.f32 v17, v12;
	v20 =	vsub.f32 $1.500000000e+00, v19;
	v19 =	vmul.f32 v23, v11  }
0x110: {  	v22 =	vmul.f32 v15, v22  }
0x111: {  	v21 =	vmul.f32 v17, v21  }
0x112: {  	v22 =	vsub.f32 $1.500000000e+00, v22  }
0x113: {  	v21 =	vsub.f32 $1.500000000e+00, v21  }
0x114: {  	v50 =	vmul.f32 v15, v22  }
0x115: {  	v51 =	vmul.f32 v17, v21  }
0x116: {  	v52 =	vmul.f32 v50, v10  }
0x117: {  	v16 =	vmul.f32 v16, v14;
	v53 =	vmul.f32 v51, v12  }
0x118: {  	v21 =	vmul.f32 v52, v50  }
0x119: {  	v16 =	vsub.f32 $1.500000000e+00, v16;
	v22 =	vmul.f32 v53, v51  }
0x11a: {  	v13 =	vmul.f32 v20, v13;
	v54 =	vsub.f32 $1.500000000e+00, v21  }
0x11b: {  	v55 =	vmul.f32 v16, v14;
	v56 =	vsub.f32 $1.500000000e+00, v22  }
0x11c: {  	v8 =	vmul.f32 v13, v8;
	v15 =	vmul.f32 v54, v50  }
0x11d: {  	v7 =	vmul.f32 v55, v7;
	v16 =	vmul.f32 v56, v51  }
0x11e: {  	v57 =	vsub.f32 $1.500000000e+00, v18;
	v8 =	vmul.f32 v8, v13;
	v58 =	vmul.f32 v15, v10  }
0x11f: {  	v59 =	vsub.f32 $1.500000000e+00, v19;
	v7 =	vmul.f32 v7, v55;
	v60 =	vmul.f32 v16, v12  }
0x120: {  	v9 =	vmul.f32 v57, v9;
	v8 =	vsub.f32 $1.500000000e+00, v8;
	v10 =	vmul.f32 v58, v15  }
0x121: {  	v11 =	vmul.f32 v59, v11;
	v7 =	vsub.f32 $1.500000000e+00, v7;
	v12 =	vmul.f32 v60, v16  }
0x122: {  	v2 =	vmul.f32 v9, v2;
	v8 =	vmul.f32 v8, v13;
	v61 =	vsub.f32 $1.500000000e+00, v10  }
0x123: {  	v1 =	vmul.f32 v11, v1;
	v7 =	vmul.f32 v7, v55;
	v62 =	vsub.f32 $1.500000000e+00, v12  }
0x124: {  	[tilespmem:s21+$0x0] =	vst v2;
	v2 =	vmul.f32 v8, v4;
	v63 =	vmul.f32 v61, v15  }
0x125: {  	s20 =	sadd.s32 $0x20, s20;
	[tilespmem:s21+$0xFFFFFFF0] =	vst v1;
	v1 =	vmul.f32 v7, v3;
	v3 =	vmul.f32 v62, v16  }
0x126: {  	[tilespmem:s20+$0x0] =	vst v2;
	v2 =	vmul.f32 v63, v6  }
0x127: {  	s30 =	sadd.s32 $0x20, s20;
	[tilespmem:s20+$0xFFFFFFF0] =	vst v1;
	v1 =	vmul.f32 v3, v5  }
0x128: {  	[tilespmem:s30+$0x0] =	vst v2  }
0x129: {  	[tilespmem:s30+$0xFFFFFFF0] =	vst v1  }
0x12a: {  	_ =	swait.ge [sflag:s11], $0x4000  }
0x12b: {  	s31 =	sadd.s32 $0xC00, s19;
	s22 =	simm.s32 $0x0;
	[sflag:s11] =	ssyncset.done $0x0  }
0x12c: {  	s21 =	simm.s32 $0xD100;
	s20 =	simm.s32 $0x0;
	[sflag:s11] =	ssyncadd.s32 $0xFFFFC000  }
0x12d: {  	[tilespmem:s12], [sflag:$0x1] =	stream.indirect.gather [hbm4b:s3+s9], $0x80, s31, s9, $0xb8;
	[tilespmem:$0x1C480] =	vst v63  }
.LBB2_15:
0x12e: {  	s23 =	sshll.u32 s22, $0x4;
	v2 =	vimm.f32 $0.0e+00;
	v3 =	vmov s20;
	s24 =	simm.s32 $0x4;
	s25 =	simm.s32 $0x5  }
0x12f: {  	s26 =	simm.s32 $0x6;
	s29 =	simm.s32 $0x7;
	v1 =	vmov s23;
	v4 =	vmov s24;
	v5 =	vmov s25  }
0x130: {  	s30 =	simm.s32 $0x1;
	s31 =	simm.s32 $0x2;
	s28 =	simm.s32 $0x3;
	v6 =	vmov s26;
	v7 =	vmov s29;
	v3 =	vand.u32 $0x78, v3  }
0x131: {  	v8 =	vmov s30;
	v9 =	vmov s31;
	v10 =	vmov s28  }
0x132: {  	v1 =	vshll.u32 v1, $0x7;
	v4 =	vand.u32 $0x7C, v4;
	v3 =	vbroadcast v3, $0x0  }
0x133: {  	v5 =	vand.u32 $0x7D, v5;
	v8 =	vand.u32 $0x79, v8;
	v9 =	vand.u32 $0x7A, v9  }
0x134: {  	v10 =	vand.u32 $0x7B, v10;
	v1 =	vor.u32 v0, v1;
	v4 =	vbroadcast v4, $0x0  }
0x135: {  	v6 =	vand.u32 $0x7E, v6;
	v5 =	vbroadcast v5, $0x0;
	v3 =	vor.u32 v1, v3  }
0x136: {  	s29 =	simm.s32 $0x8;
	v7 =	vand.u32 $0x7F, v7;
	v8 =	vbroadcast v8, $0x0;
	v4 =	vor.u32 v1, v4  }
0x137: {  	s30 =	simm.s32 $0xC;
	v11 =	vmov s29;
	v9 =	vbroadcast v9, $0x0;
	v5 =	vor.u32 v1, v5  }
0x138: {  	s31 =	simm.s32 $0xD;
	v12 =	vmov s30;
	v10 =	vbroadcast v10, $0x0;
	v8 =	vor.u32 v1, v8  }
0x139: {  	s26 =	simm.s32 $0xE;
	v13 =	vmov s31;
	v6 =	vbroadcast v6, $0x0;
	v9 =	vor.u32 v1, v9  }
0x13a: {  	s28 =	simm.s32 $0xA;
	s29 =	simm.s32 $0xF;
	v14 =	vmov s26;
	v7 =	vbroadcast v7, $0x0;
	v10 =	vor.u32 v1, v10;
	v3 =	vld.idx.msk [tilespmem:v3+s10+$0x0], $0xffff  }
0x13b: {  	s30 =	simm.s32 $0x9;
	v17 =	vmov s28;
	v16 =	vmov s29;
	v6 =	vor.u32 v1, v6;
	v4 =	vld.idx.msk [tilespmem:v4+s10+$0x0], $0xffff  }
0x13c: {  	v11 =	vand.u32 $0x78, v11;
	v15 =	vmov s30;
	v7 =	vor.u32 v1, v7;
	v5 =	vld.idx.msk [tilespmem:v5+s10+$0x0], $0xffff  }
0x13d: {  	s31 =	simm.s32 $0xB;
	v12 =	vand.u32 $0x7C, v12;
	v13 =	vand.u32 $0x7D, v13;
	v14 =	vand.u32 $0x7E, v14;
	v19 =	vld.idx.msk [tilespmem:v8+s10+$0x0], $0xffff  }
0x13e: {  	v18 =	vbroadcast v11, $0x0;
	v21 =	vbroadcast v13, $0x0;
	v8 =	vmov s31;
	v20 =	vld.idx.msk [tilespmem:v9+s10+$0x0], $0xffff  }
0x13f: {  	v9 =	vand.u32 $0x79, v15;
	v22 =	vld.idx.msk [tilespmem:v10+s10+$0x0], $0xffff;
	v10 =	vand.u32 $0x7A, v17;
	v17 =	vbroadcast v12, $0x0  }
0x140: {  	v6 =	vld.idx.msk [tilespmem:v6+s10+$0x0], $0xffff;
	v11 =	vbroadcast v9, $0x0;
	v9 =	vand.u32 $0x7B, v8;
	v8 =	vbroadcast v14, $0x0;
	[tilespmem:s21+$0xFFFFF400] =	vst v3  }
0x141: {  	v7 =	vld.idx.msk [tilespmem:v7+s10+$0x0], $0xffff;
	v15 =	vbroadcast v10, $0x0;
	v10 =	vand.u32 $0x7F, v16;
	v16 =	vor.u32 v1, v18;
	[tilespmem:s21+$0x400] =	vst v4  }
0x142: {  	v14 =	vor.u32 v1, v21;
	v9 =	vbroadcast v9, $0x0;
	v18 =	vmul.f32 v3, v3;
	[tilespmem:s21+$0x800] =	vst v5  }
0x143: {  	v13 =	vor.u32 v1, v17;
	v12 =	vmul.f32 v4, v4;
	[tilespmem:s21+$0xFFFFF800] =	vst v19;
	v19 =	vmul.f32 v19, v19  }
0x144: {  	v3 =	vimm.f32 $0.0e+00;
	v17 =	vmul.f32 v5, v5;
	[tilespmem:s21+$0xFFFFFC00] =	vst v20;
	v21 =	vmul.f32 v20, v20  }
0x145: {  	s25 =	simm.s32 $0x10;
	s24 =	smov.u32 s21;
	v20 =	vmul.f32 v22, v22;
	[tilespmem:s21+$0x0] =	vst v22;
	v5 =	vimm.f32 $0.0e+00;
	v4 =	vimm.f32 $0.0e+00  }
.LBB2_16:
0x146: {  	p0 =	slt.u32 s25, $0x38;
	v2 =	vadd.f32 v18, v2;
	v5 =	vadd.f32 v19, v5;
	[tilespmem:s24+$0xC00] =	vst v6;
	v6 =	vmul.f32 v6, v6  }
0x147: {  	v4 =	vadd.f32 v21, v4;
	v3 =	vadd.f32 v20, v3;
	[tilespmem:s24+$0x1000] =	vst v7;
	v7 =	vmul.f32 v7, v7  }
0x148: {  	v11 =	vor.u32 v1, v11;
	v2 =	vadd.f32 v12, v2;
	v5 =	vadd.f32 v17, v5  }
0x149: {  	v12 =	vor.u32 v1, v15;
	v4 =	vadd.f32 v6, v4;
	v3 =	vadd.f32 v7, v3  }
0x14a: {  	s26 =	sadd.s32 $0x4, s25;
	s28 =	sadd.s32 $0x5, s25;
	v6 =	vmov s25;
	v7 =	vor.u32 v1, v9;
	v9 =	vbroadcast v10, $0x0;
	v17 =	vld.idx.msk [tilespmem:v16+s10+$0x0], $0xffff  }
0x14b: {  	v8 =	vor.u32 v1, v8;
	v15 =	vmov s28;
	s28 =	sadd.s32 $0x7, s25;
	v10 =	vmov s26;
	s26 =	sadd.s32 $0x6, s25;
	v13 =	vld.idx.msk [tilespmem:v13+s10+$0x0], $0xffff  }
0x14c: {  	s29 =	sadd.s32 $0x1, s25;
	s30 =	sadd.s32 $0x2, s25;
	v18 =	vmov s28;
	v16 =	vmov s26;
	v9 =	vor.u32 v1, v9;
	v14 =	vld.idx.msk [tilespmem:v14+s10+$0x0], $0xffff  }
0x14d: {  	v19 =	vmov s29;
	v20 =	vmov s30;
	v6 =	vand.u32 $0x78, v6;
	s26 =	sadd.s32 $0x3, s25;
	v21 =	vld.idx.msk [tilespmem:v11+s10+$0x0], $0xffff  }
0x14e: {  	v10 =	vand.u32 $0x7C, v10;
	v22 =	vmov s26;
	v11 =	vand.u32 $0x7D, v15;
	v23 =	vld.idx.msk [tilespmem:v12+s10+$0x0], $0xffff  }
0x14f: {  	s24 =	sadd.s32 $0x2000, s24;
	v16 =	vand.u32 $0x7E, v16;
	v15 =	vand.u32 $0x79, v19;
	v12 =	vbroadcast v6, $0x0;
	v24 =	vld.idx.msk [tilespmem:v7+s10+$0x0], $0xffff  }
0x150: {  	v19 =	vand.u32 $0x7A, v20;
	v20 =	vbroadcast v10, $0x0;
	v25 =	vbroadcast v11, $0x0;
	[tilespmem:s24+$0xFFFFF400] =	vst v17;
	v6 =	vld.idx.msk [tilespmem:v8+s10+$0x0], $0xffff  }
.Ltmp6:
0x151: {  	v10 =	vand.u32 $0x7B, v22;
	v11 =	vbroadcast v15, $0x0;
	v8 =	vbroadcast v16, $0x0;
	v7 =	vld.idx.msk [tilespmem:v9+s10+$0x0], $0xffff;
	[tilespmem:s24+$0x400] =	vst v13;
	(pc) =	sbr.rel @p0 .LBB2_16-.Ltmp6, $4  }
0x152: {  	v15 =	vbroadcast v19, $0x0;
	v9 =	vbroadcast v10, $0x0;
	v10 =	vand.u32 $0x7F, v18;
	[tilespmem:s24+$0x800] =	vst v14  }
0x153: {  	v16 =	vor.u32 v1, v12;
	v12 =	vmul.f32 v13, v13;
	v18 =	vmul.f32 v17, v17;
	[tilespmem:s24+$0xFFFFF800] =	vst v21  }
0x154: {  	v13 =	vor.u32 v1, v20;
	v17 =	vmul.f32 v14, v14;
	v19 =	vmul.f32 v21, v21;
	[tilespmem:s24+$0xFFFFFC00] =	vst v23  }
0x155: {  	s25 =	sadd.s32 $0x8, s25;
	v14 =	vor.u32 v1, v25;
	v21 =	vmul.f32 v23, v23;
	v20 =	vmul.f32 v24, v24;
	[tilespmem:s24+$0x0] =	vst v24  }
0x156: {  	_ =	sdelay $0x1  }
0x157: {  	v11 =	vor.u32 v1, v11  }
0x158: {  	v15 =	vor.u32 v1, v15  }
0x159: {  	v16 =	vld.idx.msk [tilespmem:v16+s10+$0x0], $0xffff;
	v9 =	vor.u32 v1, v9;
	v10 =	vbroadcast v10, $0x0  }
0x15a: {  	v13 =	vld.idx.msk [tilespmem:v13+s10+$0x0], $0xffff;
	v8 =	vor.u32 v1, v8  }
0x15b: {  	v14 =	vld.idx.msk [tilespmem:v14+s10+$0x0], $0xffff;
	v1 =	vor.u32 v1, v10  }
0x15c: {  	v52 =	vld.idx.msk [tilespmem:v11+s10+$0x0], $0xffff  }
0x15d: {  	v53 =	vld.idx.msk [tilespmem:v15+s10+$0x0], $0xffff  }
0x15e: {  	v2 =	vadd.f32 v18, v2;
	v9 =	vld.idx.msk [tilespmem:v9+s10+$0x0], $0xffff  }
0x15f: {  	v5 =	vadd.f32 v19, v5;
	v54 =	vmul.f32 v6, v6;
	v4 =	vadd.f32 v21, v4;
	v8 =	vld.idx.msk [tilespmem:v8+s10+$0x0], $0xffff  }
0x160: {  	v55 =	vmul.f32 v7, v7;
	v3 =	vadd.f32 v20, v3;
	v2 =	vadd.f32 v12, v2;
	v1 =	vld.idx.msk [tilespmem:v1+s10+$0x0], $0xffff  }
0x161: {  	v5 =	vadd.f32 v17, v5;
	v56 =	vmul.f32 v16, v16;
	v57 =	vmul.f32 v13, v13  }
0x162: {  	v4 =	vadd.f32 v54, v4;
	v59 =	vmul.f32 v14, v14;
	v58 =	vmul.f32 v52, v52  }
0x163: {  	[tilespmem:s24+$0xC00] =	vst v6;
	v3 =	vadd.f32 v55, v3;
	v60 =	vmul.f32 v53, v53;
	v61 =	vmul.f32 v9, v9  }
0x164: {  	[tilespmem:s24+$0x1000] =	vst v7;
	s31 =	sadd.s32 $0x2000, s24;
	v2 =	vadd.f32 v56, v2;
	v62 =	vmul.f32 v8, v8;
	v5 =	vadd.f32 v58, v5  }
0x165: {  	[tilespmem:s31+$0xFFFFF400] =	vst v16;
	v4 =	vadd.f32 v60, v4;
	v3 =	vadd.f32 v61, v3;
	v63 =	vmul.f32 v1, v1  }
0x166: {  	[tilespmem:s31+$0x400] =	vst v13;
	v2 =	vadd.f32 v57, v2;
	v5 =	vadd.f32 v59, v5  }
0x167: {  	s22 =	sadd.s32 $0x1, s22;
	[tilespmem:s31+$0x800] =	vst v14;
	v4 =	vadd.f32 v62, v4;
	v3 =	vadd.f32 v63, v3  }
0x168: {  	p0 =	sne.s32 s22, $0x8;
	[tilespmem:s31+$0xFFFFF800] =	vst v52  }
.Ltmp7:
0x169: {  	[tilespmem:s31+$0xFFFFFC00] =	vst v53;
	v2 =	vadd.f32 v5, v2;
	v3 =	vadd.f32 v3, v4;
	(pc) =	sbr.rel @p0 .LBB2_15-.Ltmp7, $4  }
0x16a: {  	[tilespmem:s31+$0x0] =	vst v9  }
0x16b: {  	[tilespmem:s31+$0xC00] =	vst v8;
	v2 =	vadd.f32 v3, v2  }
0x16c: {  	[tilespmem:s31+$0x1000] =	vst v1  }
0x16d: {  	s21 =	sadd.s32 $0x10, s21;
	[tilespmem:s23+$0x1C400] =	vst v2  }
0x16e: {  	s20 =	simm.s32 $0x1C410  }
0x16f: {  	v1 =	vld [tilespmem:s20+$0x0]  }
0x170: {  	v3 =	vld [tilespmem:s20+$0xFFFFFFF0];
	_ =	sdelay $0x3  }
0x171: {  	v2 =	vadd.f32 $1.000000000e+00, v1  }
0x172: {  	s30 =	simm.s32 $0x1C430;
	v1 =	vadd.f32 $1.000000000e+00, v3  }
0x173: {  	v4 =	vld [tilespmem:s30+$0x0];
	v3 =	vshra.s32 v2, $0x1;
	v10 =	vmul.f32 $5.000000000e-01, v2  }
0x174: {  	v5 =	vsub.s32 $0x5F3759DF, v3;
	v3 =	vshra.s32 v1, $0x1  }
0x175: {  	v7 =	vld [tilespmem:s30+$0xFFFFFFF0];
	v12 =	vmul.f32 $5.000000000e-01, v1;
	v6 =	vsub.s32 $0x5F3759DF, v3;
	v3 =	vmul.f32 v5, v10;
	_ =	sdelay $0x1  }
0x176: {  	v8 =	vmul.f32 v6, v12;
	v3 =	vmul.f32 v5, v3  }
0x177: {  	v4 =	vadd.f32 $1.000000000e+00, v4  }
0x178: {  	v8 =	vmul.f32 v6, v8;
	v9 =	vsub.f32 $1.500000000e+00, v3  }
0x179: {  	v3 =	vadd.f32 $1.000000000e+00, v7;
	v7 =	vshra.s32 v4, $0x1  }
0x17a: {  	v11 =	vsub.f32 $1.500000000e+00, v8;
	v8 =	vmul.f32 $5.000000000e-01, v4;
	v5 =	vmul.f32 v5, v9  }
0x17b: {  	v9 =	vsub.s32 $0x5F3759DF, v7;
	v13 =	vshra.s32 v3, $0x1;
	v7 =	vmul.f32 $5.000000000e-01, v3  }
0x17c: {  	v11 =	vmul.f32 v6, v11;
	v14 =	vsub.s32 $0x5F3759DF, v13;
	v6 =	vmul.f32 v9, v8  }
0x17d: {  	s31 =	simm.s32 $0x1C450;
	v13 =	vmul.f32 v5, v10;
	v15 =	vmul.f32 v14, v7  }
0x17e: {  	v17 =	vld [tilespmem:s31+$0x0];
	v16 =	vmul.f32 v11, v12;
	v6 =	vmul.f32 v9, v6  }
0x17f: {  	v18 =	vld [tilespmem:s31+$0xFFFFFFF0];
	v13 =	vmul.f32 v13, v5;
	v15 =	vmul.f32 v14, v15  }
0x180: {  	v16 =	vmul.f32 v16, v11;
	v6 =	vsub.f32 $1.500000000e+00, v6  }
0x181: {  	v19 =	vsub.f32 $1.500000000e+00, v13;
	v15 =	vsub.f32 $1.500000000e+00, v15  }
0x182: {  	v16 =	vsub.f32 $1.500000000e+00, v16;
	v13 =	vmul.f32 v9, v6  }
0x183: {  	v6 =	vadd.f32 $1.000000000e+00, v17;
	v9 =	vmul.f32 v19, v5;
	v14 =	vmul.f32 v14, v15  }
0x184: {  	v5 =	vadd.f32 $1.000000000e+00, v18;
	v17 =	vmul.f32 v13, v8;
	v11 =	vmul.f32 v16, v11  }
0x185: {  	v15 =	vshra.s32 v6, $0x1;
	v16 =	vmul.f32 v14, v7;
	v18 =	vmul.f32 v9, v10  }
0x186: {  	v15 =	vsub.s32 $0x5F3759DF, v15;
	v10 =	vmul.f32 $5.000000000e-01, v6;
	v19 =	vmul.f32 v11, v12  }
0x187: {  	v20 =	vshra.s32 v5, $0x1;
	v12 =	vmul.f32 $5.000000000e-01, v5;
	v23 =	vmul.f32 v17, v13  }
0x188: {  	s22 =	simm.s32 $0x4;
	v17 =	vsub.s32 $0x5F3759DF, v20;
	v22 =	vmul.f32 v15, v10;
	v18 =	vmul.f32 v18, v9  }
0x189: {  	s23 =	simm.s32 $0x1C470;
	s21 =	simm.s32 $0xC110;
	s20 =	simm.s32 $0xC110;
	v21 =	vmul.f32 v17, v12;
	v20 =	vsub.f32 $1.500000000e+00, v23;
	v19 =	vmul.f32 v19, v11  }
.LBB2_19:
0x18a: {  	v23 =	vld [tilespmem:s23+$0x0];
	s22 =	sadd.s32 $0x2, s22;
	v22 =	vmul.f32 v15, v22;
	v16 =	vmul.f32 v16, v14;
	v18 =	vsub.f32 $1.500000000e+00, v18;
	s20 =	sadd.s32 $0x20, s20  }
0x18b: {  	v24 =	vld [tilespmem:s23+$0xFFFFFFF0];
	p0 =	slt.u32 s22, $0x6;
	v21 =	vmul.f32 v17, v21;
	v19 =	vsub.f32 $1.500000000e+00, v19  }
0x18c: {  	v22 =	vsub.f32 $1.500000000e+00, v22;
	v18 =	vmul.f32 v18, v9;
	v9 =	vmul.f32 v20, v13  }
0x18d: {  	v16 =	vsub.f32 $1.500000000e+00, v16;
	v20 =	vsub.f32 $1.500000000e+00, v21;
	v11 =	vmul.f32 v19, v11  }
0x18e: {  	v13 =	vmul.f32 v15, v22;
	v15 =	vmul.f32 v18, v2;
	v2 =	vmovc v4;
	v4 =	vmov v6  }
0x18f: {  	v6 =	vadd.f32 $1.000000000e+00, v23;
	v17 =	vmul.f32 v17, v20;
	v18 =	vmul.f32 v11, v1;
	v1 =	vmovc v3;
	v3 =	vmovc v5  }
0x190: {  	v11 =	vmul.f32 v16, v14;
	v5 =	vadd.f32 $1.000000000e+00, v24;
	v19 =	vmul.f32 v13, v10;
	[tilespmem:s21+$0x0] =	vst v15  }
.Ltmp8:
0x191: {  	v20 =	vmul.f32 v9, v8;
	v15 =	vshra.s32 v6, $0x1;
	v16 =	vmul.f32 v17, v12;
	[tilespmem:s21+$0xFFFFFFF0] =	vst v18;
	v14 =	vmovc v17;
	s21 =	smov.u32 s20;
	(pc) =	sbr.rel @p0 .LBB2_19-.Ltmp8, $4  }
0x192: {  	v8 =	vmovc v10;
	v23 =	vmul.f32 v11, v7;
	v10 =	vmul.f32 $5.000000000e-01, v6;
	v7 =	vmovc v12;
	v15 =	vsub.s32 $0x5F3759DF, v15  }
0x193: {  	v17 =	vshra.s32 v5, $0x1;
	v12 =	vmul.f32 $5.000000000e-01, v5;
	v19 =	vmul.f32 v19, v13  }
0x194: {  	v18 =	vmul.f32 v20, v9;
	v17 =	vsub.s32 $0x5F3759DF, v17;
	v22 =	vmul.f32 v15, v10  }
0x195: {  	s23 =	sadd.s32 $0x20, s23;
	v21 =	vmul.f32 v17, v12;
	v20 =	vsub.f32 $1.500000000e+00, v19;
	v19 =	vmul.f32 v23, v11  }
0x196: {  	v22 =	vmul.f32 v15, v22  }
0x197: {  	v21 =	vmul.f32 v17, v21  }
0x198: {  	v22 =	vsub.f32 $1.500000000e+00, v22  }
0x199: {  	v21 =	vsub.f32 $1.500000000e+00, v21  }
0x19a: {  	v50 =	vmul.f32 v15, v22  }
0x19b: {  	v51 =	vmul.f32 v17, v21  }
0x19c: {  	v52 =	vmul.f32 v50, v10  }
0x19d: {  	v16 =	vmul.f32 v16, v14;
	v53 =	vmul.f32 v51, v12  }
0x19e: {  	v21 =	vmul.f32 v52, v50  }
0x19f: {  	v16 =	vsub.f32 $1.500000000e+00, v16;
	v22 =	vmul.f32 v53, v51  }
0x1a0: {  	v13 =	vmul.f32 v20, v13;
	v54 =	vsub.f32 $1.500000000e+00, v21  }
0x1a1: {  	v55 =	vmul.f32 v16, v14;
	v56 =	vsub.f32 $1.500000000e+00, v22  }
0x1a2: {  	v8 =	vmul.f32 v13, v8;
	v15 =	vmul.f32 v54, v50  }
0x1a3: {  	v7 =	vmul.f32 v55, v7;
	v16 =	vmul.f32 v56, v51  }
0x1a4: {  	v57 =	vsub.f32 $1.500000000e+00, v18;
	v8 =	vmul.f32 v8, v13;
	v58 =	vmul.f32 v15, v10  }
0x1a5: {  	v59 =	vsub.f32 $1.500000000e+00, v19;
	v7 =	vmul.f32 v7, v55;
	v60 =	vmul.f32 v16, v12  }
0x1a6: {  	v9 =	vmul.f32 v57, v9;
	v8 =	vsub.f32 $1.500000000e+00, v8;
	v10 =	vmul.f32 v58, v15  }
0x1a7: {  	v11 =	vmul.f32 v59, v11;
	v7 =	vsub.f32 $1.500000000e+00, v7;
	v12 =	vmul.f32 v60, v16  }
0x1a8: {  	v2 =	vmul.f32 v9, v2;
	v8 =	vmul.f32 v8, v13;
	v61 =	vsub.f32 $1.500000000e+00, v10  }
0x1a9: {  	v1 =	vmul.f32 v11, v1;
	v7 =	vmul.f32 v7, v55;
	v62 =	vsub.f32 $1.500000000e+00, v12  }
0x1aa: {  	[tilespmem:s21+$0x0] =	vst v2;
	v2 =	vmul.f32 v8, v4;
	v63 =	vmul.f32 v61, v15  }
0x1ab: {  	s20 =	sadd.s32 $0x20, s20;
	[tilespmem:s21+$0xFFFFFFF0] =	vst v1;
	v1 =	vmul.f32 v7, v3;
	v3 =	vmul.f32 v62, v16  }
0x1ac: {  	[tilespmem:s20+$0x0] =	vst v2;
	v2 =	vmul.f32 v63, v6  }
0x1ad: {  	s30 =	sadd.s32 $0x20, s20;
	[tilespmem:s20+$0xFFFFFFF0] =	vst v1;
	v1 =	vmul.f32 v3, v5  }
0x1ae: {  	[tilespmem:s30+$0x0] =	vst v2  }
0x1af: {  	[tilespmem:s30+$0xFFFFFFF0] =	vst v1  }
0x1b0: {  	_ =	swait.ge [sflag:s11], $0x4000  }
0x1b1: {  	s31 =	sadd.s32 $0x1000, s19;
	s22 =	simm.s32 $0x0;
	[sflag:s11] =	ssyncset.done $0x0  }
0x1b2: {  	s21 =	simm.s32 $0xD180;
	s20 =	simm.s32 $0x0;
	[sflag:s11] =	ssyncadd.s32 $0xFFFFC000  }
0x1b3: {  	[tilespmem:s10], [sflag:$0x1] =	stream.indirect.gather [hbm4b:s3+s9], $0x80, s31, s9, $0xb8;
	[tilespmem:$0x1C480] =	vst v63  }
.LBB2_21:
0x1b4: {  	s23 =	sshll.u32 s22, $0x4;
	v2 =	vimm.f32 $0.0e+00;
	v3 =	vmov s20;
	s24 =	simm.s32 $0x4;
	s25 =	simm.s32 $0x5  }
0x1b5: {  	s26 =	simm.s32 $0x6;
	s29 =	simm.s32 $0x7;
	v1 =	vmov s23;
	v4 =	vmov s24;
	v5 =	vmov s25  }
0x1b6: {  	s30 =	simm.s32 $0x1;
	s31 =	simm.s32 $0x2;
	s28 =	simm.s32 $0x3;
	v6 =	vmov s26;
	v7 =	vmov s29;
	v3 =	vand.u32 $0x78, v3  }
0x1b7: {  	v8 =	vmov s30;
	v9 =	vmov s31;
	v10 =	vmov s28  }
0x1b8: {  	v1 =	vshll.u32 v1, $0x7;
	v4 =	vand.u32 $0x7C, v4;
	v3 =	vbroadcast v3, $0x0  }
0x1b9: {  	v5 =	vand.u32 $0x7D, v5;
	v8 =	vand.u32 $0x79, v8;
	v9 =	vand.u32 $0x7A, v9  }
0x1ba: {  	v10 =	vand.u32 $0x7B, v10;
	v1 =	vor.u32 v0, v1;
	v4 =	vbroadcast v4, $0x0  }
0x1bb: {  	v6 =	vand.u32 $0x7E, v6;
	v5 =	vbroadcast v5, $0x0;
	v3 =	vor.u32 v1, v3  }
0x1bc: {  	s29 =	simm.s32 $0x8;
	v7 =	vand.u32 $0x7F, v7;
	v8 =	vbroadcast v8, $0x0;
	v4 =	vor.u32 v1, v4  }
0x1bd: {  	s30 =	simm.s32 $0xC;
	v11 =	vmov s29;
	v9 =	vbroadcast v9, $0x0;
	v5 =	vor.u32 v1, v5  }
0x1be: {  	s31 =	simm.s32 $0xD;
	v12 =	vmov s30;
	v10 =	vbroadcast v10, $0x0;
	v8 =	vor.u32 v1, v8  }
0x1bf: {  	s26 =	simm.s32 $0xE;
	v13 =	vmov s31;
	v6 =	vbroadcast v6, $0x0;
	v9 =	vor.u32 v1, v9  }
0x1c0: {  	s28 =	simm.s32 $0xA;
	s29 =	simm.s32 $0xF;
	v14 =	vmov s26;
	v7 =	vbroadcast v7, $0x0;
	v10 =	vor.u32 v1, v10;
	v3 =	vld.idx.msk [tilespmem:v3+s12+$0x0], $0xffff  }
0x1c1: {  	s30 =	simm.s32 $0x9;
	v17 =	vmov s28;
	v16 =	vmov s29;
	v6 =	vor.u32 v1, v6;
	v4 =	vld.idx.msk [tilespmem:v4+s12+$0x0], $0xffff  }
0x1c2: {  	v11 =	vand.u32 $0x78, v11;
	v15 =	vmov s30;
	v7 =	vor.u32 v1, v7;
	v5 =	vld.idx.msk [tilespmem:v5+s12+$0x0], $0xffff  }
0x1c3: {  	s31 =	simm.s32 $0xB;
	v12 =	vand.u32 $0x7C, v12;
	v13 =	vand.u32 $0x7D, v13;
	v14 =	vand.u32 $0x7E, v14;
	v19 =	vld.idx.msk [tilespmem:v8+s12+$0x0], $0xffff  }
0x1c4: {  	v18 =	vbroadcast v11, $0x0;
	v21 =	vbroadcast v13, $0x0;
	v8 =	vmov s31;
	v20 =	vld.idx.msk [tilespmem:v9+s12+$0x0], $0xffff  }
0x1c5: {  	v9 =	vand.u32 $0x79, v15;
	v22 =	vld.idx.msk [tilespmem:v10+s12+$0x0], $0xffff;
	v10 =	vand.u32 $0x7A, v17;
	v17 =	vbroadcast v12, $0x0  }
0x1c6: {  	v6 =	vld.idx.msk [tilespmem:v6+s12+$0x0], $0xffff;
	v11 =	vbroadcast v9, $0x0;
	v9 =	vand.u32 $0x7B, v8;
	v8 =	vbroadcast v14, $0x0;
	[tilespmem:s21+$0xFFFFF400] =	vst v3  }
0x1c7: {  	v7 =	vld.idx.msk [tilespmem:v7+s12+$0x0], $0xffff;
	v15 =	vbroadcast v10, $0x0;
	v10 =	vand.u32 $0x7F, v16;
	v16 =	vor.u32 v1, v18;
	[tilespmem:s21+$0x400] =	vst v4  }
0x1c8: {  	v14 =	vor.u32 v1, v21;
	v9 =	vbroadcast v9, $0x0;
	v18 =	vmul.f32 v3, v3;
	[tilespmem:s21+$0x800] =	vst v5  }
0x1c9: {  	v13 =	vor.u32 v1, v17;
	v12 =	vmul.f32 v4, v4;
	[tilespmem:s21+$0xFFFFF800] =	vst v19;
	v19 =	vmul.f32 v19, v19  }
0x1ca: {  	v3 =	vimm.f32 $0.0e+00;
	v17 =	vmul.f32 v5, v5;
	[tilespmem:s21+$0xFFFFFC00] =	vst v20;
	v21 =	vmul.f32 v20, v20  }
0x1cb: {  	s25 =	simm.s32 $0x10;
	s24 =	smov.u32 s21;
	v20 =	vmul.f32 v22, v22;
	[tilespmem:s21+$0x0] =	vst v22;
	v5 =	vimm.f32 $0.0e+00;
	v4 =	vimm.f32 $0.0e+00  }
.LBB2_22:
0x1cc: {  	p0 =	slt.u32 s25, $0x38;
	v2 =	vadd.f32 v18, v2;
	v5 =	vadd.f32 v19, v5;
	[tilespmem:s24+$0xC00] =	vst v6;
	v6 =	vmul.f32 v6, v6  }
0x1cd: {  	v4 =	vadd.f32 v21, v4;
	v3 =	vadd.f32 v20, v3;
	[tilespmem:s24+$0x1000] =	vst v7;
	v7 =	vmul.f32 v7, v7  }
0x1ce: {  	v11 =	vor.u32 v1, v11;
	v2 =	vadd.f32 v12, v2;
	v5 =	vadd.f32 v17, v5  }
0x1cf: {  	v12 =	vor.u32 v1, v15;
	v4 =	vadd.f32 v6, v4;
	v3 =	vadd.f32 v7, v3  }
0x1d0: {  	s26 =	sadd.s32 $0x4, s25;
	s28 =	sadd.s32 $0x5, s25;
	v6 =	vmov s25;
	v7 =	vor.u32 v1, v9;
	v9 =	vbroadcast v10, $0x0;
	v17 =	vld.idx.msk [tilespmem:v16+s12+$0x0], $0xffff  }
0x1d1: {  	v8 =	vor.u32 v1, v8;
	v15 =	vmov s28;
	s28 =	sadd.s32 $0x7, s25;
	v10 =	vmov s26;
	s26 =	sadd.s32 $0x6, s25;
	v13 =	vld.idx.msk [tilespmem:v13+s12+$0x0], $0xffff  }
0x1d2: {  	s29 =	sadd.s32 $0x1, s25;
	s30 =	sadd.s32 $0x2, s25;
	v18 =	vmov s28;
	v16 =	vmov s26;
	v9 =	vor.u32 v1, v9;
	v14 =	vld.idx.msk [tilespmem:v14+s12+$0x0], $0xffff  }
0x1d3: {  	v19 =	vmov s29;
	v20 =	vmov s30;
	v6 =	vand.u32 $0x78, v6;
	s26 =	sadd.s32 $0x3, s25;
	v21 =	vld.idx.msk [tilespmem:v11+s12+$0x0], $0xffff  }
0x1d4: {  	v10 =	vand.u32 $0x7C, v10;
	v22 =	vmov s26;
	v11 =	vand.u32 $0x7D, v15;
	v23 =	vld.idx.msk [tilespmem:v12+s12+$0x0], $0xffff  }
0x1d5: {  	s24 =	sadd.s32 $0x2000, s24;
	v16 =	vand.u32 $0x7E, v16;
	v15 =	vand.u32 $0x79, v19;
	v12 =	vbroadcast v6, $0x0;
	v24 =	vld.idx.msk [tilespmem:v7+s12+$0x0], $0xffff  }
0x1d6: {  	v19 =	vand.u32 $0x7A, v20;
	v20 =	vbroadcast v10, $0x0;
	v25 =	vbroadcast v11, $0x0;
	[tilespmem:s24+$0xFFFFF400] =	vst v17;
	v6 =	vld.idx.msk [tilespmem:v8+s12+$0x0], $0xffff  }
.Ltmp9:
0x1d7: {  	v10 =	vand.u32 $0x7B, v22;
	v11 =	vbroadcast v15, $0x0;
	v8 =	vbroadcast v16, $0x0;
	v7 =	vld.idx.msk [tilespmem:v9+s12+$0x0], $0xffff;
	[tilespmem:s24+$0x400] =	vst v13;
	(pc) =	sbr.rel @p0 .LBB2_22-.Ltmp9, $4  }
0x1d8: {  	v15 =	vbroadcast v19, $0x0;
	v9 =	vbroadcast v10, $0x0;
	v10 =	vand.u32 $0x7F, v18;
	[tilespmem:s24+$0x800] =	vst v14  }
0x1d9: {  	v16 =	vor.u32 v1, v12;
	v12 =	vmul.f32 v13, v13;
	v18 =	vmul.f32 v17, v17;
	[tilespmem:s24+$0xFFFFF800] =	vst v21  }
0x1da: {  	v13 =	vor.u32 v1, v20;
	v17 =	vmul.f32 v14, v14;
	v19 =	vmul.f32 v21, v21;
	[tilespmem:s24+$0xFFFFFC00] =	vst v23  }
0x1db: {  	s25 =	sadd.s32 $0x8, s25;
	v14 =	vor.u32 v1, v25;
	v21 =	vmul.f32 v23, v23;
	v20 =	vmul.f32 v24, v24;
	[tilespmem:s24+$0x0] =	vst v24  }
0x1dc: {  	_ =	sdelay $0x1  }
0x1dd: {  	v11 =	vor.u32 v1, v11  }
0x1de: {  	v15 =	vor.u32 v1, v15  }
0x1df: {  	v16 =	vld.idx.msk [tilespmem:v16+s12+$0x0], $0xffff;
	v9 =	vor.u32 v1, v9;
	v10 =	vbroadcast v10, $0x0  }
0x1e0: {  	v13 =	vld.idx.msk [tilespmem:v13+s12+$0x0], $0xffff;
	v8 =	vor.u32 v1, v8  }
0x1e1: {  	v14 =	vld.idx.msk [tilespmem:v14+s12+$0x0], $0xffff;
	v1 =	vor.u32 v1, v10  }
0x1e2: {  	v52 =	vld.idx.msk [tilespmem:v11+s12+$0x0], $0xffff  }
0x1e3: {  	v53 =	vld.idx.msk [tilespmem:v15+s12+$0x0], $0xffff  }
0x1e4: {  	v2 =	vadd.f32 v18, v2;
	v9 =	vld.idx.msk [tilespmem:v9+s12+$0x0], $0xffff  }
0x1e5: {  	v5 =	vadd.f32 v19, v5;
	v54 =	vmul.f32 v6, v6;
	v4 =	vadd.f32 v21, v4;
	v8 =	vld.idx.msk [tilespmem:v8+s12+$0x0], $0xffff  }
0x1e6: {  	v55 =	vmul.f32 v7, v7;
	v3 =	vadd.f32 v20, v3;
	v2 =	vadd.f32 v12, v2;
	v1 =	vld.idx.msk [tilespmem:v1+s12+$0x0], $0xffff  }
0x1e7: {  	v5 =	vadd.f32 v17, v5;
	v56 =	vmul.f32 v16, v16;
	v57 =	vmul.f32 v13, v13  }
0x1e8: {  	v4 =	vadd.f32 v54, v4;
	v59 =	vmul.f32 v14, v14;
	v58 =	vmul.f32 v52, v52  }
0x1e9: {  	[tilespmem:s24+$0xC00] =	vst v6;
	v3 =	vadd.f32 v55, v3;
	v60 =	vmul.f32 v53, v53;
	v61 =	vmul.f32 v9, v9  }
0x1ea: {  	[tilespmem:s24+$0x1000] =	vst v7;
	s31 =	sadd.s32 $0x2000, s24;
	v2 =	vadd.f32 v56, v2;
	v62 =	vmul.f32 v8, v8;
	v5 =	vadd.f32 v58, v5  }
0x1eb: {  	[tilespmem:s31+$0xFFFFF400] =	vst v16;
	v4 =	vadd.f32 v60, v4;
	v3 =	vadd.f32 v61, v3;
	v63 =	vmul.f32 v1, v1  }
0x1ec: {  	[tilespmem:s31+$0x400] =	vst v13;
	v2 =	vadd.f32 v57, v2;
	v5 =	vadd.f32 v59, v5  }
0x1ed: {  	s22 =	sadd.s32 $0x1, s22;
	[tilespmem:s31+$0x800] =	vst v14;
	v4 =	vadd.f32 v62, v4;
	v3 =	vadd.f32 v63, v3  }
0x1ee: {  	p0 =	sne.s32 s22, $0x8;
	[tilespmem:s31+$0xFFFFF800] =	vst v52  }
.Ltmp10:
0x1ef: {  	[tilespmem:s31+$0xFFFFFC00] =	vst v53;
	v2 =	vadd.f32 v5, v2;
	v3 =	vadd.f32 v3, v4;
	(pc) =	sbr.rel @p0 .LBB2_21-.Ltmp10, $4  }
0x1f0: {  	[tilespmem:s31+$0x0] =	vst v9  }
0x1f1: {  	[tilespmem:s31+$0xC00] =	vst v8;
	v2 =	vadd.f32 v3, v2  }
0x1f2: {  	[tilespmem:s31+$0x1000] =	vst v1  }
0x1f3: {  	s21 =	sadd.s32 $0x10, s21;
	[tilespmem:s23+$0x1C400] =	vst v2  }
0x1f4: {  	s20 =	simm.s32 $0x1C410  }
0x1f5: {  	v1 =	vld [tilespmem:s20+$0x0]  }
0x1f6: {  	v3 =	vld [tilespmem:s20+$0xFFFFFFF0];
	_ =	sdelay $0x3  }
0x1f7: {  	v2 =	vadd.f32 $1.000000000e+00, v1  }
0x1f8: {  	s30 =	simm.s32 $0x1C430;
	v1 =	vadd.f32 $1.000000000e+00, v3  }
0x1f9: {  	v4 =	vld [tilespmem:s30+$0x0];
	v3 =	vshra.s32 v2, $0x1;
	v10 =	vmul.f32 $5.000000000e-01, v2  }
0x1fa: {  	v5 =	vsub.s32 $0x5F3759DF, v3;
	v3 =	vshra.s32 v1, $0x1  }
0x1fb: {  	v7 =	vld [tilespmem:s30+$0xFFFFFFF0];
	v12 =	vmul.f32 $5.000000000e-01, v1;
	v6 =	vsub.s32 $0x5F3759DF, v3;
	v3 =	vmul.f32 v5, v10;
	_ =	sdelay $0x1  }
0x1fc: {  	v8 =	vmul.f32 v6, v12;
	v3 =	vmul.f32 v5, v3  }
0x1fd: {  	v4 =	vadd.f32 $1.000000000e+00, v4  }
0x1fe: {  	v8 =	vmul.f32 v6, v8;
	v9 =	vsub.f32 $1.500000000e+00, v3  }
0x1ff: {  	v3 =	vadd.f32 $1.000000000e+00, v7;
	v7 =	vshra.s32 v4, $0x1  }
0x200: {  	v11 =	vsub.f32 $1.500000000e+00, v8;
	v8 =	vmul.f32 $5.000000000e-01, v4;
	v5 =	vmul.f32 v5, v9  }
0x201: {  	v9 =	vsub.s32 $0x5F3759DF, v7;
	v13 =	vshra.s32 v3, $0x1;
	v7 =	vmul.f32 $5.000000000e-01, v3  }
0x202: {  	v11 =	vmul.f32 v6, v11;
	v14 =	vsub.s32 $0x5F3759DF, v13;
	v6 =	vmul.f32 v9, v8  }
0x203: {  	s31 =	simm.s32 $0x1C450;
	v13 =	vmul.f32 v5, v10;
	v15 =	vmul.f32 v14, v7  }
0x204: {  	v17 =	vld [tilespmem:s31+$0x0];
	v16 =	vmul.f32 v11, v12;
	v6 =	vmul.f32 v9, v6  }
0x205: {  	v18 =	vld [tilespmem:s31+$0xFFFFFFF0];
	v13 =	vmul.f32 v13, v5;
	v15 =	vmul.f32 v14, v15  }
0x206: {  	v16 =	vmul.f32 v16, v11;
	v6 =	vsub.f32 $1.500000000e+00, v6  }
0x207: {  	v19 =	vsub.f32 $1.500000000e+00, v13;
	v15 =	vsub.f32 $1.500000000e+00, v15  }
0x208: {  	v16 =	vsub.f32 $1.500000000e+00, v16;
	v13 =	vmul.f32 v9, v6  }
0x209: {  	v6 =	vadd.f32 $1.000000000e+00, v17;
	v9 =	vmul.f32 v19, v5;
	v14 =	vmul.f32 v14, v15  }
0x20a: {  	v5 =	vadd.f32 $1.000000000e+00, v18;
	v17 =	vmul.f32 v13, v8;
	v11 =	vmul.f32 v16, v11  }
0x20b: {  	v15 =	vshra.s32 v6, $0x1;
	v16 =	vmul.f32 v14, v7;
	v18 =	vmul.f32 v9, v10  }
0x20c: {  	v15 =	vsub.s32 $0x5F3759DF, v15;
	v10 =	vmul.f32 $5.000000000e-01, v6;
	v19 =	vmul.f32 v11, v12  }
0x20d: {  	v20 =	vshra.s32 v5, $0x1;
	v12 =	vmul.f32 $5.000000000e-01, v5;
	v23 =	vmul.f32 v17, v13  }
0x20e: {  	s22 =	simm.s32 $0x4;
	v17 =	vsub.s32 $0x5F3759DF, v20;
	v22 =	vmul.f32 v15, v10;
	v18 =	vmul.f32 v18, v9  }
0x20f: {  	s23 =	simm.s32 $0x1C470;
	s21 =	simm.s32 $0xC190;
	s20 =	simm.s32 $0xC190;
	v21 =	vmul.f32 v17, v12;
	v20 =	vsub.f32 $1.500000000e+00, v23;
	v19 =	vmul.f32 v19, v11  }
.LBB2_25:
0x210: {  	v23 =	vld [tilespmem:s23+$0x0];
	s22 =	sadd.s32 $0x2, s22;
	v22 =	vmul.f32 v15, v22;
	v16 =	vmul.f32 v16, v14;
	v18 =	vsub.f32 $1.500000000e+00, v18;
	s20 =	sadd.s32 $0x20, s20  }
0x211: {  	v24 =	vld [tilespmem:s23+$0xFFFFFFF0];
	p0 =	slt.u32 s22, $0x6;
	v21 =	vmul.f32 v17, v21;
	v19 =	vsub.f32 $1.500000000e+00, v19  }
0x212: {  	v22 =	vsub.f32 $1.500000000e+00, v22;
	v18 =	vmul.f32 v18, v9;
	v9 =	vmul.f32 v20, v13  }
0x213: {  	v16 =	vsub.f32 $1.500000000e+00, v16;
	v20 =	vsub.f32 $1.500000000e+00, v21;
	v11 =	vmul.f32 v19, v11  }
0x214: {  	v13 =	vmul.f32 v15, v22;
	v15 =	vmul.f32 v18, v2;
	v2 =	vmovc v4;
	v4 =	vmov v6  }
0x215: {  	v6 =	vadd.f32 $1.000000000e+00, v23;
	v17 =	vmul.f32 v17, v20;
	v18 =	vmul.f32 v11, v1;
	v1 =	vmovc v3;
	v3 =	vmovc v5  }
0x216: {  	v11 =	vmul.f32 v16, v14;
	v5 =	vadd.f32 $1.000000000e+00, v24;
	v19 =	vmul.f32 v13, v10;
	[tilespmem:s21+$0x0] =	vst v15  }
.Ltmp11:
0x217: {  	v20 =	vmul.f32 v9, v8;
	v15 =	vshra.s32 v6, $0x1;
	v16 =	vmul.f32 v17, v12;
	[tilespmem:s21+$0xFFFFFFF0] =	vst v18;
	v14 =	vmovc v17;
	s21 =	smov.u32 s20;
	(pc) =	sbr.rel @p0 .LBB2_25-.Ltmp11, $4  }
0x218: {  	v8 =	vmovc v10;
	v23 =	vmul.f32 v11, v7;
	v10 =	vmul.f32 $5.000000000e-01, v6;
	v7 =	vmovc v12;
	v15 =	vsub.s32 $0x5F3759DF, v15  }
0x219: {  	v17 =	vshra.s32 v5, $0x1;
	v12 =	vmul.f32 $5.000000000e-01, v5;
	v19 =	vmul.f32 v19, v13  }
0x21a: {  	v18 =	vmul.f32 v20, v9;
	v17 =	vsub.s32 $0x5F3759DF, v17;
	v22 =	vmul.f32 v15, v10  }
0x21b: {  	s23 =	sadd.s32 $0x20, s23;
	v21 =	vmul.f32 v17, v12;
	v20 =	vsub.f32 $1.500000000e+00, v19;
	v19 =	vmul.f32 v23, v11  }
0x21c: {  	v22 =	vmul.f32 v15, v22  }
0x21d: {  	v21 =	vmul.f32 v17, v21  }
0x21e: {  	v22 =	vsub.f32 $1.500000000e+00, v22  }
0x21f: {  	v21 =	vsub.f32 $1.500000000e+00, v21  }
0x220: {  	v50 =	vmul.f32 v15, v22  }
0x221: {  	v51 =	vmul.f32 v17, v21  }
0x222: {  	v52 =	vmul.f32 v50, v10  }
0x223: {  	v16 =	vmul.f32 v16, v14;
	v53 =	vmul.f32 v51, v12  }
0x224: {  	v21 =	vmul.f32 v52, v50  }
0x225: {  	v16 =	vsub.f32 $1.500000000e+00, v16;
	v22 =	vmul.f32 v53, v51  }
0x226: {  	v13 =	vmul.f32 v20, v13;
	v54 =	vsub.f32 $1.500000000e+00, v21  }
0x227: {  	v55 =	vmul.f32 v16, v14;
	v56 =	vsub.f32 $1.500000000e+00, v22  }
0x228: {  	v8 =	vmul.f32 v13, v8;
	v15 =	vmul.f32 v54, v50  }
0x229: {  	v7 =	vmul.f32 v55, v7;
	v16 =	vmul.f32 v56, v51  }
0x22a: {  	v57 =	vsub.f32 $1.500000000e+00, v18;
	v8 =	vmul.f32 v8, v13;
	v58 =	vmul.f32 v15, v10  }
0x22b: {  	v59 =	vsub.f32 $1.500000000e+00, v19;
	v7 =	vmul.f32 v7, v55;
	v60 =	vmul.f32 v16, v12  }
0x22c: {  	v9 =	vmul.f32 v57, v9;
	v8 =	vsub.f32 $1.500000000e+00, v8;
	v10 =	vmul.f32 v58, v15  }
0x22d: {  	v11 =	vmul.f32 v59, v11;
	v7 =	vsub.f32 $1.500000000e+00, v7;
	v12 =	vmul.f32 v60, v16  }
0x22e: {  	v2 =	vmul.f32 v9, v2;
	v8 =	vmul.f32 v8, v13;
	v61 =	vsub.f32 $1.500000000e+00, v10  }
0x22f: {  	v1 =	vmul.f32 v11, v1;
	v7 =	vmul.f32 v7, v55;
	v62 =	vsub.f32 $1.500000000e+00, v12  }
0x230: {  	[tilespmem:s21+$0x0] =	vst v2;
	v2 =	vmul.f32 v8, v4;
	v63 =	vmul.f32 v61, v15  }
0x231: {  	s20 =	sadd.s32 $0x20, s20;
	[tilespmem:s21+$0xFFFFFFF0] =	vst v1;
	v1 =	vmul.f32 v7, v3;
	v3 =	vmul.f32 v62, v16  }
0x232: {  	[tilespmem:s20+$0x0] =	vst v2;
	v2 =	vmul.f32 v63, v6  }
0x233: {  	s30 =	sadd.s32 $0x20, s20;
	[tilespmem:s20+$0xFFFFFFF0] =	vst v1;
	v1 =	vmul.f32 v3, v5  }
0x234: {  	[tilespmem:s30+$0x0] =	vst v2  }
0x235: {  	[tilespmem:s30+$0xFFFFFFF0] =	vst v1  }
0x236: {  	_ =	swait.ge [sflag:s11], $0x4000  }
0x237: {  	s31 =	sadd.s32 $0x1400, s19;
	s22 =	simm.s32 $0x0;
	[sflag:s11] =	ssyncset.done $0x0  }
0x238: {  	s21 =	simm.s32 $0xD200;
	s20 =	simm.s32 $0x0;
	[sflag:s11] =	ssyncadd.s32 $0xFFFFC000  }
0x239: {  	[tilespmem:s12], [sflag:$0x1] =	stream.indirect.gather [hbm4b:s3+s9], $0x80, s31, s9, $0xb8;
	[tilespmem:$0x1C480] =	vst v63  }
.LBB2_27:
0x23a: {  	s23 =	sshll.u32 s22, $0x4;
	v2 =	vimm.f32 $0.0e+00;
	v3 =	vmov s20;
	s24 =	simm.s32 $0x4;
	s25 =	simm.s32 $0x5  }
0x23b: {  	s26 =	simm.s32 $0x6;
	s29 =	simm.s32 $0x7;
	v1 =	vmov s23;
	v4 =	vmov s24;
	v5 =	vmov s25  }
0x23c: {  	s30 =	simm.s32 $0x1;
	s31 =	simm.s32 $0x2;
	s28 =	simm.s32 $0x3;
	v6 =	vmov s26;
	v7 =	vmov s29;
	v3 =	vand.u32 $0x78, v3  }
0x23d: {  	v8 =	vmov s30;
	v9 =	vmov s31;
	v10 =	vmov s28  }
0x23e: {  	v1 =	vshll.u32 v1, $0x7;
	v4 =	vand.u32 $0x7C, v4;
	v3 =	vbroadcast v3, $0x0  }
0x23f: {  	v5 =	vand.u32 $0x7D, v5;
	v8 =	vand.u32 $0x79, v8;
	v9 =	vand.u32 $0x7A, v9  }
0x240: {  	v10 =	vand.u32 $0x7B, v10;
	v1 =	vor.u32 v0, v1;
	v4 =	vbroadcast v4, $0x0  }
0x241: {  	v6 =	vand.u32 $0x7E, v6;
	v5 =	vbroadcast v5, $0x0;
	v3 =	vor.u32 v1, v3  }
0x242: {  	s29 =	simm.s32 $0x8;
	v7 =	vand.u32 $0x7F, v7;
	v8 =	vbroadcast v8, $0x0;
	v4 =	vor.u32 v1, v4  }
0x243: {  	s30 =	simm.s32 $0xC;
	v11 =	vmov s29;
	v9 =	vbroadcast v9, $0x0;
	v5 =	vor.u32 v1, v5  }
0x244: {  	s31 =	simm.s32 $0xD;
	v12 =	vmov s30;
	v10 =	vbroadcast v10, $0x0;
	v8 =	vor.u32 v1, v8  }
0x245: {  	s26 =	simm.s32 $0xE;
	v13 =	vmov s31;
	v6 =	vbroadcast v6, $0x0;
	v9 =	vor.u32 v1, v9  }
0x246: {  	s28 =	simm.s32 $0xA;
	s29 =	simm.s32 $0xF;
	v14 =	vmov s26;
	v7 =	vbroadcast v7, $0x0;
	v10 =	vor.u32 v1, v10;
	v3 =	vld.idx.msk [tilespmem:v3+s10+$0x0], $0xffff  }
0x247: {  	s30 =	simm.s32 $0x9;
	v17 =	vmov s28;
	v16 =	vmov s29;
	v6 =	vor.u32 v1, v6;
	v4 =	vld.idx.msk [tilespmem:v4+s10+$0x0], $0xffff  }
0x248: {  	v11 =	vand.u32 $0x78, v11;
	v15 =	vmov s30;
	v7 =	vor.u32 v1, v7;
	v5 =	vld.idx.msk [tilespmem:v5+s10+$0x0], $0xffff  }
0x249: {  	s31 =	simm.s32 $0xB;
	v12 =	vand.u32 $0x7C, v12;
	v13 =	vand.u32 $0x7D, v13;
	v14 =	vand.u32 $0x7E, v14;
	v19 =	vld.idx.msk [tilespmem:v8+s10+$0x0], $0xffff  }
0x24a: {  	v18 =	vbroadcast v11, $0x0;
	v21 =	vbroadcast v13, $0x0;
	v8 =	vmov s31;
	v20 =	vld.idx.msk [tilespmem:v9+s10+$0x0], $0xffff  }
0x24b: {  	v9 =	vand.u32 $0x79, v15;
	v22 =	vld.idx.msk [tilespmem:v10+s10+$0x0], $0xffff;
	v10 =	vand.u32 $0x7A, v17;
	v17 =	vbroadcast v12, $0x0  }
0x24c: {  	v6 =	vld.idx.msk [tilespmem:v6+s10+$0x0], $0xffff;
	v11 =	vbroadcast v9, $0x0;
	v9 =	vand.u32 $0x7B, v8;
	v8 =	vbroadcast v14, $0x0;
	[tilespmem:s21+$0xFFFFF400] =	vst v3  }
0x24d: {  	v7 =	vld.idx.msk [tilespmem:v7+s10+$0x0], $0xffff;
	v15 =	vbroadcast v10, $0x0;
	v10 =	vand.u32 $0x7F, v16;
	v16 =	vor.u32 v1, v18;
	[tilespmem:s21+$0x400] =	vst v4  }
0x24e: {  	v14 =	vor.u32 v1, v21;
	v9 =	vbroadcast v9, $0x0;
	v18 =	vmul.f32 v3, v3;
	[tilespmem:s21+$0x800] =	vst v5  }
0x24f: {  	v13 =	vor.u32 v1, v17;
	v12 =	vmul.f32 v4, v4;
	[tilespmem:s21+$0xFFFFF800] =	vst v19;
	v19 =	vmul.f32 v19, v19  }
0x250: {  	v3 =	vimm.f32 $0.0e+00;
	v17 =	vmul.f32 v5, v5;
	[tilespmem:s21+$0xFFFFFC00] =	vst v20;
	v21 =	vmul.f32 v20, v20  }
0x251: {  	s25 =	simm.s32 $0x10;
	s24 =	smov.u32 s21;
	v20 =	vmul.f32 v22, v22;
	[tilespmem:s21+$0x0] =	vst v22;
	v5 =	vimm.f32 $0.0e+00;
	v4 =	vimm.f32 $0.0e+00  }
.LBB2_28:
0x252: {  	p0 =	slt.u32 s25, $0x38;
	v2 =	vadd.f32 v18, v2;
	v5 =	vadd.f32 v19, v5;
	[tilespmem:s24+$0xC00] =	vst v6;
	v6 =	vmul.f32 v6, v6  }
0x253: {  	v4 =	vadd.f32 v21, v4;
	v3 =	vadd.f32 v20, v3;
	[tilespmem:s24+$0x1000] =	vst v7;
	v7 =	vmul.f32 v7, v7  }
0x254: {  	v11 =	vor.u32 v1, v11;
	v2 =	vadd.f32 v12, v2;
	v5 =	vadd.f32 v17, v5  }
0x255: {  	v12 =	vor.u32 v1, v15;
	v4 =	vadd.f32 v6, v4;
	v3 =	vadd.f32 v7, v3  }
0x256: {  	s26 =	sadd.s32 $0x4, s25;
	s28 =	sadd.s32 $0x5, s25;
	v6 =	vmov s25;
	v7 =	vor.u32 v1, v9;
	v9 =	vbroadcast v10, $0x0;
	v17 =	vld.idx.msk [tilespmem:v16+s10+$0x0], $0xffff  }
0x257: {  	v8 =	vor.u32 v1, v8;
	v15 =	vmov s28;
	s28 =	sadd.s32 $0x7, s25;
	v10 =	vmov s26;
	s26 =	sadd.s32 $0x6, s25;
	v13 =	vld.idx.msk [tilespmem:v13+s10+$0x0], $0xffff  }
0x258: {  	s29 =	sadd.s32 $0x1, s25;
	s30 =	sadd.s32 $0x2, s25;
	v18 =	vmov s28;
	v16 =	vmov s26;
	v9 =	vor.u32 v1, v9;
	v14 =	vld.idx.msk [tilespmem:v14+s10+$0x0], $0xffff  }
0x259: {  	v19 =	vmov s29;
	v20 =	vmov s30;
	v6 =	vand.u32 $0x78, v6;
	s26 =	sadd.s32 $0x3, s25;
	v21 =	vld.idx.msk [tilespmem:v11+s10+$0x0], $0xffff  }
0x25a: {  	v10 =	vand.u32 $0x7C, v10;
	v22 =	vmov s26;
	v11 =	vand.u32 $0x7D, v15;
	v23 =	vld.idx.msk [tilespmem:v12+s10+$0x0], $0xffff  }
0x25b: {  	s24 =	sadd.s32 $0x2000, s24;
	v16 =	vand.u32 $0x7E, v16;
	v15 =	vand.u32 $0x79, v19;
	v12 =	vbroadcast v6, $0x0;
	v24 =	vld.idx.msk [tilespmem:v7+s10+$0x0], $0xffff  }
0x25c: {  	v19 =	vand.u32 $0x7A, v20;
	v20 =	vbroadcast v10, $0x0;
	v25 =	vbroadcast v11, $0x0;
	[tilespmem:s24+$0xFFFFF400] =	vst v17;
	v6 =	vld.idx.msk [tilespmem:v8+s10+$0x0], $0xffff  }
.Ltmp12:
0x25d: {  	v10 =	vand.u32 $0x7B, v22;
	v11 =	vbroadcast v15, $0x0;
	v8 =	vbroadcast v16, $0x0;
	v7 =	vld.idx.msk [tilespmem:v9+s10+$0x0], $0xffff;
	[tilespmem:s24+$0x400] =	vst v13;
	(pc) =	sbr.rel @p0 .LBB2_28-.Ltmp12, $4  }
0x25e: {  	v15 =	vbroadcast v19, $0x0;
	v9 =	vbroadcast v10, $0x0;
	v10 =	vand.u32 $0x7F, v18;
	[tilespmem:s24+$0x800] =	vst v14  }
0x25f: {  	v16 =	vor.u32 v1, v12;
	v12 =	vmul.f32 v13, v13;
	v18 =	vmul.f32 v17, v17;
	[tilespmem:s24+$0xFFFFF800] =	vst v21  }
0x260: {  	v13 =	vor.u32 v1, v20;
	v17 =	vmul.f32 v14, v14;
	v19 =	vmul.f32 v21, v21;
	[tilespmem:s24+$0xFFFFFC00] =	vst v23  }
0x261: {  	s25 =	sadd.s32 $0x8, s25;
	v14 =	vor.u32 v1, v25;
	v21 =	vmul.f32 v23, v23;
	v20 =	vmul.f32 v24, v24;
	[tilespmem:s24+$0x0] =	vst v24  }
0x262: {  	_ =	sdelay $0x1  }
0x263: {  	v11 =	vor.u32 v1, v11  }
0x264: {  	v15 =	vor.u32 v1, v15  }
0x265: {  	v16 =	vld.idx.msk [tilespmem:v16+s10+$0x0], $0xffff;
	v9 =	vor.u32 v1, v9;
	v10 =	vbroadcast v10, $0x0  }
0x266: {  	v13 =	vld.idx.msk [tilespmem:v13+s10+$0x0], $0xffff;
	v8 =	vor.u32 v1, v8  }
0x267: {  	v14 =	vld.idx.msk [tilespmem:v14+s10+$0x0], $0xffff;
	v1 =	vor.u32 v1, v10  }
0x268: {  	v52 =	vld.idx.msk [tilespmem:v11+s10+$0x0], $0xffff  }
0x269: {  	v53 =	vld.idx.msk [tilespmem:v15+s10+$0x0], $0xffff  }
0x26a: {  	v2 =	vadd.f32 v18, v2;
	v9 =	vld.idx.msk [tilespmem:v9+s10+$0x0], $0xffff  }
0x26b: {  	v5 =	vadd.f32 v19, v5;
	v54 =	vmul.f32 v6, v6;
	v4 =	vadd.f32 v21, v4;
	v8 =	vld.idx.msk [tilespmem:v8+s10+$0x0], $0xffff  }
0x26c: {  	v55 =	vmul.f32 v7, v7;
	v3 =	vadd.f32 v20, v3;
	v2 =	vadd.f32 v12, v2;
	v1 =	vld.idx.msk [tilespmem:v1+s10+$0x0], $0xffff  }
0x26d: {  	v5 =	vadd.f32 v17, v5;
	v56 =	vmul.f32 v16, v16;
	v57 =	vmul.f32 v13, v13  }
0x26e: {  	v4 =	vadd.f32 v54, v4;
	v59 =	vmul.f32 v14, v14;
	v58 =	vmul.f32 v52, v52  }
0x26f: {  	[tilespmem:s24+$0xC00] =	vst v6;
	v3 =	vadd.f32 v55, v3;
	v60 =	vmul.f32 v53, v53;
	v61 =	vmul.f32 v9, v9  }
0x270: {  	[tilespmem:s24+$0x1000] =	vst v7;
	s31 =	sadd.s32 $0x2000, s24;
	v2 =	vadd.f32 v56, v2;
	v62 =	vmul.f32 v8, v8;
	v5 =	vadd.f32 v58, v5  }
0x271: {  	[tilespmem:s31+$0xFFFFF400] =	vst v16;
	v4 =	vadd.f32 v60, v4;
	v3 =	vadd.f32 v61, v3;
	v63 =	vmul.f32 v1, v1  }
0x272: {  	[tilespmem:s31+$0x400] =	vst v13;
	v2 =	vadd.f32 v57, v2;
	v5 =	vadd.f32 v59, v5  }
0x273: {  	s22 =	sadd.s32 $0x1, s22;
	[tilespmem:s31+$0x800] =	vst v14;
	v4 =	vadd.f32 v62, v4;
	v3 =	vadd.f32 v63, v3  }
0x274: {  	p0 =	sne.s32 s22, $0x8;
	[tilespmem:s31+$0xFFFFF800] =	vst v52  }
.Ltmp13:
0x275: {  	[tilespmem:s31+$0xFFFFFC00] =	vst v53;
	v2 =	vadd.f32 v5, v2;
	v3 =	vadd.f32 v3, v4;
	(pc) =	sbr.rel @p0 .LBB2_27-.Ltmp13, $4  }
0x276: {  	[tilespmem:s31+$0x0] =	vst v9  }
0x277: {  	[tilespmem:s31+$0xC00] =	vst v8;
	v2 =	vadd.f32 v3, v2  }
0x278: {  	[tilespmem:s31+$0x1000] =	vst v1  }
0x279: {  	s21 =	sadd.s32 $0x10, s21;
	[tilespmem:s23+$0x1C400] =	vst v2  }
0x27a: {  	s20 =	simm.s32 $0x1C410  }
0x27b: {  	v1 =	vld [tilespmem:s20+$0x0]  }
0x27c: {  	v3 =	vld [tilespmem:s20+$0xFFFFFFF0];
	_ =	sdelay $0x3  }
0x27d: {  	v2 =	vadd.f32 $1.000000000e+00, v1  }
0x27e: {  	s30 =	simm.s32 $0x1C430;
	v1 =	vadd.f32 $1.000000000e+00, v3  }
0x27f: {  	v4 =	vld [tilespmem:s30+$0x0];
	v3 =	vshra.s32 v2, $0x1;
	v10 =	vmul.f32 $5.000000000e-01, v2  }
0x280: {  	v5 =	vsub.s32 $0x5F3759DF, v3;
	v3 =	vshra.s32 v1, $0x1  }
0x281: {  	v7 =	vld [tilespmem:s30+$0xFFFFFFF0];
	v12 =	vmul.f32 $5.000000000e-01, v1;
	v6 =	vsub.s32 $0x5F3759DF, v3;
	v3 =	vmul.f32 v5, v10;
	_ =	sdelay $0x1  }
0x282: {  	v8 =	vmul.f32 v6, v12;
	v3 =	vmul.f32 v5, v3  }
0x283: {  	v4 =	vadd.f32 $1.000000000e+00, v4  }
0x284: {  	v8 =	vmul.f32 v6, v8;
	v9 =	vsub.f32 $1.500000000e+00, v3  }
0x285: {  	v3 =	vadd.f32 $1.000000000e+00, v7;
	v7 =	vshra.s32 v4, $0x1  }
0x286: {  	v11 =	vsub.f32 $1.500000000e+00, v8;
	v8 =	vmul.f32 $5.000000000e-01, v4;
	v5 =	vmul.f32 v5, v9  }
0x287: {  	v9 =	vsub.s32 $0x5F3759DF, v7;
	v13 =	vshra.s32 v3, $0x1;
	v7 =	vmul.f32 $5.000000000e-01, v3  }
0x288: {  	v11 =	vmul.f32 v6, v11;
	v14 =	vsub.s32 $0x5F3759DF, v13;
	v6 =	vmul.f32 v9, v8  }
0x289: {  	s31 =	simm.s32 $0x1C450;
	v13 =	vmul.f32 v5, v10;
	v15 =	vmul.f32 v14, v7  }
0x28a: {  	v17 =	vld [tilespmem:s31+$0x0];
	v16 =	vmul.f32 v11, v12;
	v6 =	vmul.f32 v9, v6  }
0x28b: {  	v18 =	vld [tilespmem:s31+$0xFFFFFFF0];
	v13 =	vmul.f32 v13, v5;
	v15 =	vmul.f32 v14, v15  }
0x28c: {  	v16 =	vmul.f32 v16, v11;
	v6 =	vsub.f32 $1.500000000e+00, v6  }
0x28d: {  	v19 =	vsub.f32 $1.500000000e+00, v13;
	v15 =	vsub.f32 $1.500000000e+00, v15  }
0x28e: {  	v16 =	vsub.f32 $1.500000000e+00, v16;
	v13 =	vmul.f32 v9, v6  }
0x28f: {  	v6 =	vadd.f32 $1.000000000e+00, v17;
	v9 =	vmul.f32 v19, v5;
	v14 =	vmul.f32 v14, v15  }
0x290: {  	v5 =	vadd.f32 $1.000000000e+00, v18;
	v17 =	vmul.f32 v13, v8;
	v11 =	vmul.f32 v16, v11  }
0x291: {  	v15 =	vshra.s32 v6, $0x1;
	v16 =	vmul.f32 v14, v7;
	v18 =	vmul.f32 v9, v10  }
0x292: {  	v15 =	vsub.s32 $0x5F3759DF, v15;
	v10 =	vmul.f32 $5.000000000e-01, v6;
	v19 =	vmul.f32 v11, v12  }
0x293: {  	v20 =	vshra.s32 v5, $0x1;
	v12 =	vmul.f32 $5.000000000e-01, v5;
	v23 =	vmul.f32 v17, v13  }
0x294: {  	s22 =	simm.s32 $0x4;
	v17 =	vsub.s32 $0x5F3759DF, v20;
	v22 =	vmul.f32 v15, v10;
	v18 =	vmul.f32 v18, v9  }
0x295: {  	s23 =	simm.s32 $0x1C470;
	s21 =	simm.s32 $0xC210;
	s20 =	simm.s32 $0xC210;
	v21 =	vmul.f32 v17, v12;
	v20 =	vsub.f32 $1.500000000e+00, v23;
	v19 =	vmul.f32 v19, v11  }
.LBB2_31:
0x296: {  	v23 =	vld [tilespmem:s23+$0x0];
	s22 =	sadd.s32 $0x2, s22;
	v22 =	vmul.f32 v15, v22;
	v16 =	vmul.f32 v16, v14;
	v18 =	vsub.f32 $1.500000000e+00, v18;
	s20 =	sadd.s32 $0x20, s20  }
0x297: {  	v24 =	vld [tilespmem:s23+$0xFFFFFFF0];
	p0 =	slt.u32 s22, $0x6;
	v21 =	vmul.f32 v17, v21;
	v19 =	vsub.f32 $1.500000000e+00, v19  }
0x298: {  	v22 =	vsub.f32 $1.500000000e+00, v22;
	v18 =	vmul.f32 v18, v9;
	v9 =	vmul.f32 v20, v13  }
0x299: {  	v16 =	vsub.f32 $1.500000000e+00, v16;
	v20 =	vsub.f32 $1.500000000e+00, v21;
	v11 =	vmul.f32 v19, v11  }
0x29a: {  	v13 =	vmul.f32 v15, v22;
	v15 =	vmul.f32 v18, v2;
	v2 =	vmovc v4;
	v4 =	vmov v6  }
0x29b: {  	v6 =	vadd.f32 $1.000000000e+00, v23;
	v17 =	vmul.f32 v17, v20;
	v18 =	vmul.f32 v11, v1;
	v1 =	vmovc v3;
	v3 =	vmovc v5  }
0x29c: {  	v11 =	vmul.f32 v16, v14;
	v5 =	vadd.f32 $1.000000000e+00, v24;
	v19 =	vmul.f32 v13, v10;
	[tilespmem:s21+$0x0] =	vst v15  }
.Ltmp14:
0x29d: {  	v20 =	vmul.f32 v9, v8;
	v15 =	vshra.s32 v6, $0x1;
	v16 =	vmul.f32 v17, v12;
	[tilespmem:s21+$0xFFFFFFF0] =	vst v18;
	v14 =	vmovc v17;
	s21 =	smov.u32 s20;
	(pc) =	sbr.rel @p0 .LBB2_31-.Ltmp14, $4  }
0x29e: {  	v8 =	vmovc v10;
	v23 =	vmul.f32 v11, v7;
	v10 =	vmul.f32 $5.000000000e-01, v6;
	v7 =	vmovc v12;
	v15 =	vsub.s32 $0x5F3759DF, v15  }
0x29f: {  	v17 =	vshra.s32 v5, $0x1;
	v12 =	vmul.f32 $5.000000000e-01, v5;
	v19 =	vmul.f32 v19, v13  }
0x2a0: {  	v18 =	vmul.f32 v20, v9;
	v17 =	vsub.s32 $0x5F3759DF, v17;
	v22 =	vmul.f32 v15, v10  }
0x2a1: {  	s23 =	sadd.s32 $0x20, s23;
	v21 =	vmul.f32 v17, v12;
	v20 =	vsub.f32 $1.500000000e+00, v19;
	v19 =	vmul.f32 v23, v11  }
0x2a2: {  	v22 =	vmul.f32 v15, v22  }
0x2a3: {  	v21 =	vmul.f32 v17, v21  }
0x2a4: {  	v22 =	vsub.f32 $1.500000000e+00, v22  }
0x2a5: {  	v21 =	vsub.f32 $1.500000000e+00, v21  }
0x2a6: {  	v50 =	vmul.f32 v15, v22  }
0x2a7: {  	v51 =	vmul.f32 v17, v21  }
0x2a8: {  	v52 =	vmul.f32 v50, v10  }
0x2a9: {  	v16 =	vmul.f32 v16, v14;
	v53 =	vmul.f32 v51, v12  }
0x2aa: {  	v21 =	vmul.f32 v52, v50  }
0x2ab: {  	v16 =	vsub.f32 $1.500000000e+00, v16;
	v22 =	vmul.f32 v53, v51  }
0x2ac: {  	v13 =	vmul.f32 v20, v13;
	v54 =	vsub.f32 $1.500000000e+00, v21  }
0x2ad: {  	v55 =	vmul.f32 v16, v14;
	v56 =	vsub.f32 $1.500000000e+00, v22  }
0x2ae: {  	v8 =	vmul.f32 v13, v8;
	v15 =	vmul.f32 v54, v50  }
0x2af: {  	v7 =	vmul.f32 v55, v7;
	v16 =	vmul.f32 v56, v51  }
0x2b0: {  	v57 =	vsub.f32 $1.500000000e+00, v18;
	v8 =	vmul.f32 v8, v13;
	v58 =	vmul.f32 v15, v10  }
0x2b1: {  	v59 =	vsub.f32 $1.500000000e+00, v19;
	v7 =	vmul.f32 v7, v55;
	v60 =	vmul.f32 v16, v12  }
0x2b2: {  	v9 =	vmul.f32 v57, v9;
	v8 =	vsub.f32 $1.500000000e+00, v8;
	v10 =	vmul.f32 v58, v15  }
0x2b3: {  	v11 =	vmul.f32 v59, v11;
	v7 =	vsub.f32 $1.500000000e+00, v7;
	v12 =	vmul.f32 v60, v16  }
0x2b4: {  	v2 =	vmul.f32 v9, v2;
	v8 =	vmul.f32 v8, v13;
	v61 =	vsub.f32 $1.500000000e+00, v10  }
0x2b5: {  	v1 =	vmul.f32 v11, v1;
	v7 =	vmul.f32 v7, v55;
	v62 =	vsub.f32 $1.500000000e+00, v12  }
0x2b6: {  	[tilespmem:s21+$0x0] =	vst v2;
	v2 =	vmul.f32 v8, v4;
	v63 =	vmul.f32 v61, v15  }
0x2b7: {  	s20 =	sadd.s32 $0x20, s20;
	[tilespmem:s21+$0xFFFFFFF0] =	vst v1;
	v1 =	vmul.f32 v7, v3;
	v3 =	vmul.f32 v62, v16  }
0x2b8: {  	[tilespmem:s20+$0x0] =	vst v2;
	v2 =	vmul.f32 v63, v6  }
0x2b9: {  	s30 =	sadd.s32 $0x20, s20;
	[tilespmem:s20+$0xFFFFFFF0] =	vst v1;
	v1 =	vmul.f32 v3, v5  }
0x2ba: {  	[tilespmem:s30+$0x0] =	vst v2  }
0x2bb: {  	[tilespmem:s30+$0xFFFFFFF0] =	vst v1  }
0x2bc: {  	_ =	swait.ge [sflag:s11], $0x4000  }
0x2bd: {  	s31 =	sadd.s32 $0x1800, s19;
	s22 =	simm.s32 $0x0;
	[sflag:s11] =	ssyncset.done $0x0  }
0x2be: {  	s21 =	simm.s32 $0xD280;
	s20 =	simm.s32 $0x0;
	[sflag:s11] =	ssyncadd.s32 $0xFFFFC000  }
0x2bf: {  	[tilespmem:s10], [sflag:$0x1] =	stream.indirect.gather [hbm4b:s3+s9], $0x80, s31, s9, $0xb8;
	[tilespmem:$0x1C480] =	vst v63  }
.LBB2_33:
0x2c0: {  	s23 =	sshll.u32 s22, $0x4;
	v2 =	vimm.f32 $0.0e+00;
	v3 =	vmov s20;
	s24 =	simm.s32 $0x4;
	s25 =	simm.s32 $0x5  }
0x2c1: {  	s26 =	simm.s32 $0x6;
	s29 =	simm.s32 $0x7;
	v1 =	vmov s23;
	v4 =	vmov s24;
	v5 =	vmov s25  }
0x2c2: {  	s30 =	simm.s32 $0x1;
	s31 =	simm.s32 $0x2;
	s28 =	simm.s32 $0x3;
	v6 =	vmov s26;
	v7 =	vmov s29;
	v3 =	vand.u32 $0x78, v3  }
0x2c3: {  	v8 =	vmov s30;
	v9 =	vmov s31;
	v10 =	vmov s28  }
0x2c4: {  	v1 =	vshll.u32 v1, $0x7;
	v4 =	vand.u32 $0x7C, v4;
	v3 =	vbroadcast v3, $0x0  }
0x2c5: {  	v5 =	vand.u32 $0x7D, v5;
	v8 =	vand.u32 $0x79, v8;
	v9 =	vand.u32 $0x7A, v9  }
0x2c6: {  	v10 =	vand.u32 $0x7B, v10;
	v1 =	vor.u32 v0, v1;
	v4 =	vbroadcast v4, $0x0  }
0x2c7: {  	v6 =	vand.u32 $0x7E, v6;
	v5 =	vbroadcast v5, $0x0;
	v3 =	vor.u32 v1, v3  }
0x2c8: {  	s29 =	simm.s32 $0x8;
	v7 =	vand.u32 $0x7F, v7;
	v8 =	vbroadcast v8, $0x0;
	v4 =	vor.u32 v1, v4  }
0x2c9: {  	s30 =	simm.s32 $0xC;
	v11 =	vmov s29;
	v9 =	vbroadcast v9, $0x0;
	v5 =	vor.u32 v1, v5  }
0x2ca: {  	s31 =	simm.s32 $0xD;
	v12 =	vmov s30;
	v10 =	vbroadcast v10, $0x0;
	v8 =	vor.u32 v1, v8  }
0x2cb: {  	s26 =	simm.s32 $0xE;
	v13 =	vmov s31;
	v6 =	vbroadcast v6, $0x0;
	v9 =	vor.u32 v1, v9  }
0x2cc: {  	s28 =	simm.s32 $0xA;
	s29 =	simm.s32 $0xF;
	v14 =	vmov s26;
	v7 =	vbroadcast v7, $0x0;
	v10 =	vor.u32 v1, v10;
	v3 =	vld.idx.msk [tilespmem:v3+s12+$0x0], $0xffff  }
0x2cd: {  	s30 =	simm.s32 $0x9;
	v17 =	vmov s28;
	v16 =	vmov s29;
	v6 =	vor.u32 v1, v6;
	v4 =	vld.idx.msk [tilespmem:v4+s12+$0x0], $0xffff  }
0x2ce: {  	v11 =	vand.u32 $0x78, v11;
	v15 =	vmov s30;
	v7 =	vor.u32 v1, v7;
	v5 =	vld.idx.msk [tilespmem:v5+s12+$0x0], $0xffff  }
0x2cf: {  	s31 =	simm.s32 $0xB;
	v12 =	vand.u32 $0x7C, v12;
	v13 =	vand.u32 $0x7D, v13;
	v14 =	vand.u32 $0x7E, v14;
	v19 =	vld.idx.msk [tilespmem:v8+s12+$0x0], $0xffff  }
0x2d0: {  	v18 =	vbroadcast v11, $0x0;
	v21 =	vbroadcast v13, $0x0;
	v8 =	vmov s31;
	v20 =	vld.idx.msk [tilespmem:v9+s12+$0x0], $0xffff  }
0x2d1: {  	v9 =	vand.u32 $0x79, v15;
	v22 =	vld.idx.msk [tilespmem:v10+s12+$0x0], $0xffff;
	v10 =	vand.u32 $0x7A, v17;
	v17 =	vbroadcast v12, $0x0  }
0x2d2: {  	v6 =	vld.idx.msk [tilespmem:v6+s12+$0x0], $0xffff;
	v11 =	vbroadcast v9, $0x0;
	v9 =	vand.u32 $0x7B, v8;
	v8 =	vbroadcast v14, $0x0;
	[tilespmem:s21+$0xFFFFF400] =	vst v3  }
0x2d3: {  	v7 =	vld.idx.msk [tilespmem:v7+s12+$0x0], $0xffff;
	v15 =	vbroadcast v10, $0x0;
	v10 =	vand.u32 $0x7F, v16;
	v16 =	vor.u32 v1, v18;
	[tilespmem:s21+$0x400] =	vst v4  }
0x2d4: {  	v14 =	vor.u32 v1, v21;
	v9 =	vbroadcast v9, $0x0;
	v18 =	vmul.f32 v3, v3;
	[tilespmem:s21+$0x800] =	vst v5  }
0x2d5: {  	v13 =	vor.u32 v1, v17;
	v12 =	vmul.f32 v4, v4;
	[tilespmem:s21+$0xFFFFF800] =	vst v19;
	v19 =	vmul.f32 v19, v19  }
0x2d6: {  	v3 =	vimm.f32 $0.0e+00;
	v17 =	vmul.f32 v5, v5;
	[tilespmem:s21+$0xFFFFFC00] =	vst v20;
	v21 =	vmul.f32 v20, v20  }
0x2d7: {  	s25 =	simm.s32 $0x10;
	s24 =	smov.u32 s21;
	v20 =	vmul.f32 v22, v22;
	[tilespmem:s21+$0x0] =	vst v22;
	v5 =	vimm.f32 $0.0e+00;
	v4 =	vimm.f32 $0.0e+00  }
.LBB2_34:
0x2d8: {  	p0 =	slt.u32 s25, $0x38;
	v2 =	vadd.f32 v18, v2;
	v5 =	vadd.f32 v19, v5;
	[tilespmem:s24+$0xC00] =	vst v6;
	v6 =	vmul.f32 v6, v6  }
0x2d9: {  	v4 =	vadd.f32 v21, v4;
	v3 =	vadd.f32 v20, v3;
	[tilespmem:s24+$0x1000] =	vst v7;
	v7 =	vmul.f32 v7, v7  }
0x2da: {  	v11 =	vor.u32 v1, v11;
	v2 =	vadd.f32 v12, v2;
	v5 =	vadd.f32 v17, v5  }
0x2db: {  	v12 =	vor.u32 v1, v15;
	v4 =	vadd.f32 v6, v4;
	v3 =	vadd.f32 v7, v3  }
0x2dc: {  	s26 =	sadd.s32 $0x4, s25;
	s28 =	sadd.s32 $0x5, s25;
	v6 =	vmov s25;
	v7 =	vor.u32 v1, v9;
	v9 =	vbroadcast v10, $0x0;
	v17 =	vld.idx.msk [tilespmem:v16+s12+$0x0], $0xffff  }
0x2dd: {  	v8 =	vor.u32 v1, v8;
	v15 =	vmov s28;
	s28 =	sadd.s32 $0x7, s25;
	v10 =	vmov s26;
	s26 =	sadd.s32 $0x6, s25;
	v13 =	vld.idx.msk [tilespmem:v13+s12+$0x0], $0xffff  }
0x2de: {  	s29 =	sadd.s32 $0x1, s25;
	s30 =	sadd.s32 $0x2, s25;
	v18 =	vmov s28;
	v16 =	vmov s26;
	v9 =	vor.u32 v1, v9;
	v14 =	vld.idx.msk [tilespmem:v14+s12+$0x0], $0xffff  }
0x2df: {  	v19 =	vmov s29;
	v20 =	vmov s30;
	v6 =	vand.u32 $0x78, v6;
	s26 =	sadd.s32 $0x3, s25;
	v21 =	vld.idx.msk [tilespmem:v11+s12+$0x0], $0xffff  }
0x2e0: {  	v10 =	vand.u32 $0x7C, v10;
	v22 =	vmov s26;
	v11 =	vand.u32 $0x7D, v15;
	v23 =	vld.idx.msk [tilespmem:v12+s12+$0x0], $0xffff  }
0x2e1: {  	s24 =	sadd.s32 $0x2000, s24;
	v16 =	vand.u32 $0x7E, v16;
	v15 =	vand.u32 $0x79, v19;
	v12 =	vbroadcast v6, $0x0;
	v24 =	vld.idx.msk [tilespmem:v7+s12+$0x0], $0xffff  }
0x2e2: {  	v19 =	vand.u32 $0x7A, v20;
	v20 =	vbroadcast v10, $0x0;
	v25 =	vbroadcast v11, $0x0;
	[tilespmem:s24+$0xFFFFF400] =	vst v17;
	v6 =	vld.idx.msk [tilespmem:v8+s12+$0x0], $0xffff  }
.Ltmp15:
0x2e3: {  	v10 =	vand.u32 $0x7B, v22;
	v11 =	vbroadcast v15, $0x0;
	v8 =	vbroadcast v16, $0x0;
	v7 =	vld.idx.msk [tilespmem:v9+s12+$0x0], $0xffff;
	[tilespmem:s24+$0x400] =	vst v13;
	(pc) =	sbr.rel @p0 .LBB2_34-.Ltmp15, $4  }
0x2e4: {  	v15 =	vbroadcast v19, $0x0;
	v9 =	vbroadcast v10, $0x0;
	v10 =	vand.u32 $0x7F, v18;
	[tilespmem:s24+$0x800] =	vst v14  }
0x2e5: {  	v16 =	vor.u32 v1, v12;
	v12 =	vmul.f32 v13, v13;
	v18 =	vmul.f32 v17, v17;
	[tilespmem:s24+$0xFFFFF800] =	vst v21  }
0x2e6: {  	v13 =	vor.u32 v1, v20;
	v17 =	vmul.f32 v14, v14;
	v19 =	vmul.f32 v21, v21;
	[tilespmem:s24+$0xFFFFFC00] =	vst v23  }
0x2e7: {  	s25 =	sadd.s32 $0x8, s25;
	v14 =	vor.u32 v1, v25;
	v21 =	vmul.f32 v23, v23;
	v20 =	vmul.f32 v24, v24;
	[tilespmem:s24+$0x0] =	vst v24  }
0x2e8: {  	_ =	sdelay $0x1  }
0x2e9: {  	v11 =	vor.u32 v1, v11  }
0x2ea: {  	v15 =	vor.u32 v1, v15  }
0x2eb: {  	v16 =	vld.idx.msk [tilespmem:v16+s12+$0x0], $0xffff;
	v9 =	vor.u32 v1, v9;
	v10 =	vbroadcast v10, $0x0  }
0x2ec: {  	v13 =	vld.idx.msk [tilespmem:v13+s12+$0x0], $0xffff;
	v8 =	vor.u32 v1, v8  }
0x2ed: {  	v14 =	vld.idx.msk [tilespmem:v14+s12+$0x0], $0xffff;
	v1 =	vor.u32 v1, v10  }
0x2ee: {  	v52 =	vld.idx.msk [tilespmem:v11+s12+$0x0], $0xffff  }
0x2ef: {  	v53 =	vld.idx.msk [tilespmem:v15+s12+$0x0], $0xffff  }
0x2f0: {  	v2 =	vadd.f32 v18, v2;
	v9 =	vld.idx.msk [tilespmem:v9+s12+$0x0], $0xffff  }
0x2f1: {  	v5 =	vadd.f32 v19, v5;
	v54 =	vmul.f32 v6, v6;
	v4 =	vadd.f32 v21, v4;
	v8 =	vld.idx.msk [tilespmem:v8+s12+$0x0], $0xffff  }
0x2f2: {  	v55 =	vmul.f32 v7, v7;
	v3 =	vadd.f32 v20, v3;
	v2 =	vadd.f32 v12, v2;
	v1 =	vld.idx.msk [tilespmem:v1+s12+$0x0], $0xffff  }
0x2f3: {  	v5 =	vadd.f32 v17, v5;
	v56 =	vmul.f32 v16, v16;
	v57 =	vmul.f32 v13, v13  }
0x2f4: {  	v4 =	vadd.f32 v54, v4;
	v59 =	vmul.f32 v14, v14;
	v58 =	vmul.f32 v52, v52  }
0x2f5: {  	[tilespmem:s24+$0xC00] =	vst v6;
	v3 =	vadd.f32 v55, v3;
	v60 =	vmul.f32 v53, v53;
	v61 =	vmul.f32 v9, v9  }
0x2f6: {  	[tilespmem:s24+$0x1000] =	vst v7;
	s31 =	sadd.s32 $0x2000, s24;
	v2 =	vadd.f32 v56, v2;
	v62 =	vmul.f32 v8, v8;
	v5 =	vadd.f32 v58, v5  }
0x2f7: {  	[tilespmem:s31+$0xFFFFF400] =	vst v16;
	v4 =	vadd.f32 v60, v4;
	v3 =	vadd.f32 v61, v3;
	v63 =	vmul.f32 v1, v1  }
0x2f8: {  	[tilespmem:s31+$0x400] =	vst v13;
	v2 =	vadd.f32 v57, v2;
	v5 =	vadd.f32 v59, v5  }
0x2f9: {  	s22 =	sadd.s32 $0x1, s22;
	[tilespmem:s31+$0x800] =	vst v14;
	v4 =	vadd.f32 v62, v4;
	v3 =	vadd.f32 v63, v3  }
0x2fa: {  	p0 =	sne.s32 s22, $0x8;
	[tilespmem:s31+$0xFFFFF800] =	vst v52  }
.Ltmp16:
0x2fb: {  	[tilespmem:s31+$0xFFFFFC00] =	vst v53;
	v2 =	vadd.f32 v5, v2;
	v3 =	vadd.f32 v3, v4;
	(pc) =	sbr.rel @p0 .LBB2_33-.Ltmp16, $4  }
0x2fc: {  	[tilespmem:s31+$0x0] =	vst v9  }
0x2fd: {  	[tilespmem:s31+$0xC00] =	vst v8;
	v2 =	vadd.f32 v3, v2  }
0x2fe: {  	[tilespmem:s31+$0x1000] =	vst v1  }
0x2ff: {  	s21 =	sadd.s32 $0x10, s21;
	[tilespmem:s23+$0x1C400] =	vst v2  }
0x300: {  	s20 =	simm.s32 $0x1C410  }
0x301: {  	v1 =	vld [tilespmem:s20+$0x0]  }
0x302: {  	v3 =	vld [tilespmem:s20+$0xFFFFFFF0];
	_ =	sdelay $0x3  }
0x303: {  	v2 =	vadd.f32 $1.000000000e+00, v1  }
0x304: {  	s30 =	simm.s32 $0x1C430;
	v1 =	vadd.f32 $1.000000000e+00, v3  }
0x305: {  	v4 =	vld [tilespmem:s30+$0x0];
	v3 =	vshra.s32 v2, $0x1;
	v10 =	vmul.f32 $5.000000000e-01, v2  }
0x306: {  	v5 =	vsub.s32 $0x5F3759DF, v3;
	v3 =	vshra.s32 v1, $0x1  }
0x307: {  	v7 =	vld [tilespmem:s30+$0xFFFFFFF0];
	v12 =	vmul.f32 $5.000000000e-01, v1;
	v6 =	vsub.s32 $0x5F3759DF, v3;
	v3 =	vmul.f32 v5, v10;
	_ =	sdelay $0x1  }
0x308: {  	v8 =	vmul.f32 v6, v12;
	v3 =	vmul.f32 v5, v3  }
0x309: {  	v4 =	vadd.f32 $1.000000000e+00, v4  }
0x30a: {  	v8 =	vmul.f32 v6, v8;
	v9 =	vsub.f32 $1.500000000e+00, v3  }
0x30b: {  	v3 =	vadd.f32 $1.000000000e+00, v7;
	v7 =	vshra.s32 v4, $0x1  }
0x30c: {  	v11 =	vsub.f32 $1.500000000e+00, v8;
	v8 =	vmul.f32 $5.000000000e-01, v4;
	v5 =	vmul.f32 v5, v9  }
0x30d: {  	v9 =	vsub.s32 $0x5F3759DF, v7;
	v13 =	vshra.s32 v3, $0x1;
	v7 =	vmul.f32 $5.000000000e-01, v3  }
0x30e: {  	v11 =	vmul.f32 v6, v11;
	v14 =	vsub.s32 $0x5F3759DF, v13;
	v6 =	vmul.f32 v9, v8  }
0x30f: {  	s31 =	simm.s32 $0x1C450;
	v13 =	vmul.f32 v5, v10;
	v15 =	vmul.f32 v14, v7  }
0x310: {  	v17 =	vld [tilespmem:s31+$0x0];
	v16 =	vmul.f32 v11, v12;
	v6 =	vmul.f32 v9, v6  }
0x311: {  	v18 =	vld [tilespmem:s31+$0xFFFFFFF0];
	v13 =	vmul.f32 v13, v5;
	v15 =	vmul.f32 v14, v15  }
0x312: {  	v16 =	vmul.f32 v16, v11;
	v6 =	vsub.f32 $1.500000000e+00, v6  }
0x313: {  	v19 =	vsub.f32 $1.500000000e+00, v13;
	v15 =	vsub.f32 $1.500000000e+00, v15  }
0x314: {  	v16 =	vsub.f32 $1.500000000e+00, v16;
	v13 =	vmul.f32 v9, v6  }
0x315: {  	v6 =	vadd.f32 $1.000000000e+00, v17;
	v9 =	vmul.f32 v19, v5;
	v14 =	vmul.f32 v14, v15  }
0x316: {  	v5 =	vadd.f32 $1.000000000e+00, v18;
	v17 =	vmul.f32 v13, v8;
	v11 =	vmul.f32 v16, v11  }
0x317: {  	v15 =	vshra.s32 v6, $0x1;
	v16 =	vmul.f32 v14, v7;
	v18 =	vmul.f32 v9, v10  }
0x318: {  	v15 =	vsub.s32 $0x5F3759DF, v15;
	v10 =	vmul.f32 $5.000000000e-01, v6;
	v19 =	vmul.f32 v11, v12  }
0x319: {  	v20 =	vshra.s32 v5, $0x1;
	v12 =	vmul.f32 $5.000000000e-01, v5;
	v23 =	vmul.f32 v17, v13  }
0x31a: {  	s22 =	simm.s32 $0x4;
	v17 =	vsub.s32 $0x5F3759DF, v20;
	v22 =	vmul.f32 v15, v10;
	v18 =	vmul.f32 v18, v9  }
0x31b: {  	s23 =	simm.s32 $0x1C470;
	s21 =	simm.s32 $0xC290;
	s20 =	simm.s32 $0xC290;
	v21 =	vmul.f32 v17, v12;
	v20 =	vsub.f32 $1.500000000e+00, v23;
	v19 =	vmul.f32 v19, v11  }
.LBB2_37:
0x31c: {  	v23 =	vld [tilespmem:s23+$0x0];
	s22 =	sadd.s32 $0x2, s22;
	v22 =	vmul.f32 v15, v22;
	v16 =	vmul.f32 v16, v14;
	v18 =	vsub.f32 $1.500000000e+00, v18;
	s20 =	sadd.s32 $0x20, s20  }
0x31d: {  	v24 =	vld [tilespmem:s23+$0xFFFFFFF0];
	p0 =	slt.u32 s22, $0x6;
	v21 =	vmul.f32 v17, v21;
	v19 =	vsub.f32 $1.500000000e+00, v19  }
0x31e: {  	v22 =	vsub.f32 $1.500000000e+00, v22;
	v18 =	vmul.f32 v18, v9;
	v9 =	vmul.f32 v20, v13  }
0x31f: {  	v16 =	vsub.f32 $1.500000000e+00, v16;
	v20 =	vsub.f32 $1.500000000e+00, v21;
	v11 =	vmul.f32 v19, v11  }
0x320: {  	v13 =	vmul.f32 v15, v22;
	v15 =	vmul.f32 v18, v2;
	v2 =	vmovc v4;
	v4 =	vmov v6  }
0x321: {  	v6 =	vadd.f32 $1.000000000e+00, v23;
	v17 =	vmul.f32 v17, v20;
	v18 =	vmul.f32 v11, v1;
	v1 =	vmovc v3;
	v3 =	vmovc v5  }
0x322: {  	v11 =	vmul.f32 v16, v14;
	v5 =	vadd.f32 $1.000000000e+00, v24;
	v19 =	vmul.f32 v13, v10;
	[tilespmem:s21+$0x0] =	vst v15  }
.Ltmp17:
0x323: {  	v20 =	vmul.f32 v9, v8;
	v15 =	vshra.s32 v6, $0x1;
	v16 =	vmul.f32 v17, v12;
	[tilespmem:s21+$0xFFFFFFF0] =	vst v18;
	v14 =	vmovc v17;
	s21 =	smov.u32 s20;
	(pc) =	sbr.rel @p0 .LBB2_37-.Ltmp17, $4  }
0x324: {  	v8 =	vmovc v10;
	v23 =	vmul.f32 v11, v7;
	v10 =	vmul.f32 $5.000000000e-01, v6;
	v7 =	vmovc v12;
	v15 =	vsub.s32 $0x5F3759DF, v15  }
0x325: {  	v17 =	vshra.s32 v5, $0x1;
	v12 =	vmul.f32 $5.000000000e-01, v5;
	v19 =	vmul.f32 v19, v13  }
0x326: {  	v18 =	vmul.f32 v20, v9;
	v17 =	vsub.s32 $0x5F3759DF, v17;
	v22 =	vmul.f32 v15, v10  }
0x327: {  	s23 =	sadd.s32 $0x20, s23;
	v21 =	vmul.f32 v17, v12;
	v20 =	vsub.f32 $1.500000000e+00, v19;
	v19 =	vmul.f32 v23, v11  }
0x328: {  	v22 =	vmul.f32 v15, v22  }
0x329: {  	v21 =	vmul.f32 v17, v21  }
0x32a: {  	v22 =	vsub.f32 $1.500000000e+00, v22  }
0x32b: {  	v21 =	vsub.f32 $1.500000000e+00, v21  }
0x32c: {  	v50 =	vmul.f32 v15, v22  }
0x32d: {  	v51 =	vmul.f32 v17, v21  }
0x32e: {  	v52 =	vmul.f32 v50, v10  }
0x32f: {  	v16 =	vmul.f32 v16, v14;
	v53 =	vmul.f32 v51, v12  }
0x330: {  	v21 =	vmul.f32 v52, v50  }
0x331: {  	v16 =	vsub.f32 $1.500000000e+00, v16;
	v22 =	vmul.f32 v53, v51  }
0x332: {  	v13 =	vmul.f32 v20, v13;
	v54 =	vsub.f32 $1.500000000e+00, v21  }
0x333: {  	v55 =	vmul.f32 v16, v14;
	v56 =	vsub.f32 $1.500000000e+00, v22  }
0x334: {  	v8 =	vmul.f32 v13, v8;
	v15 =	vmul.f32 v54, v50  }
0x335: {  	v7 =	vmul.f32 v55, v7;
	v16 =	vmul.f32 v56, v51  }
0x336: {  	v57 =	vsub.f32 $1.500000000e+00, v18;
	v8 =	vmul.f32 v8, v13;
	v58 =	vmul.f32 v15, v10  }
0x337: {  	v59 =	vsub.f32 $1.500000000e+00, v19;
	v7 =	vmul.f32 v7, v55;
	v60 =	vmul.f32 v16, v12  }
0x338: {  	v9 =	vmul.f32 v57, v9;
	v8 =	vsub.f32 $1.500000000e+00, v8;
	v10 =	vmul.f32 v58, v15  }
0x339: {  	v11 =	vmul.f32 v59, v11;
	v7 =	vsub.f32 $1.500000000e+00, v7;
	v12 =	vmul.f32 v60, v16  }
0x33a: {  	v2 =	vmul.f32 v9, v2;
	v8 =	vmul.f32 v8, v13;
	v61 =	vsub.f32 $1.500000000e+00, v10  }
0x33b: {  	v1 =	vmul.f32 v11, v1;
	v7 =	vmul.f32 v7, v55;
	v62 =	vsub.f32 $1.500000000e+00, v12  }
0x33c: {  	[tilespmem:s21+$0x0] =	vst v2;
	v2 =	vmul.f32 v8, v4;
	v63 =	vmul.f32 v61, v15  }
0x33d: {  	s20 =	sadd.s32 $0x20, s20;
	[tilespmem:s21+$0xFFFFFFF0] =	vst v1;
	v1 =	vmul.f32 v7, v3;
	v3 =	vmul.f32 v62, v16  }
0x33e: {  	[tilespmem:s20+$0x0] =	vst v2;
	v2 =	vmul.f32 v63, v6  }
0x33f: {  	s31 =	sadd.s32 $0x20, s20;
	[tilespmem:s20+$0xFFFFFFF0] =	vst v1;
	v1 =	vmul.f32 v3, v5  }
0x340: {  	[tilespmem:s31+$0x0] =	vst v2  }
0x341: {  	[tilespmem:s31+$0xFFFFFFF0] =	vst v1  }
0x342: {  	_ =	swait.ge [sflag:s11], $0x4000  }
0x343: {  	[sflag:s11] =	ssyncset.done $0x0  }
0x344: {  	s19 =	sadd.s32 $0x1C00, s19;
	[sflag:s11] =	ssyncadd.s32 $0xFFFFC000  }
0x345: {  	[tilespmem:s12], [sflag:$0x1] =	stream.indirect.gather [hbm4b:s3+s9], $0x80, s19, s9, $0xb8;
	[tilespmem:$0x1C480] =	vst v63  }
0x346: {  	s21 =	simm.s32 $0x0;
	s20 =	simm.s32 $0xD300;
	s19 =	simm.s32 $0x0  }
.LBB2_39:
0x347: {  	s22 =	sshll.u32 s21, $0x4;
	v2 =	vimm.f32 $0.0e+00;
	v3 =	vmov s19;
	s23 =	simm.s32 $0x4;
	s24 =	simm.s32 $0x5  }
0x348: {  	s25 =	simm.s32 $0x6;
	s28 =	simm.s32 $0x7;
	v1 =	vmov s22;
	v4 =	vmov s23;
	v5 =	vmov s24  }
0x349: {  	s29 =	simm.s32 $0x1;
	s30 =	simm.s32 $0x2;
	s31 =	simm.s32 $0x3;
	v6 =	vmov s25;
	v7 =	vmov s28;
	v3 =	vand.u32 $0x78, v3  }
0x34a: {  	s26 =	simm.s32 $0xD;
	v8 =	vmov s29;
	v9 =	vmov s30;
	v10 =	vmov s31  }
0x34b: {  	v13 =	vmov s26;
	v1 =	vshll.u32 v1, $0x7;
	v4 =	vand.u32 $0x7C, v4  }
0x34c: {  	v3 =	vbroadcast v3, $0x0;
	v5 =	vand.u32 $0x7D, v5;
	v8 =	vand.u32 $0x79, v8  }
0x34d: {  	v9 =	vand.u32 $0x7A, v9;
	v1 =	vor.u32 v0, v1;
	v4 =	vbroadcast v4, $0x0  }
0x34e: {  	v10 =	vand.u32 $0x7B, v10;
	v5 =	vbroadcast v5, $0x0;
	v3 =	vor.u32 v1, v3  }
0x34f: {  	v6 =	vand.u32 $0x7E, v6;
	v8 =	vbroadcast v8, $0x0;
	v4 =	vor.u32 v1, v4  }
0x350: {  	s24 =	simm.s32 $0x8;
	v7 =	vand.u32 $0x7F, v7;
	v9 =	vbroadcast v9, $0x0;
	v5 =	vor.u32 v1, v5  }
0x351: {  	s25 =	simm.s32 $0xC;
	v11 =	vmov s24;
	v10 =	vbroadcast v10, $0x0;
	v8 =	vor.u32 v1, v8  }
0x352: {  	s28 =	simm.s32 $0xE;
	v12 =	vmov s25;
	v6 =	vbroadcast v6, $0x0;
	v9 =	vor.u32 v1, v9  }
0x353: {  	s29 =	simm.s32 $0xF;
	s30 =	simm.s32 $0x9;
	v14 =	vmov s28;
	v7 =	vbroadcast v7, $0x0;
	v10 =	vor.u32 v1, v10;
	v3 =	vld.idx.msk [tilespmem:v3+s10+$0x0], $0xffff  }
0x354: {  	s26 =	simm.s32 $0xA;
	v16 =	vmov s29;
	v15 =	vmov s30;
	v6 =	vor.u32 v1, v6;
	v4 =	vld.idx.msk [tilespmem:v4+s10+$0x0], $0xffff  }
0x355: {  	v17 =	vmov s26;
	v13 =	vand.u32 $0x7D, v13;
	v7 =	vor.u32 v1, v7;
	v5 =	vld.idx.msk [tilespmem:v5+s10+$0x0], $0xffff  }
0x356: {  	s31 =	simm.s32 $0xB;
	v11 =	vand.u32 $0x78, v11;
	v12 =	vand.u32 $0x7C, v12;
	v14 =	vand.u32 $0x7E, v14;
	v19 =	vld.idx.msk [tilespmem:v8+s10+$0x0], $0xffff  }
0x357: {  	v21 =	vbroadcast v13, $0x0;
	v18 =	vbroadcast v11, $0x0;
	v8 =	vmov s31;
	v20 =	vld.idx.msk [tilespmem:v9+s10+$0x0], $0xffff  }
0x358: {  	v9 =	vand.u32 $0x79, v15;
	v22 =	vld.idx.msk [tilespmem:v10+s10+$0x0], $0xffff;
	v10 =	vand.u32 $0x7A, v17;
	v17 =	vbroadcast v12, $0x0  }
0x359: {  	v6 =	vld.idx.msk [tilespmem:v6+s10+$0x0], $0xffff;
	v11 =	vbroadcast v9, $0x0;
	v9 =	vand.u32 $0x7B, v8;
	v8 =	vbroadcast v14, $0x0;
	[tilespmem:s20+$0xFFFFF400] =	vst v3  }
0x35a: {  	v7 =	vld.idx.msk [tilespmem:v7+s10+$0x0], $0xffff;
	v15 =	vbroadcast v10, $0x0;
	v10 =	vand.u32 $0x7F, v16;
	v16 =	vor.u32 v1, v18;
	[tilespmem:s20+$0x400] =	vst v4  }
0x35b: {  	v14 =	vor.u32 v1, v21;
	v9 =	vbroadcast v9, $0x0;
	v18 =	vmul.f32 v3, v3;
	[tilespmem:s20+$0x800] =	vst v5  }
0x35c: {  	v13 =	vor.u32 v1, v17;
	v12 =	vmul.f32 v4, v4;
	[tilespmem:s20+$0xFFFFF800] =	vst v19;
	v19 =	vmul.f32 v19, v19  }
0x35d: {  	v3 =	vimm.f32 $0.0e+00;
	v17 =	vmul.f32 v5, v5;
	[tilespmem:s20+$0xFFFFFC00] =	vst v20;
	v21 =	vmul.f32 v20, v20  }
0x35e: {  	s23 =	smov.u32 s20;
	s24 =	simm.s32 $0x10;
	v20 =	vmul.f32 v22, v22;
	[tilespmem:s20+$0x0] =	vst v22;
	v5 =	vimm.f32 $0.0e+00;
	v4 =	vimm.f32 $0.0e+00  }
.LBB2_40:
0x35f: {  	p0 =	slt.u32 s24, $0x38;
	v2 =	vadd.f32 v18, v2;
	v5 =	vadd.f32 v19, v5;
	[tilespmem:s23+$0xC00] =	vst v6;
	v6 =	vmul.f32 v6, v6  }
0x360: {  	v4 =	vadd.f32 v21, v4;
	v3 =	vadd.f32 v20, v3;
	[tilespmem:s23+$0x1000] =	vst v7;
	v7 =	vmul.f32 v7, v7  }
0x361: {  	v11 =	vor.u32 v1, v11;
	v2 =	vadd.f32 v12, v2;
	v5 =	vadd.f32 v17, v5  }
0x362: {  	v12 =	vor.u32 v1, v15;
	v4 =	vadd.f32 v6, v4;
	v3 =	vadd.f32 v7, v3  }
0x363: {  	s25 =	sadd.s32 $0x4, s24;
	s26 =	sadd.s32 $0x5, s24;
	v6 =	vmov s24;
	v7 =	vor.u32 v1, v9;
	v9 =	vbroadcast v10, $0x0;
	v17 =	vld.idx.msk [tilespmem:v16+s10+$0x0], $0xffff  }
0x364: {  	v8 =	vor.u32 v1, v8;
	v15 =	vmov s26;
	s26 =	sadd.s32 $0x7, s24;
	v10 =	vmov s25;
	s25 =	sadd.s32 $0x6, s24;
	v13 =	vld.idx.msk [tilespmem:v13+s10+$0x0], $0xffff  }
0x365: {  	s28 =	sadd.s32 $0x1, s24;
	s29 =	sadd.s32 $0x2, s24;
	v18 =	vmov s26;
	v16 =	vmov s25;
	v9 =	vor.u32 v1, v9;
	v14 =	vld.idx.msk [tilespmem:v14+s10+$0x0], $0xffff  }
0x366: {  	v19 =	vmov s28;
	v20 =	vmov s29;
	v6 =	vand.u32 $0x78, v6;
	s25 =	sadd.s32 $0x3, s24;
	v21 =	vld.idx.msk [tilespmem:v11+s10+$0x0], $0xffff  }
0x367: {  	v10 =	vand.u32 $0x7C, v10;
	v22 =	vmov s25;
	v11 =	vand.u32 $0x7D, v15;
	v23 =	vld.idx.msk [tilespmem:v12+s10+$0x0], $0xffff  }
0x368: {  	s23 =	sadd.s32 $0x2000, s23;
	v16 =	vand.u32 $0x7E, v16;
	v15 =	vand.u32 $0x79, v19;
	v12 =	vbroadcast v6, $0x0;
	v24 =	vld.idx.msk [tilespmem:v7+s10+$0x0], $0xffff  }
0x369: {  	v19 =	vand.u32 $0x7A, v20;
	v20 =	vbroadcast v10, $0x0;
	v25 =	vbroadcast v11, $0x0;
	[tilespmem:s23+$0xFFFFF400] =	vst v17;
	v6 =	vld.idx.msk [tilespmem:v8+s10+$0x0], $0xffff  }
.Ltmp18:
0x36a: {  	v10 =	vand.u32 $0x7B, v22;
	v11 =	vbroadcast v15, $0x0;
	v8 =	vbroadcast v16, $0x0;
	v7 =	vld.idx.msk [tilespmem:v9+s10+$0x0], $0xffff;
	[tilespmem:s23+$0x400] =	vst v13;
	(pc) =	sbr.rel @p0 .LBB2_40-.Ltmp18, $4  }
0x36b: {  	v15 =	vbroadcast v19, $0x0;
	v9 =	vbroadcast v10, $0x0;
	v10 =	vand.u32 $0x7F, v18;
	[tilespmem:s23+$0x800] =	vst v14  }
0x36c: {  	v16 =	vor.u32 v1, v12;
	v12 =	vmul.f32 v13, v13;
	v18 =	vmul.f32 v17, v17;
	[tilespmem:s23+$0xFFFFF800] =	vst v21  }
0x36d: {  	v13 =	vor.u32 v1, v20;
	v17 =	vmul.f32 v14, v14;
	v19 =	vmul.f32 v21, v21;
	[tilespmem:s23+$0xFFFFFC00] =	vst v23  }
0x36e: {  	s24 =	sadd.s32 $0x8, s24;
	v14 =	vor.u32 v1, v25;
	v21 =	vmul.f32 v23, v23;
	v20 =	vmul.f32 v24, v24;
	[tilespmem:s23+$0x0] =	vst v24  }
0x36f: {  	_ =	sdelay $0x1  }
0x370: {  	v11 =	vor.u32 v1, v11  }
0x371: {  	v15 =	vor.u32 v1, v15  }
0x372: {  	v16 =	vld.idx.msk [tilespmem:v16+s10+$0x0], $0xffff;
	v9 =	vor.u32 v1, v9;
	v10 =	vbroadcast v10, $0x0  }
0x373: {  	v13 =	vld.idx.msk [tilespmem:v13+s10+$0x0], $0xffff;
	v8 =	vor.u32 v1, v8  }
0x374: {  	v14 =	vld.idx.msk [tilespmem:v14+s10+$0x0], $0xffff;
	v1 =	vor.u32 v1, v10  }
0x375: {  	v52 =	vld.idx.msk [tilespmem:v11+s10+$0x0], $0xffff  }
0x376: {  	v53 =	vld.idx.msk [tilespmem:v15+s10+$0x0], $0xffff  }
0x377: {  	v2 =	vadd.f32 v18, v2;
	v9 =	vld.idx.msk [tilespmem:v9+s10+$0x0], $0xffff  }
0x378: {  	v5 =	vadd.f32 v19, v5;
	v54 =	vmul.f32 v6, v6;
	v4 =	vadd.f32 v21, v4;
	v8 =	vld.idx.msk [tilespmem:v8+s10+$0x0], $0xffff  }
0x379: {  	v55 =	vmul.f32 v7, v7;
	v3 =	vadd.f32 v20, v3;
	v2 =	vadd.f32 v12, v2;
	v1 =	vld.idx.msk [tilespmem:v1+s10+$0x0], $0xffff  }
0x37a: {  	v5 =	vadd.f32 v17, v5;
	v56 =	vmul.f32 v16, v16;
	v57 =	vmul.f32 v13, v13  }
0x37b: {  	v4 =	vadd.f32 v54, v4;
	v59 =	vmul.f32 v14, v14;
	v58 =	vmul.f32 v52, v52  }
0x37c: {  	[tilespmem:s23+$0xC00] =	vst v6;
	v3 =	vadd.f32 v55, v3;
	v60 =	vmul.f32 v53, v53;
	v61 =	vmul.f32 v9, v9  }
0x37d: {  	[tilespmem:s23+$0x1000] =	vst v7;
	s31 =	sadd.s32 $0x2000, s23;
	v2 =	vadd.f32 v56, v2;
	v62 =	vmul.f32 v8, v8;
	v5 =	vadd.f32 v58, v5  }
0x37e: {  	[tilespmem:s31+$0xFFFFF400] =	vst v16;
	v4 =	vadd.f32 v60, v4;
	v3 =	vadd.f32 v61, v3;
	v63 =	vmul.f32 v1, v1  }
0x37f: {  	[tilespmem:s31+$0x400] =	vst v13;
	v2 =	vadd.f32 v57, v2;
	v5 =	vadd.f32 v59, v5  }
0x380: {  	s21 =	sadd.s32 $0x1, s21;
	[tilespmem:s31+$0x800] =	vst v14;
	v4 =	vadd.f32 v62, v4;
	v3 =	vadd.f32 v63, v3  }
0x381: {  	p0 =	sne.s32 s21, $0x8;
	[tilespmem:s31+$0xFFFFF800] =	vst v52  }
.Ltmp19:
0x382: {  	[tilespmem:s31+$0xFFFFFC00] =	vst v53;
	v2 =	vadd.f32 v5, v2;
	v3 =	vadd.f32 v3, v4;
	(pc) =	sbr.rel @p0 .LBB2_39-.Ltmp19, $4  }
0x383: {  	[tilespmem:s31+$0x0] =	vst v9  }
0x384: {  	[tilespmem:s31+$0xC00] =	vst v8;
	v2 =	vadd.f32 v3, v2  }
0x385: {  	[tilespmem:s31+$0x1000] =	vst v1  }
0x386: {  	s20 =	sadd.s32 $0x10, s20;
	[tilespmem:s22+$0x1C400] =	vst v2  }
0x387: {  	s19 =	simm.s32 $0x1C410  }
0x388: {  	v1 =	vld [tilespmem:s19+$0x0]  }
0x389: {  	v3 =	vld [tilespmem:s19+$0xFFFFFFF0];
	_ =	sdelay $0x3  }
0x38a: {  	v2 =	vadd.f32 $1.000000000e+00, v1  }
0x38b: {  	s30 =	simm.s32 $0x1C430;
	v1 =	vadd.f32 $1.000000000e+00, v3  }
0x38c: {  	v4 =	vld [tilespmem:s30+$0x0];
	v3 =	vshra.s32 v2, $0x1;
	v10 =	vmul.f32 $5.000000000e-01, v2  }
0x38d: {  	v5 =	vsub.s32 $0x5F3759DF, v3;
	v3 =	vshra.s32 v1, $0x1  }
0x38e: {  	v7 =	vld [tilespmem:s30+$0xFFFFFFF0];
	v12 =	vmul.f32 $5.000000000e-01, v1;
	v6 =	vsub.s32 $0x5F3759DF, v3;
	v3 =	vmul.f32 v5, v10;
	_ =	sdelay $0x1  }
0x38f: {  	v8 =	vmul.f32 v6, v12;
	v3 =	vmul.f32 v5, v3  }
0x390: {  	v4 =	vadd.f32 $1.000000000e+00, v4  }
0x391: {  	v8 =	vmul.f32 v6, v8;
	v9 =	vsub.f32 $1.500000000e+00, v3  }
0x392: {  	v3 =	vadd.f32 $1.000000000e+00, v7;
	v7 =	vshra.s32 v4, $0x1  }
0x393: {  	v11 =	vsub.f32 $1.500000000e+00, v8;
	v8 =	vmul.f32 $5.000000000e-01, v4;
	v5 =	vmul.f32 v5, v9  }
0x394: {  	v9 =	vsub.s32 $0x5F3759DF, v7;
	v13 =	vshra.s32 v3, $0x1;
	v7 =	vmul.f32 $5.000000000e-01, v3  }
0x395: {  	v11 =	vmul.f32 v6, v11;
	v14 =	vsub.s32 $0x5F3759DF, v13;
	v6 =	vmul.f32 v9, v8  }
0x396: {  	s31 =	simm.s32 $0x1C450;
	v13 =	vmul.f32 v5, v10;
	v15 =	vmul.f32 v14, v7  }
0x397: {  	v17 =	vld [tilespmem:s31+$0x0];
	v16 =	vmul.f32 v11, v12;
	v6 =	vmul.f32 v9, v6  }
0x398: {  	v18 =	vld [tilespmem:s31+$0xFFFFFFF0];
	v13 =	vmul.f32 v13, v5;
	v15 =	vmul.f32 v14, v15  }
0x399: {  	v16 =	vmul.f32 v16, v11;
	v6 =	vsub.f32 $1.500000000e+00, v6  }
0x39a: {  	v19 =	vsub.f32 $1.500000000e+00, v13;
	v15 =	vsub.f32 $1.500000000e+00, v15  }
0x39b: {  	v16 =	vsub.f32 $1.500000000e+00, v16;
	v13 =	vmul.f32 v9, v6  }
0x39c: {  	v6 =	vadd.f32 $1.000000000e+00, v17;
	v9 =	vmul.f32 v19, v5;
	v14 =	vmul.f32 v14, v15  }
0x39d: {  	v5 =	vadd.f32 $1.000000000e+00, v18;
	v17 =	vmul.f32 v13, v8;
	v11 =	vmul.f32 v16, v11  }
0x39e: {  	v15 =	vshra.s32 v6, $0x1;
	v16 =	vmul.f32 v14, v7;
	v18 =	vmul.f32 v9, v10  }
0x39f: {  	v15 =	vsub.s32 $0x5F3759DF, v15;
	v10 =	vmul.f32 $5.000000000e-01, v6;
	v19 =	vmul.f32 v11, v12  }
0x3a0: {  	v20 =	vshra.s32 v5, $0x1;
	v12 =	vmul.f32 $5.000000000e-01, v5;
	v23 =	vmul.f32 v17, v13  }
0x3a1: {  	s21 =	simm.s32 $0x4;
	v17 =	vsub.s32 $0x5F3759DF, v20;
	v22 =	vmul.f32 v15, v10;
	v18 =	vmul.f32 v18, v9  }
0x3a2: {  	s22 =	simm.s32 $0x1C470;
	s20 =	simm.s32 $0xC310;
	s19 =	simm.s32 $0xC310;
	v21 =	vmul.f32 v17, v12;
	v20 =	vsub.f32 $1.500000000e+00, v23;
	v19 =	vmul.f32 v19, v11  }
.LBB2_43:
0x3a3: {  	v23 =	vld [tilespmem:s22+$0x0];
	s21 =	sadd.s32 $0x2, s21;
	v22 =	vmul.f32 v15, v22;
	v16 =	vmul.f32 v16, v14;
	v18 =	vsub.f32 $1.500000000e+00, v18;
	s19 =	sadd.s32 $0x20, s19  }
0x3a4: {  	v24 =	vld [tilespmem:s22+$0xFFFFFFF0];
	p0 =	slt.u32 s21, $0x6;
	v21 =	vmul.f32 v17, v21;
	v19 =	vsub.f32 $1.500000000e+00, v19  }
0x3a5: {  	v22 =	vsub.f32 $1.500000000e+00, v22;
	v18 =	vmul.f32 v18, v9;
	v9 =	vmul.f32 v20, v13  }
0x3a6: {  	v16 =	vsub.f32 $1.500000000e+00, v16;
	v20 =	vsub.f32 $1.500000000e+00, v21;
	v11 =	vmul.f32 v19, v11  }
0x3a7: {  	v13 =	vmul.f32 v15, v22;
	v15 =	vmul.f32 v18, v2;
	v2 =	vmovc v4;
	v4 =	vmov v6  }
0x3a8: {  	v6 =	vadd.f32 $1.000000000e+00, v23;
	v17 =	vmul.f32 v17, v20;
	v18 =	vmul.f32 v11, v1;
	v1 =	vmovc v3;
	v3 =	vmovc v5  }
0x3a9: {  	v11 =	vmul.f32 v16, v14;
	v5 =	vadd.f32 $1.000000000e+00, v24;
	v19 =	vmul.f32 v13, v10;
	[tilespmem:s20+$0x0] =	vst v15  }
.Ltmp20:
0x3aa: {  	v20 =	vmul.f32 v9, v8;
	v15 =	vshra.s32 v6, $0x1;
	v16 =	vmul.f32 v17, v12;
	[tilespmem:s20+$0xFFFFFFF0] =	vst v18;
	v14 =	vmovc v17;
	s20 =	smov.u32 s19;
	(pc) =	sbr.rel @p0 .LBB2_43-.Ltmp20, $4  }
0x3ab: {  	v8 =	vmovc v10;
	v23 =	vmul.f32 v11, v7;
	v10 =	vmul.f32 $5.000000000e-01, v6;
	v7 =	vmovc v12;
	v15 =	vsub.s32 $0x5F3759DF, v15  }
0x3ac: {  	v17 =	vshra.s32 v5, $0x1;
	v12 =	vmul.f32 $5.000000000e-01, v5;
	v19 =	vmul.f32 v19, v13  }
0x3ad: {  	v18 =	vmul.f32 v20, v9;
	v17 =	vsub.s32 $0x5F3759DF, v17;
	v22 =	vmul.f32 v15, v10  }
0x3ae: {  	s22 =	sadd.s32 $0x20, s22;
	v21 =	vmul.f32 v17, v12;
	v20 =	vsub.f32 $1.500000000e+00, v19;
	v19 =	vmul.f32 v23, v11  }
0x3af: {  	v22 =	vmul.f32 v15, v22  }
0x3b0: {  	v21 =	vmul.f32 v17, v21  }
0x3b1: {  	v22 =	vsub.f32 $1.500000000e+00, v22  }
0x3b2: {  	v21 =	vsub.f32 $1.500000000e+00, v21  }
0x3b3: {  	v50 =	vmul.f32 v15, v22  }
0x3b4: {  	v51 =	vmul.f32 v17, v21  }
0x3b5: {  	v52 =	vmul.f32 v50, v10  }
0x3b6: {  	v16 =	vmul.f32 v16, v14;
	v53 =	vmul.f32 v51, v12  }
0x3b7: {  	v21 =	vmul.f32 v52, v50  }
0x3b8: {  	v16 =	vsub.f32 $1.500000000e+00, v16;
	v22 =	vmul.f32 v53, v51  }
0x3b9: {  	v13 =	vmul.f32 v20, v13;
	v54 =	vsub.f32 $1.500000000e+00, v21  }
0x3ba: {  	v55 =	vmul.f32 v16, v14;
	v56 =	vsub.f32 $1.500000000e+00, v22  }
0x3bb: {  	v8 =	vmul.f32 v13, v8;
	v15 =	vmul.f32 v54, v50  }
0x3bc: {  	v7 =	vmul.f32 v55, v7;
	v16 =	vmul.f32 v56, v51  }
0x3bd: {  	v57 =	vsub.f32 $1.500000000e+00, v18;
	v8 =	vmul.f32 v8, v13;
	v58 =	vmul.f32 v15, v10  }
0x3be: {  	v59 =	vsub.f32 $1.500000000e+00, v19;
	v7 =	vmul.f32 v7, v55;
	v60 =	vmul.f32 v16, v12  }
0x3bf: {  	v9 =	vmul.f32 v57, v9;
	v8 =	vsub.f32 $1.500000000e+00, v8;
	v10 =	vmul.f32 v58, v15  }
0x3c0: {  	v11 =	vmul.f32 v59, v11;
	v7 =	vsub.f32 $1.500000000e+00, v7;
	v12 =	vmul.f32 v60, v16  }
0x3c1: {  	v2 =	vmul.f32 v9, v2;
	v8 =	vmul.f32 v8, v13;
	v61 =	vsub.f32 $1.500000000e+00, v10  }
0x3c2: {  	v1 =	vmul.f32 v11, v1;
	v7 =	vmul.f32 v7, v55;
	v62 =	vsub.f32 $1.500000000e+00, v12  }
0x3c3: {  	[tilespmem:s20+$0x0] =	vst v2;
	v2 =	vmul.f32 v8, v4;
	v63 =	vmul.f32 v61, v15  }
0x3c4: {  	s19 =	sadd.s32 $0x20, s19;
	[tilespmem:s20+$0xFFFFFFF0] =	vst v1;
	v1 =	vmul.f32 v7, v3;
	v3 =	vmul.f32 v62, v16  }
0x3c5: {  	[tilespmem:s19+$0x0] =	vst v2;
	v2 =	vmul.f32 v63, v6  }
0x3c6: {  	s31 =	sadd.s32 $0x20, s19;
	[tilespmem:s19+$0xFFFFFFF0] =	vst v1;
	v1 =	vmul.f32 v3, v5  }
0x3c7: {  	[tilespmem:s31+$0x0] =	vst v2  }
0x3c8: {  	[tilespmem:s31+$0xFFFFFFF0] =	vst v1  }
0x3c9: {  	_ =	swait.ge [sflag:s11], $0x4000  }
0x3ca: {  	s21 =	simm.s32 $0x0;
	[sflag:s11] =	ssyncset.done $0x0  }
0x3cb: {  	s20 =	simm.s32 $0xD380;
	s19 =	simm.s32 $0x0;
	[sflag:s11] =	ssyncadd.s32 $0xFFFFC000  }
.LBB2_45:
0x3cc: {  	s22 =	sshll.u32 s21, $0x4;
	v2 =	vimm.f32 $0.0e+00;
	v3 =	vmov s19;
	s23 =	simm.s32 $0x4;
	s24 =	simm.s32 $0x5  }
0x3cd: {  	s25 =	simm.s32 $0x6;
	s28 =	simm.s32 $0x7;
	v1 =	vmov s22;
	v4 =	vmov s23;
	v5 =	vmov s24  }
0x3ce: {  	s29 =	simm.s32 $0x1;
	s30 =	simm.s32 $0x2;
	s31 =	simm.s32 $0x3;
	v6 =	vmov s25;
	v7 =	vmov s28;
	v3 =	vand.u32 $0x78, v3  }
0x3cf: {  	s26 =	simm.s32 $0xD;
	v8 =	vmov s29;
	v9 =	vmov s30;
	v10 =	vmov s31  }
0x3d0: {  	v13 =	vmov s26;
	v1 =	vshll.u32 v1, $0x7;
	v4 =	vand.u32 $0x7C, v4  }
0x3d1: {  	v3 =	vbroadcast v3, $0x0;
	v5 =	vand.u32 $0x7D, v5;
	v8 =	vand.u32 $0x79, v8  }
0x3d2: {  	v9 =	vand.u32 $0x7A, v9;
	v1 =	vor.u32 v0, v1;
	v4 =	vbroadcast v4, $0x0  }
0x3d3: {  	v10 =	vand.u32 $0x7B, v10;
	v5 =	vbroadcast v5, $0x0;
	v3 =	vor.u32 v1, v3  }
0x3d4: {  	v6 =	vand.u32 $0x7E, v6;
	v8 =	vbroadcast v8, $0x0;
	v4 =	vor.u32 v1, v4  }
0x3d5: {  	s24 =	simm.s32 $0x8;
	v7 =	vand.u32 $0x7F, v7;
	v9 =	vbroadcast v9, $0x0;
	v5 =	vor.u32 v1, v5  }
0x3d6: {  	s25 =	simm.s32 $0xC;
	v11 =	vmov s24;
	v10 =	vbroadcast v10, $0x0;
	v8 =	vor.u32 v1, v8  }
0x3d7: {  	s28 =	simm.s32 $0xE;
	v12 =	vmov s25;
	v6 =	vbroadcast v6, $0x0;
	v9 =	vor.u32 v1, v9  }
0x3d8: {  	s29 =	simm.s32 $0xF;
	s30 =	simm.s32 $0x9;
	v14 =	vmov s28;
	v7 =	vbroadcast v7, $0x0;
	v10 =	vor.u32 v1, v10;
	v3 =	vld.idx.msk [tilespmem:v3+s12+$0x0], $0xffff  }
0x3d9: {  	s26 =	simm.s32 $0xA;
	v16 =	vmov s29;
	v15 =	vmov s30;
	v6 =	vor.u32 v1, v6;
	v4 =	vld.idx.msk [tilespmem:v4+s12+$0x0], $0xffff  }
0x3da: {  	v17 =	vmov s26;
	v13 =	vand.u32 $0x7D, v13;
	v7 =	vor.u32 v1, v7;
	v5 =	vld.idx.msk [tilespmem:v5+s12+$0x0], $0xffff  }
0x3db: {  	s31 =	simm.s32 $0xB;
	v11 =	vand.u32 $0x78, v11;
	v12 =	vand.u32 $0x7C, v12;
	v14 =	vand.u32 $0x7E, v14;
	v19 =	vld.idx.msk [tilespmem:v8+s12+$0x0], $0xffff  }
0x3dc: {  	v21 =	vbroadcast v13, $0x0;
	v18 =	vbroadcast v11, $0x0;
	v8 =	vmov s31;
	v20 =	vld.idx.msk [tilespmem:v9+s12+$0x0], $0xffff  }
0x3dd: {  	v9 =	vand.u32 $0x79, v15;
	v22 =	vld.idx.msk [tilespmem:v10+s12+$0x0], $0xffff;
	v10 =	vand.u32 $0x7A, v17;
	v17 =	vbroadcast v12, $0x0  }
0x3de: {  	v6 =	vld.idx.msk [tilespmem:v6+s12+$0x0], $0xffff;
	v11 =	vbroadcast v9, $0x0;
	v9 =	vand.u32 $0x7B, v8;
	v8 =	vbroadcast v14, $0x0;
	[tilespmem:s20+$0xFFFFF400] =	vst v3  }
0x3df: {  	v7 =	vld.idx.msk [tilespmem:v7+s12+$0x0], $0xffff;
	v15 =	vbroadcast v10, $0x0;
	v10 =	vand.u32 $0x7F, v16;
	v16 =	vor.u32 v1, v18;
	[tilespmem:s20+$0x400] =	vst v4  }
0x3e0: {  	v14 =	vor.u32 v1, v21;
	v9 =	vbroadcast v9, $0x0;
	v18 =	vmul.f32 v3, v3;
	[tilespmem:s20+$0x800] =	vst v5  }
0x3e1: {  	v13 =	vor.u32 v1, v17;
	v12 =	vmul.f32 v4, v4;
	[tilespmem:s20+$0xFFFFF800] =	vst v19;
	v19 =	vmul.f32 v19, v19  }
0x3e2: {  	v3 =	vimm.f32 $0.0e+00;
	v17 =	vmul.f32 v5, v5;
	[tilespmem:s20+$0xFFFFFC00] =	vst v20;
	v21 =	vmul.f32 v20, v20  }
0x3e3: {  	s23 =	smov.u32 s20;
	s24 =	simm.s32 $0x10;
	v20 =	vmul.f32 v22, v22;
	[tilespmem:s20+$0x0] =	vst v22;
	v5 =	vimm.f32 $0.0e+00;
	v4 =	vimm.f32 $0.0e+00  }
.LBB2_46:
0x3e4: {  	p0 =	slt.u32 s24, $0x38;
	v2 =	vadd.f32 v18, v2;
	v5 =	vadd.f32 v19, v5;
	[tilespmem:s23+$0xC00] =	vst v6;
	v6 =	vmul.f32 v6, v6  }
0x3e5: {  	v4 =	vadd.f32 v21, v4;
	v3 =	vadd.f32 v20, v3;
	[tilespmem:s23+$0x1000] =	vst v7;
	v7 =	vmul.f32 v7, v7  }
0x3e6: {  	v11 =	vor.u32 v1, v11;
	v2 =	vadd.f32 v12, v2;
	v5 =	vadd.f32 v17, v5  }
0x3e7: {  	v12 =	vor.u32 v1, v15;
	v4 =	vadd.f32 v6, v4;
	v3 =	vadd.f32 v7, v3  }
0x3e8: {  	s25 =	sadd.s32 $0x4, s24;
	s26 =	sadd.s32 $0x5, s24;
	v6 =	vmov s24;
	v7 =	vor.u32 v1, v9;
	v9 =	vbroadcast v10, $0x0;
	v17 =	vld.idx.msk [tilespmem:v16+s12+$0x0], $0xffff  }
0x3e9: {  	v8 =	vor.u32 v1, v8;
	v15 =	vmov s26;
	s26 =	sadd.s32 $0x7, s24;
	v10 =	vmov s25;
	s25 =	sadd.s32 $0x6, s24;
	v13 =	vld.idx.msk [tilespmem:v13+s12+$0x0], $0xffff  }
0x3ea: {  	s28 =	sadd.s32 $0x1, s24;
	s29 =	sadd.s32 $0x2, s24;
	v18 =	vmov s26;
	v16 =	vmov s25;
	v9 =	vor.u32 v1, v9;
	v14 =	vld.idx.msk [tilespmem:v14+s12+$0x0], $0xffff  }
0x3eb: {  	v19 =	vmov s28;
	v20 =	vmov s29;
	v6 =	vand.u32 $0x78, v6;
	s25 =	sadd.s32 $0x3, s24;
	v21 =	vld.idx.msk [tilespmem:v11+s12+$0x0], $0xffff  }
0x3ec: {  	v10 =	vand.u32 $0x7C, v10;
	v22 =	vmov s25;
	v11 =	vand.u32 $0x7D, v15;
	v23 =	vld.idx.msk [tilespmem:v12+s12+$0x0], $0xffff  }
0x3ed: {  	s23 =	sadd.s32 $0x2000, s23;
	v16 =	vand.u32 $0x7E, v16;
	v15 =	vand.u32 $0x79, v19;
	v12 =	vbroadcast v6, $0x0;
	v24 =	vld.idx.msk [tilespmem:v7+s12+$0x0], $0xffff  }
0x3ee: {  	v19 =	vand.u32 $0x7A, v20;
	v20 =	vbroadcast v10, $0x0;
	v25 =	vbroadcast v11, $0x0;
	[tilespmem:s23+$0xFFFFF400] =	vst v17;
	v6 =	vld.idx.msk [tilespmem:v8+s12+$0x0], $0xffff  }
.Ltmp21:
0x3ef: {  	v10 =	vand.u32 $0x7B, v22;
	v11 =	vbroadcast v15, $0x0;
	v8 =	vbroadcast v16, $0x0;
	v7 =	vld.idx.msk [tilespmem:v9+s12+$0x0], $0xffff;
	[tilespmem:s23+$0x400] =	vst v13;
	(pc) =	sbr.rel @p0 .LBB2_46-.Ltmp21, $4  }
0x3f0: {  	v15 =	vbroadcast v19, $0x0;
	v9 =	vbroadcast v10, $0x0;
	v10 =	vand.u32 $0x7F, v18;
	[tilespmem:s23+$0x800] =	vst v14  }
0x3f1: {  	v16 =	vor.u32 v1, v12;
	v12 =	vmul.f32 v13, v13;
	v18 =	vmul.f32 v17, v17;
	[tilespmem:s23+$0xFFFFF800] =	vst v21  }
0x3f2: {  	v13 =	vor.u32 v1, v20;
	v17 =	vmul.f32 v14, v14;
	v19 =	vmul.f32 v21, v21;
	[tilespmem:s23+$0xFFFFFC00] =	vst v23  }
0x3f3: {  	s24 =	sadd.s32 $0x8, s24;
	v14 =	vor.u32 v1, v25;
	v21 =	vmul.f32 v23, v23;
	v20 =	vmul.f32 v24, v24;
	[tilespmem:s23+$0x0] =	vst v24  }
0x3f4: {  	_ =	sdelay $0x1  }
0x3f5: {  	v11 =	vor.u32 v1, v11  }
0x3f6: {  	v15 =	vor.u32 v1, v15  }
0x3f7: {  	v16 =	vld.idx.msk [tilespmem:v16+s12+$0x0], $0xffff;
	v9 =	vor.u32 v1, v9;
	v10 =	vbroadcast v10, $0x0  }
0x3f8: {  	v13 =	vld.idx.msk [tilespmem:v13+s12+$0x0], $0xffff;
	v8 =	vor.u32 v1, v8  }
0x3f9: {  	v14 =	vld.idx.msk [tilespmem:v14+s12+$0x0], $0xffff;
	v1 =	vor.u32 v1, v10  }
0x3fa: {  	v52 =	vld.idx.msk [tilespmem:v11+s12+$0x0], $0xffff  }
0x3fb: {  	v53 =	vld.idx.msk [tilespmem:v15+s12+$0x0], $0xffff  }
0x3fc: {  	v2 =	vadd.f32 v18, v2;
	v9 =	vld.idx.msk [tilespmem:v9+s12+$0x0], $0xffff  }
0x3fd: {  	v5 =	vadd.f32 v19, v5;
	v54 =	vmul.f32 v6, v6;
	v4 =	vadd.f32 v21, v4;
	v8 =	vld.idx.msk [tilespmem:v8+s12+$0x0], $0xffff  }
0x3fe: {  	v55 =	vmul.f32 v7, v7;
	v3 =	vadd.f32 v20, v3;
	v2 =	vadd.f32 v12, v2;
	v1 =	vld.idx.msk [tilespmem:v1+s12+$0x0], $0xffff  }
0x3ff: {  	v5 =	vadd.f32 v17, v5;
	v56 =	vmul.f32 v16, v16;
	v57 =	vmul.f32 v13, v13  }
0x400: {  	v4 =	vadd.f32 v54, v4;
	v59 =	vmul.f32 v14, v14;
	v58 =	vmul.f32 v52, v52  }
0x401: {  	[tilespmem:s23+$0xC00] =	vst v6;
	v3 =	vadd.f32 v55, v3;
	v60 =	vmul.f32 v53, v53;
	v61 =	vmul.f32 v9, v9  }
0x402: {  	[tilespmem:s23+$0x1000] =	vst v7;
	s31 =	sadd.s32 $0x2000, s23;
	v2 =	vadd.f32 v56, v2;
	v62 =	vmul.f32 v8, v8;
	v5 =	vadd.f32 v58, v5  }
0x403: {  	[tilespmem:s31+$0xFFFFF400] =	vst v16;
	v4 =	vadd.f32 v60, v4;
	v3 =	vadd.f32 v61, v3;
	v63 =	vmul.f32 v1, v1  }
0x404: {  	[tilespmem:s31+$0x400] =	vst v13;
	v2 =	vadd.f32 v57, v2;
	v5 =	vadd.f32 v59, v5  }
0x405: {  	s21 =	sadd.s32 $0x1, s21;
	[tilespmem:s31+$0x800] =	vst v14;
	v4 =	vadd.f32 v62, v4;
	v3 =	vadd.f32 v63, v3  }
0x406: {  	p0 =	sne.s32 s21, $0x8;
	[tilespmem:s31+$0xFFFFF800] =	vst v52  }
.Ltmp22:
0x407: {  	[tilespmem:s31+$0xFFFFFC00] =	vst v53;
	v2 =	vadd.f32 v5, v2;
	v3 =	vadd.f32 v3, v4;
	(pc) =	sbr.rel @p0 .LBB2_45-.Ltmp22, $4  }
0x408: {  	[tilespmem:s31+$0x0] =	vst v9  }
0x409: {  	[tilespmem:s31+$0xC00] =	vst v8;
	v2 =	vadd.f32 v3, v2  }
0x40a: {  	[tilespmem:s31+$0x1000] =	vst v1  }
0x40b: {  	s20 =	sadd.s32 $0x10, s20;
	[tilespmem:s22+$0x1C400] =	vst v2  }
0x40c: {  	s19 =	simm.s32 $0x1C410  }
0x40d: {  	v1 =	vld [tilespmem:s19+$0x0]  }
0x40e: {  	v3 =	vld [tilespmem:s19+$0xFFFFFFF0];
	_ =	sdelay $0x3  }
0x40f: {  	v2 =	vadd.f32 $1.000000000e+00, v1  }
0x410: {  	s30 =	simm.s32 $0x1C430;
	v1 =	vadd.f32 $1.000000000e+00, v3  }
0x411: {  	v4 =	vld [tilespmem:s30+$0x0];
	v3 =	vshra.s32 v2, $0x1;
	v10 =	vmul.f32 $5.000000000e-01, v2  }
0x412: {  	v5 =	vsub.s32 $0x5F3759DF, v3;
	v3 =	vshra.s32 v1, $0x1  }
0x413: {  	v7 =	vld [tilespmem:s30+$0xFFFFFFF0];
	v12 =	vmul.f32 $5.000000000e-01, v1;
	v6 =	vsub.s32 $0x5F3759DF, v3;
	v3 =	vmul.f32 v5, v10;
	_ =	sdelay $0x1  }
0x414: {  	v8 =	vmul.f32 v6, v12;
	v3 =	vmul.f32 v5, v3  }
0x415: {  	v4 =	vadd.f32 $1.000000000e+00, v4  }
0x416: {  	v8 =	vmul.f32 v6, v8;
	v9 =	vsub.f32 $1.500000000e+00, v3  }
0x417: {  	v3 =	vadd.f32 $1.000000000e+00, v7;
	v7 =	vshra.s32 v4, $0x1  }
0x418: {  	v11 =	vsub.f32 $1.500000000e+00, v8;
	v8 =	vmul.f32 $5.000000000e-01, v4;
	v5 =	vmul.f32 v5, v9  }
0x419: {  	v9 =	vsub.s32 $0x5F3759DF, v7;
	v13 =	vshra.s32 v3, $0x1;
	v7 =	vmul.f32 $5.000000000e-01, v3  }
0x41a: {  	v11 =	vmul.f32 v6, v11;
	v14 =	vsub.s32 $0x5F3759DF, v13;
	v6 =	vmul.f32 v9, v8  }
0x41b: {  	s31 =	simm.s32 $0x1C450;
	v13 =	vmul.f32 v5, v10;
	v15 =	vmul.f32 v14, v7  }
0x41c: {  	v17 =	vld [tilespmem:s31+$0x0];
	v16 =	vmul.f32 v11, v12;
	v6 =	vmul.f32 v9, v6  }
0x41d: {  	v18 =	vld [tilespmem:s31+$0xFFFFFFF0];
	v13 =	vmul.f32 v13, v5;
	v15 =	vmul.f32 v14, v15  }
0x41e: {  	v16 =	vmul.f32 v16, v11;
	v6 =	vsub.f32 $1.500000000e+00, v6  }
0x41f: {  	v19 =	vsub.f32 $1.500000000e+00, v13;
	v15 =	vsub.f32 $1.500000000e+00, v15  }
0x420: {  	v16 =	vsub.f32 $1.500000000e+00, v16;
	v13 =	vmul.f32 v9, v6  }
0x421: {  	v6 =	vadd.f32 $1.000000000e+00, v17;
	v9 =	vmul.f32 v19, v5;
	v14 =	vmul.f32 v14, v15  }
0x422: {  	v5 =	vadd.f32 $1.000000000e+00, v18;
	v17 =	vmul.f32 v13, v8;
	v11 =	vmul.f32 v16, v11  }
0x423: {  	v15 =	vshra.s32 v6, $0x1;
	v16 =	vmul.f32 v14, v7;
	v18 =	vmul.f32 v9, v10  }
0x424: {  	v15 =	vsub.s32 $0x5F3759DF, v15;
	v10 =	vmul.f32 $5.000000000e-01, v6;
	v19 =	vmul.f32 v11, v12  }
0x425: {  	v20 =	vshra.s32 v5, $0x1;
	v12 =	vmul.f32 $5.000000000e-01, v5;
	v23 =	vmul.f32 v17, v13  }
0x426: {  	s21 =	simm.s32 $0x4;
	v17 =	vsub.s32 $0x5F3759DF, v20;
	v22 =	vmul.f32 v15, v10;
	v18 =	vmul.f32 v18, v9  }
0x427: {  	s22 =	simm.s32 $0x1C470;
	s20 =	simm.s32 $0xC390;
	s19 =	simm.s32 $0xC390;
	v21 =	vmul.f32 v17, v12;
	v20 =	vsub.f32 $1.500000000e+00, v23;
	v19 =	vmul.f32 v19, v11  }
.LBB2_49:
0x428: {  	v23 =	vld [tilespmem:s22+$0x0];
	s21 =	sadd.s32 $0x2, s21;
	v22 =	vmul.f32 v15, v22;
	v16 =	vmul.f32 v16, v14;
	v18 =	vsub.f32 $1.500000000e+00, v18;
	s19 =	sadd.s32 $0x20, s19  }
0x429: {  	v24 =	vld [tilespmem:s22+$0xFFFFFFF0];
	p0 =	slt.u32 s21, $0x6;
	v21 =	vmul.f32 v17, v21;
	v19 =	vsub.f32 $1.500000000e+00, v19  }
0x42a: {  	v22 =	vsub.f32 $1.500000000e+00, v22;
	v18 =	vmul.f32 v18, v9;
	v9 =	vmul.f32 v20, v13  }
0x42b: {  	v16 =	vsub.f32 $1.500000000e+00, v16;
	v20 =	vsub.f32 $1.500000000e+00, v21;
	v11 =	vmul.f32 v19, v11  }
0x42c: {  	v13 =	vmul.f32 v15, v22;
	v15 =	vmul.f32 v18, v2;
	v2 =	vmovc v4;
	v4 =	vmov v6  }
0x42d: {  	v6 =	vadd.f32 $1.000000000e+00, v23;
	v17 =	vmul.f32 v17, v20;
	v18 =	vmul.f32 v11, v1;
	v1 =	vmovc v3;
	v3 =	vmovc v5  }
0x42e: {  	v11 =	vmul.f32 v16, v14;
	v5 =	vadd.f32 $1.000000000e+00, v24;
	v19 =	vmul.f32 v13, v10;
	[tilespmem:s20+$0x0] =	vst v15  }
.Ltmp23:
0x42f: {  	v20 =	vmul.f32 v9, v8;
	v15 =	vshra.s32 v6, $0x1;
	v16 =	vmul.f32 v17, v12;
	[tilespmem:s20+$0xFFFFFFF0] =	vst v18;
	v14 =	vmovc v17;
	s20 =	smov.u32 s19;
	(pc) =	sbr.rel @p0 .LBB2_49-.Ltmp23, $4  }
0x430: {  	v8 =	vmovc v10;
	v23 =	vmul.f32 v11, v7;
	v10 =	vmul.f32 $5.000000000e-01, v6;
	v7 =	vmovc v12;
	v15 =	vsub.s32 $0x5F3759DF, v15  }
0x431: {  	v17 =	vshra.s32 v5, $0x1;
	v12 =	vmul.f32 $5.000000000e-01, v5;
	v19 =	vmul.f32 v19, v13  }
0x432: {  	v18 =	vmul.f32 v20, v9;
	v17 =	vsub.s32 $0x5F3759DF, v17;
	v22 =	vmul.f32 v15, v10  }
0x433: {  	s22 =	sadd.s32 $0x20, s22;
	v21 =	vmul.f32 v17, v12;
	v20 =	vsub.f32 $1.500000000e+00, v19;
	v19 =	vmul.f32 v23, v11  }
0x434: {  	v22 =	vmul.f32 v15, v22  }
0x435: {  	v21 =	vmul.f32 v17, v21  }
0x436: {  	v22 =	vsub.f32 $1.500000000e+00, v22  }
0x437: {  	v21 =	vsub.f32 $1.500000000e+00, v21  }
0x438: {  	v50 =	vmul.f32 v15, v22  }
0x439: {  	v51 =	vmul.f32 v17, v21  }
0x43a: {  	v52 =	vmul.f32 v50, v10  }
0x43b: {  	v16 =	vmul.f32 v16, v14;
	v53 =	vmul.f32 v51, v12  }
0x43c: {  	v21 =	vmul.f32 v52, v50  }
0x43d: {  	v16 =	vsub.f32 $1.500000000e+00, v16;
	v22 =	vmul.f32 v53, v51  }
0x43e: {  	v13 =	vmul.f32 v20, v13;
	v54 =	vsub.f32 $1.500000000e+00, v21  }
0x43f: {  	v55 =	vmul.f32 v16, v14;
	v56 =	vsub.f32 $1.500000000e+00, v22  }
0x440: {  	v8 =	vmul.f32 v13, v8;
	v15 =	vmul.f32 v54, v50  }
0x441: {  	v7 =	vmul.f32 v55, v7;
	v16 =	vmul.f32 v56, v51  }
0x442: {  	v57 =	vsub.f32 $1.500000000e+00, v18;
	v8 =	vmul.f32 v8, v13;
	v58 =	vmul.f32 v15, v10  }
0x443: {  	v59 =	vsub.f32 $1.500000000e+00, v19;
	v7 =	vmul.f32 v7, v55;
	v60 =	vmul.f32 v16, v12  }
0x444: {  	v9 =	vmul.f32 v57, v9;
	v8 =	vsub.f32 $1.500000000e+00, v8;
	v10 =	vmul.f32 v58, v15  }
0x445: {  	v11 =	vmul.f32 v59, v11;
	v7 =	vsub.f32 $1.500000000e+00, v7;
	v12 =	vmul.f32 v60, v16  }
0x446: {  	v2 =	vmul.f32 v9, v2;
	v8 =	vmul.f32 v8, v13;
	v61 =	vsub.f32 $1.500000000e+00, v10  }
0x447: {  	v1 =	vmul.f32 v11, v1;
	v7 =	vmul.f32 v7, v55;
	v62 =	vsub.f32 $1.500000000e+00, v12  }
0x448: {  	s31 =	sshll.u32 s18, $0xC;
	s18 =	sadd.s32 $0x1, s18;
	[tilespmem:s20+$0x0] =	vst v2;
	v2 =	vmul.f32 v8, v4;
	v63 =	vmul.f32 v61, v15  }
0x449: {  	s19 =	sadd.s32 $0x20, s19;
	p0 =	sne.s32 s18, $0x19;
	[tilespmem:s20+$0xFFFFFFF0] =	vst v1;
	v1 =	vmul.f32 v7, v3;
	v3 =	vmul.f32 v62, v16  }
.Ltmp24:
0x44a: {  	[tilespmem:s19+$0x0] =	vst v2;
	v2 =	vmul.f32 v63, v6;
	(pc) =	sbr.rel @p0 .LBB2_2-.Ltmp24, $4  }
0x44b: {  	s30 =	sadd.s32 $0x20, s19;
	[tilespmem:s19+$0xFFFFFFF0] =	vst v1;
	v1 =	vmul.f32 v3, v5  }
0x44c: {  	[tilespmem:s30+$0x0] =	vst v2  }
0x44d: {  	s19 =	sadd.s32 s31, s6;
	[tilespmem:s30+$0xFFFFFFF0] =	vst v1  }
0x44e: {  	[hbm4b:s19+s13] =	stream.strided.scatter [tilespmem:s15], [sflag:$0x2], $0x10400, s14, s13, $0x38;
	[tilespmem:$0x1C480] =	vst v63  }
0x44f: {  	s17 =	sadd.s32 $0x1, s17  }
0x450: {  	p0 =	sne.s32 s17, s7  }
.Ltmp25:
0x451: {  	_ = 	snop;
	(pc) =	sbr.rel @p0 .LBB2_1-.Ltmp25, $4  }
0x452: {  	_ = 	snop  }
0x453: {  	_ =	swait.ge [sflag:s16], $0x10400  }
0x454: {  	[sflag:s16] =	ssyncset.done $0x0  }
0x455: {  	[sflag:s16] =	ssyncadd.s32 $0xFFFEFC00  }
0x456: {  	_ =	sfence.sel $0x180000  }
0x457: {  	[bflag:$0x0] =	sbarrier.arrive $0xFFFF  }
0x458: {  	p0 =	sne.s32 s1, $0x0;
	_ =	strace $0x90000047  }
0x459: {  	s0 =	sadd.s32 @!p0 $0x100000, s0;
	[bflag:$0x2] =	sbarrier.arrive $0xFFFF  }
0x45a: {  	[sflag:s0] =	ssyncadd.tile.s32 @!p0 $0x1;
	_ =	shalt  }
.Lfunc_end2:
_tile_overlayer_lowered:
.L_overlay_start_2:
0x45b: {  	(tag) =	ssettag $0x2  }
0x45c: {  	s0 =	rddreg [dreg:$0x0];
	s2 =	stileid.u32  }
0x45d: {  	s1 =	rddreg [dreg:$0x1];
	p0 =	sne.s32 s2, $0x0  }
0x45e: {  	s3 =	rddreg [dreg:$0x2];
	[bflag:$0x3] =	sbarrier.arrive $0xFFFF;
	s2 =	simm.s32 @!p0 $0x1C03  }
0x45f: {  	[timem:s3], [sflag:s2] =	dma.local @!p0 [hbm:s0], s1  }
0x460: {  	s0 =	simm.s32 @!p0 $0x3  }
0x461: {  	_ =	swait.ge @!p0 [sflag:s0], s1  }
0x462: {  	s1 =	ssub.s32 @!p0 $0x0, s1;
	[sflag:s0] =	ssyncset.done @!p0 $0x0  }
0x463: {  	[sflag:s0] =	ssyncadd.s32 @!p0 s1  }
0x464: {  	[bflag:$0x3] =	sbarrier.arrive $0xFFFF  }
0x465: {  	_ =	shalt  }

</sc_bundles>
